<compile_context>
chip_gen: v7x
topology: tpu7x:2x2x1
jax: 0.10.2.dev20260603
libtpu: 0.0.44.dev20260713+nightly
codegen_flags: <defaults>
</compile_context>

<pallas_src>
import functools

import jax
import jax.numpy as jnp
from jax import lax
from jax.experimental import pallas as pl
from jax.experimental.pallas import tpu as pltpu
from jax.experimental.pallas import tpu_sc as plsc

N = 100000
E = 3200000
G = 128
F = 16

NC = 2
NS = 16
NW = NC * NS

NPAD = 100096
RPT = NPAD // NS
EPW = E // NW

CH = 2000
NIT = EPW // CH
CH2 = 400
NIT2 = EPW // CH2
SR2 = RPT // 16

f32 = jnp.float32

_SC_PARAMS = pltpu.CompilerParams(use_tc_tiling_on_sc=False)


def _mesh():
    return plsc.VectorSubcoreMesh(core_axis_name="c", subcore_axis_name="s")



@functools.partial(
    pl.kernel,
    out_type=jax.ShapeDtypeStruct((NC * NPAD,), f32),
    mesh=_mesh(),
    compiler_params=_SC_PARAMS,
    scratch_types=[
        pltpu.VMEM((CH,), jnp.int32),
        pltpu.VMEM((CH,), jnp.int32),
        pltpu.VMEM((CH,), f32),
        pltpu.VMEM((RPT,), f32),
        pltpu.VMEM_SHARED((NPAD,), f32),
        pltpu.SemaphoreType.DMA,
    ],
)
def _deg_sc(ei, zrow, ones_h, out, idx_a, idx_b, ones_v, stage_v, acc, sem_i):
    c = lax.axis_index("c")
    s = lax.axis_index("s")
    wid = s * NC + c
    r0 = s * RPT
    pltpu.sync_copy(zrow.at[pl.ds(r0, RPT)], stage_v)
    pltpu.sync_copy(stage_v, acc.at[pl.ds(r0, RPT)])
    pltpu.sync_copy(ones_h, ones_v)
    plsc.subcore_barrier()

    def start_idx(i, buf):
        base = wid * EPW + i * CH
        pltpu.async_copy(ei.at[pl.ds(E + base, CH)], buf, sem_i)

    def wait_idx(buf):
        pltpu.make_async_copy(ei.at[pl.ds(0, CH)], buf, sem_i).wait()

    start_idx(0, idx_a)
    start_idx(1, idx_b)

    def step(k, carry):
        i0 = 2 * k
        wait_idx(idx_a)
        pltpu.sync_copy(ones_v, acc.at[idx_a], add=True)
        start_idx(i0 + 2, idx_a)
        wait_idx(idx_b)
        pltpu.sync_copy(ones_v, acc.at[idx_b], add=True)
        start_idx(i0 + 3, idx_b)
        return carry

    lax.fori_loop(0, NIT // 2 - 1, step, 0)
    wait_idx(idx_a)
    pltpu.sync_copy(ones_v, acc.at[idx_a], add=True)
    wait_idx(idx_b)
    pltpu.sync_copy(ones_v, acc.at[idx_b], add=True)
    plsc.subcore_barrier()
    pltpu.sync_copy(acc.at[pl.ds(r0, RPT)], stage_v)
    pltpu.sync_copy(stage_v, out.at[pl.ds(c * NPAD + r0, RPT)])



@functools.partial(
    pl.kernel,
    out_type=jax.ShapeDtypeStruct((NC * NPAD, F), f32),
    mesh=_mesh(),
    compiler_params=_SC_PARAMS,
    scratch_types=[
        pltpu.VMEM((4, CH2), jnp.int32),
        pltpu.VMEM((4, CH2), jnp.int32),
        pltpu.VMEM((CH2, F), f32),
        pltpu.VMEM((CH2, F), f32),
        pltpu.VMEM((SR2, F), f32),
        pltpu.VMEM_SHARED((NPAD, F), f32),
        pltpu.SemaphoreType.DMA,
        pltpu.SemaphoreType.DMA,
        pltpu.SemaphoreType.DMA,
    ],
)
def _mp_sc(ei, table, z16, out, src_r, dst_r,
           rows_a, rows_b, stage_v, acc, sem_i, sem_g, sem_s):
    c = lax.axis_index("c")
    s = lax.axis_index("s")
    wid = s * NC + c
    r0 = s * RPT

    def zstep(j, carry):
        h0 = r0 + j * SR2
        pltpu.sync_copy(z16.at[pl.ds(h0, SR2)], stage_v)
        pltpu.sync_copy(stage_v, acc.at[pl.ds(h0, SR2)])
        return carry

    lax.fori_loop(0, 16, zstep, 0)
    plsc.subcore_barrier()

    rows = (rows_a, rows_b)

    def start_idx(i, b4):
        base = wid * EPW + i * CH2
        pltpu.async_copy(ei.at[pl.ds(base, CH2)], src_r.at[b4], sem_i)
        pltpu.async_copy(ei.at[pl.ds(E + base, CH2)], dst_r.at[b4], sem_i)

    def wait_idx(b4):
        pltpu.make_async_copy(ei.at[pl.ds(0, CH2)], src_r.at[b4], sem_i).wait()
        pltpu.make_async_copy(ei.at[pl.ds(0, CH2)], dst_r.at[b4], sem_i).wait()

    def start_gather(b4, b2):
        pltpu.async_copy(table.at[src_r.at[b4]], rows[b2], sem_g)

    def wait_gather(b4, b2):
        pltpu.make_async_copy(table.at[src_r.at[b4]], rows[b2], sem_g).wait()

    def start_scatter(b4, b2):
        pltpu.async_copy(rows[b2], acc.at[dst_r.at[b4]], sem_s, add=True)

    def wait_scatter(b4, b2):
        pltpu.make_async_copy(rows[b2], acc.at[dst_r.at[b4]], sem_s).wait()

    start_idx(0, 0)
    start_idx(1, 1)
    start_idx(2, 2)
    wait_idx(0)
    start_gather(0, 0)

    def step(k, carry):
        for off in range(4):
            i = 4 * k + off
            b2 = off % 2
            b4 = off
            nb2 = (off + 1) % 2
            nb4 = (off + 1) % 4
            pb4 = (off + 3) % 4

            @pl.when(i < NIT2)
            def _():
                wait_gather(b4, b2)
                start_scatter(b4, b2)

                @pl.when(i >= 1)
                def _():
                    wait_scatter(pb4, nb2)

                @pl.when(i + 1 < NIT2)
                def _():
                    wait_idx(nb4)
                    start_gather(nb4, nb2)

                @pl.when(i + 3 < NIT2)
                def _():
                    start_idx(i + 3, pb4)

        return carry

    lax.fori_loop(0, (NIT2 + 3) // 4, step, 0)
    wait_scatter((NIT2 - 1) % 4, (NIT2 - 1) % 2)
    plsc.subcore_barrier()

    def ostep(j, carry):
        h0 = r0 + j * SR2
        pltpu.sync_copy(acc.at[pl.ds(h0, SR2)], stage_v)
        pltpu.sync_copy(stage_v, out.at[pl.ds(c * NPAD + h0, SR2)])
        return carry

    lax.fori_loop(0, 16, ostep, 0)



BT = 3128
NBT = NPAD // BT


def _prep_tc_body(i0_ref, i1_ref, x4_ref, dinv_ref, xs_ref):
    drow = lax.rsqrt(i0_ref[0] + i1_ref[0] + 1.0)
    dinv = jnp.transpose(drow, (1, 0))
    dinv_ref[...] = dinv
    x4s = x4_ref[...] * dinv
    xs_ref[...] = jnp.pad(x4s, ((0, 0), (0, F - 4)))


_prep_tc = pl.pallas_call(
    _prep_tc_body,
    grid=(NBT,),
    in_specs=[
        pl.BlockSpec((1, 1, BT), lambda i: (i, 0, 0)),
        pl.BlockSpec((1, 1, BT), lambda i: (NBT + i, 0, 0)),
        pl.BlockSpec((BT, 4), lambda i: (i, 0)),
    ],
    out_specs=[
        pl.BlockSpec((BT, 1), lambda i: (i, 0)),
        pl.BlockSpec((BT, F), lambda i: (i, 0)),
    ],
    out_shape=[
        jax.ShapeDtypeStruct((NPAD, 1), f32),
        jax.ShapeDtypeStruct((NPAD, F), f32),
    ],
)


def _mid_tc_body(a0_ref, a1_ref, x4_ref, dinv_ref, w1_ref, b1_ref, p_ref):
    dinv = dinv_ref[...]
    a = a0_ref[...] + a1_ref[...]
    macc = dinv * a[:, :3] + (dinv * dinv) * x4_ref[:, :3]
    h = jnp.dot(macc, w1_ref[...], preferred_element_type=f32,
                precision=lax.Precision.HIGHEST) + b1_ref[...]
    p_ref[...] = dinv * jnp.maximum(h, 0.0)


_mid_tc = pl.pallas_call(
    _mid_tc_body,
    grid=(NBT,),
    in_specs=[
        pl.BlockSpec((BT, F), lambda i: (i, 0)),
        pl.BlockSpec((BT, F), lambda i: (NBT + i, 0)),
        pl.BlockSpec((BT, 4), lambda i: (i, 0)),
        pl.BlockSpec((BT, 1), lambda i: (i, 0)),
        pl.BlockSpec((3, 16), lambda i: (0, 0)),
        pl.BlockSpec((1, 16), lambda i: (0, 0)),
    ],
    out_specs=pl.BlockSpec((BT, F), lambda i: (i, 0)),
    out_shape=jax.ShapeDtypeStruct((NPAD, F), f32),
)


def _fin_tc_body(a0_ref, a1_ref, p_ref, dinv_ref, brow_ref, w2_ref, b2_ref,
                 wl_ref, bl_ref, out_ref, gacc, cacc):
    i = pl.program_id(0)

    @pl.when(i == 0)
    def _():
        gacc[...] = jnp.zeros_like(gacc)
        cacc[...] = jnp.zeros_like(cacc)

    t = dinv_ref[...] * (a0_ref[...] + a1_ref[...] + p_ref[...])
    kk = lax.broadcasted_iota(jnp.int32, (G, BT), 0)
    oh = jnp.where(kk == brow_ref[0], 1.0, 0.0)
    gacc[...] += jnp.dot(oh, t, preferred_element_type=f32,
                         precision=lax.Precision.HIGHEST)
    cacc[...] += jnp.sum(oh, axis=1, keepdims=True)

    @pl.when(i == NBT - 1)
    def _():
        g = gacc[...]
        cnt = cacc[...]
        logits = jnp.dot(
            jnp.dot(g, w2_ref[...], preferred_element_type=f32,
                    precision=lax.Precision.HIGHEST)
            + cnt * b2_ref[...],
            wl_ref[...], preferred_element_type=f32,
            precision=lax.Precision.HIGHEST) + bl_ref[...]
        m = jnp.max(logits, axis=1, keepdims=True)
        z = logits - m
        out_ref[...] = z - jnp.log(jnp.sum(jnp.exp(z), axis=1, keepdims=True))


_fin_tc = pl.pallas_call(
    _fin_tc_body,
    grid=(NBT,),
    in_specs=[
        pl.BlockSpec((BT, F), lambda i: (i, 0)),
        pl.BlockSpec((BT, F), lambda i: (NBT + i, 0)),
        pl.BlockSpec((BT, F), lambda i: (i, 0)),
        pl.BlockSpec((BT, 1), lambda i: (i, 0)),
        pl.BlockSpec((1, 1, BT), lambda i: (i, 0, 0)),
        pl.BlockSpec((16, 16), lambda i: (0, 0)),
        pl.BlockSpec((1, 16), lambda i: (0, 0)),
        pl.BlockSpec((16, 7), lambda i: (0, 0)),
        pl.BlockSpec((1, 7), lambda i: (0, 0)),
    ],
    out_specs=pl.BlockSpec((G, 7), lambda i: (0, 0)),
    out_shape=jax.ShapeDtypeStruct((G, 7), f32),
    scratch_shapes=[
        pltpu.VMEM((G, F), f32),
        pltpu.VMEM((G, 1), f32),
    ],
)



def kernel(x, edge_index, edge_attr, batch, W1, b1, W2, b2, Wlin, blin):
    del edge_attr
    ei = edge_index.reshape(2 * E)

    zrow = jnp.zeros((NPAD,), f32)
    ones_h = jnp.ones((CH,), f32)
    deg_parts = _deg_sc(ei, zrow, ones_h)
    deg2 = deg_parts.reshape(NC * NBT, 1, BT)

    x4 = jnp.zeros((NPAD, 4), f32).at[:N, :3].set(x)
    dinv, xs = _prep_tc(deg2, deg2, x4)

    z16 = jnp.zeros((NPAD, F), f32)
    acc1 = _mp_sc(ei, xs, z16)

    p = _mid_tc(acc1, acc1, x4, dinv, W1, b1.reshape(1, 16))

    acc2 = _mp_sc(ei, p, z16)

    brow = jnp.full((NPAD,), G, jnp.int32).at[:N].set(batch)
    brow = brow.reshape(NBT, 1, BT)
    return _fin_tc(acc2, acc2, p, dinv, brow, W2, b2.reshape(1, 16),
                   Wlin, blin.reshape(1, 7))

# --- scband reference (transcript-rebuilt; emitter-appended) ---
"""Pipeline reference for scband-gnn-3951369912442 (READ-ONLY COPY).

The authoritative reference and input builder live on the scoring server;
editing this copy changes nothing except your own understanding.
"""

import jax, jax.numpy as jnp
import numpy as np

N = 100000
E = 3200000
NUM_GRAPHS = 128


def gcn_conv(x, edge_index, W, b, num_nodes):
    # GCNConv with self-loops and symmetric normalization: D^-1/2 (A+I) D^-1/2 X W + b
    src = edge_index[0]
    dst = edge_index[1]
    loop = jnp.arange(num_nodes, dtype=src.dtype)
    src = jnp.concatenate([src, loop])
    dst = jnp.concatenate([dst, loop])
    deg = jax.ops.segment_sum(jnp.ones_like(src, dtype=x.dtype), dst, num_segments=num_nodes)
    dinv = jnp.where(deg > 0, 1.0 / jnp.sqrt(deg), 0.0)
    norm = dinv[src] * dinv[dst]
    h = x @ W
    msg = norm[:, None] * jnp.take(h, src, axis=0)
    out = jax.ops.segment_sum(msg, dst, num_segments=num_nodes)
    return out + b


def setup_inputs(seed: int = 0):
    key = jax.random.key(seed)
    ks = jax.random.split(key, 9)
    x = jax.random.normal(ks[0], (N, 3), dtype=jnp.float32)
    edge_index = jax.random.randint(ks[1], (2, E), 0, N, dtype=jnp.int32)
    edge_attr = jax.random.normal(ks[2], (E, 4), dtype=jnp.float32)
    batch = jnp.sort(jax.random.randint(ks[3], (N,), 0, NUM_GRAPHS, dtype=jnp.int32))
    W1 = jax.random.normal(ks[4], (3, 16), dtype=jnp.float32) * 0.5
    b1 = jnp.zeros((16,), dtype=jnp.float32)
    W2 = jax.random.normal(ks[5], (16, 16), dtype=jnp.float32) * 0.25
    b2 = jnp.zeros((16,), dtype=jnp.float32)
    Wlin = jax.random.normal(ks[6], (16, 7), dtype=jnp.float32) * 0.25
    blin = jnp.zeros((7,), dtype=jnp.float32)
    return {"x": x, "edge_index": edge_index, "edge_attr": edge_attr, "batch": batch,
            "W1": W1, "b1": b1, "W2": W2, "b2": b2, "Wlin": Wlin, "blin": blin}


def reference(x, edge_index, edge_attr, batch, W1, b1, W2, b2, Wlin, blin):
    h = gcn_conv(x, edge_index, W1, b1, N)
    h = jax.nn.relu(h)
    h = gcn_conv(h, edge_index, W2, b2, N)
    g = jax.ops.segment_sum(h, batch, num_segments=NUM_GRAPHS)  # global_add_pool
    logits = g @ Wlin + blin
    return jax.nn.log_softmax(logits, axis=1)

if __name__ == "__main__":
    import jax
    _d = setup_inputs()
    print(jax.jit(kernel)(*tuple(_d.values())))

</pallas_src>

<mosaic_0001>
#map = affine_map<(d0, d1) -> (0)>
#map1 = affine_map<(d0, d1) -> (0, 0)>
module attributes {stable_mosaic.version = 14 : i64} {
  func.func @_mp_sc(%arg0: i32, %arg1: i32, %arg2: memref<6400000xi32, #tpu.memory_space<hbm>>, %arg3: memref<100096x16xf32, #tpu.memory_space<hbm>>, %arg4: memref<100096x16xf32, #tpu.memory_space<hbm>>, %arg5: memref<200192x16xf32, #tpu.memory_space<hbm>>, %arg6: memref<4x400xi32, #tpu.memory_space<vmem>>, %arg7: memref<4x400xi32, #tpu.memory_space<vmem>>, %arg8: memref<400x16xf32, #tpu.memory_space<vmem>>, %arg9: memref<400x16xf32, #tpu.memory_space<vmem>>, %arg10: memref<391x16xf32, #tpu.memory_space<vmem>>, %arg11: memref<100096x16xf32, #tpu.memory_space<vmem_shared>>, %arg12: memref<!tpu.dma_semaphore, #tpu.memory_space<semaphore_mem>>, %arg13: memref<!tpu.dma_semaphore, #tpu.memory_space<semaphore_mem>>, %arg14: memref<!tpu.dma_semaphore, #tpu.memory_space<semaphore_mem>>) attributes {dimension_semantics = [#tpu.dimension_semantics<core_parallel>, #tpu.dimension_semantics<subcore_parallel>], iteration_bounds = array<i64: 2, 16>, scalar_prefetch = 0 : i64, scratch_operands = 9 : i64, tpu.core_type = #tpu.core_type<sc_vector_subcore>, window_params = [{transform_indices = #map}, {transform_indices = #map1}, {transform_indices = #map1}, {transform_indices = #map1}]} {
    %mul3A = arith.constant 2 : i32
    %mul3A_0 = arith.muli %arg1, %mul3A : i32
    %add3A = arith.addi %mul3A_0, %arg0 : i32
    %mul3A_1 = arith.constant 6256 : i32
    %mul3A_2 = arith.muli %arg1, %mul3A_1 : i32
    %scan3A = arith.constant 0 : i32
    %scan3A_3 = arith.constant 0 : i32
    %scan3A_4 = arith.constant 16 : i32
    %scan3A_5 = arith.addi %scan3A_3, %scan3A_4 : i32
    %scan3A_6 = arith.constant 1 : i32
    scf.for %scan3A_127 = %scan3A_3 to %scan3A_5 step %scan3A_6  : i32 {
      %mul3A_128 = arith.constant 391 : i32
      %mul3A_129 = arith.muli %scan3A_127, %mul3A_128 : i32
      %add3A_130 = arith.addi %mul3A_2, %mul3A_129 : i32
      "tpu.region"() ({
        %run_scoped3A = tpu.sem_alloc : memref<!tpu.dma_semaphore, #tpu.memory_space<semaphore_mem>>
        %dma_start3A_131 = arith.constant 0 : i32
        %dma_start3A_132 = tpu.memref_slice %arg4[%add3A_130, %dma_start3A_131] : memref<100096x16xf32, #tpu.memory_space<hbm>> -> memref<391x16xf32, #tpu.memory_space<hbm>>
        %dma_start3A_133 = arith.constant 0 : i32
        %dma_start3A_134 = tpu.memref_slice %arg4[%add3A_130, %dma_start3A_133] : memref<100096x16xf32, #tpu.memory_space<hbm>> -> memref<391x16xf32, #tpu.memory_space<hbm>>
        tpu.enqueue_dma source(%dma_start3A_134 : memref<391x16xf32, #tpu.memory_space<hbm>>) target(%arg10 : memref<391x16xf32, #tpu.memory_space<vmem>>) target_semaphore(%run_scoped3A : memref<!tpu.dma_semaphore, #tpu.memory_space<semaphore_mem>>)
        %dma_wait3A_135 = arith.constant 0 : i32
        %dma_wait3A_136 = tpu.memref_slice %arg4[%add3A_130, %dma_wait3A_135] : memref<100096x16xf32, #tpu.memory_space<hbm>> -> memref<391x16xf32, #tpu.memory_space<hbm>>
        %dma_wait3A_137 = arith.constant 0 : i32
        %dma_wait3A_138 = tpu.memref_slice %arg4[%add3A_130, %dma_wait3A_137] : memref<100096x16xf32, #tpu.memory_space<hbm>> -> memref<391x16xf32, #tpu.memory_space<hbm>>
        tpu.wait_dma2 semaphore(%run_scoped3A : memref<!tpu.dma_semaphore, #tpu.memory_space<semaphore_mem>>) src(%dma_wait3A_138 : memref<391x16xf32, #tpu.memory_space<hbm>>) dst(%arg10 : memref<391x16xf32, #tpu.memory_space<vmem>>)
        tpu.yield
      }) : () -> ()
      "tpu.region"() ({
        %run_scoped3A = tpu.sem_alloc : memref<!tpu.dma_semaphore, #tpu.memory_space<semaphore_mem>>
        %dma_start3A_131 = arith.constant 0 : i32
        %dma_start3A_132 = tpu.memref_slice %arg11[%add3A_130, %dma_start3A_131] : memref<100096x16xf32, #tpu.memory_space<vmem_shared>> -> memref<391x16xf32, #tpu.memory_space<vmem_shared>>
        %dma_start3A_133 = arith.constant 0 : i32
        %dma_start3A_134 = tpu.memref_slice %arg11[%add3A_130, %dma_start3A_133] : memref<100096x16xf32, #tpu.memory_space<vmem_shared>> -> memref<391x16xf32, #tpu.memory_space<vmem_shared>>
        tpu.enqueue_dma source(%arg10 : memref<391x16xf32, #tpu.memory_space<vmem>>) target(%dma_start3A_134 : memref<391x16xf32, #tpu.memory_space<vmem_shared>>) target_semaphore(%run_scoped3A : memref<!tpu.dma_semaphore, #tpu.memory_space<semaphore_mem>>)
        %dma_wait3A_135 = arith.constant 0 : i32
        %dma_wait3A_136 = tpu.memref_slice %arg11[%add3A_130, %dma_wait3A_135] : memref<100096x16xf32, #tpu.memory_space<vmem_shared>> -> memref<391x16xf32, #tpu.memory_space<vmem_shared>>
        %dma_wait3A_137 = arith.constant 0 : i32
        %dma_wait3A_138 = tpu.memref_slice %arg11[%add3A_130, %dma_wait3A_137] : memref<100096x16xf32, #tpu.memory_space<vmem_shared>> -> memref<391x16xf32, #tpu.memory_space<vmem_shared>>
        tpu.wait_dma2 semaphore(%run_scoped3A : memref<!tpu.dma_semaphore, #tpu.memory_space<semaphore_mem>>) src(%arg10 : memref<391x16xf32, #tpu.memory_space<vmem>>) dst(%dma_wait3A_138 : memref<391x16xf32, #tpu.memory_space<vmem_shared>>)
        tpu.yield
      }) : () -> ()
    }
    %scan3A_7 = arith.constant 16 : i32
    %barrier3A = arith.constant 0 : index
    tpu.barrier barrier_id(%barrier3A)
    %mul3A_8 = arith.constant 100000 : i32
    %mul3A_9 = arith.muli %add3A, %mul3A_8 : i32
    %add3A_10 = arith.constant 0 : i32
    %add3A_11 = arith.addi %mul3A_9, %add3A_10 : i32
    %dma_start3A = arith.constant 0 : i32
    %dma_start3A_12 = arith.constant 0 : i32
    %dma_start3A_13 = tpu.memref_slice %arg6[%dma_start3A, %dma_start3A_12] : memref<4x400xi32, #tpu.memory_space<vmem>> -> memref<1x400xi32, #tpu.memory_space<vmem>>
    %dma_start3A_14 = tpu.memref_squeeze %dma_start3A_13 : memref<1x400xi32, #tpu.memory_space<vmem>> -> memref<400xi32, #tpu.memory_space<vmem>>
    %dma_start3A_15 = tpu.memref_slice %arg2[%add3A_11] : memref<6400000xi32, #tpu.memory_space<hbm>> -> memref<400xi32, #tpu.memory_space<hbm>>
    %dma_start3A_16 = arith.constant 0 : i32
    %dma_start3A_17 = tpu.memref_slice %arg6[%dma_start3A, %dma_start3A_16] : memref<4x400xi32, #tpu.memory_space<vmem>> -> memref<1x400xi32, #tpu.memory_space<vmem>>
    %dma_start3A_18 = tpu.memref_squeeze %dma_start3A_17 : memref<1x400xi32, #tpu.memory_space<vmem>> -> memref<400xi32, #tpu.memory_space<vmem>>
    %dma_start3A_19 = tpu.memref_slice %arg2[%add3A_11] : memref<6400000xi32, #tpu.memory_space<hbm>> -> memref<400xi32, #tpu.memory_space<hbm>>
    tpu.enqueue_dma source(%dma_start3A_19 : memref<400xi32, #tpu.memory_space<hbm>>) target(%dma_start3A_18 : memref<400xi32, #tpu.memory_space<vmem>>) target_semaphore(%arg12 : memref<!tpu.dma_semaphore, #tpu.memory_space<semaphore_mem>>)
    %add3A_20 = arith.constant 3200000 : i32
    %add3A_21 = arith.addi %add3A_20, %add3A_11 : i32
    %dma_start3A_22 = arith.constant 0 : i32
    %dma_start3A_23 = arith.constant 0 : i32
    %dma_start3A_24 = tpu.memref_slice %arg7[%dma_start3A_22, %dma_start3A_23] : memref<4x400xi32, #tpu.memory_space<vmem>> -> memref<1x400xi32, #tpu.memory_space<vmem>>
    %dma_start3A_25 = tpu.memref_squeeze %dma_start3A_24 : memref<1x400xi32, #tpu.memory_space<vmem>> -> memref<400xi32, #tpu.memory_space<vmem>>
    %dma_start3A_26 = tpu.memref_slice %arg2[%add3A_21] : memref<6400000xi32, #tpu.memory_space<hbm>> -> memref<400xi32, #tpu.memory_space<hbm>>
    %dma_start3A_27 = arith.constant 0 : i32
    %dma_start3A_28 = tpu.memref_slice %arg7[%dma_start3A_22, %dma_start3A_27] : memref<4x400xi32, #tpu.memory_space<vmem>> -> memref<1x400xi32, #tpu.memory_space<vmem>>
    %dma_start3A_29 = tpu.memref_squeeze %dma_start3A_28 : memref<1x400xi32, #tpu.memory_space<vmem>> -> memref<400xi32, #tpu.memory_space<vmem>>
    %dma_start3A_30 = tpu.memref_slice %arg2[%add3A_21] : memref<6400000xi32, #tpu.memory_space<hbm>> -> memref<400xi32, #tpu.memory_space<hbm>>
    tpu.enqueue_dma source(%dma_start3A_30 : memref<400xi32, #tpu.memory_space<hbm>>) target(%dma_start3A_29 : memref<400xi32, #tpu.memory_space<vmem>>) target_semaphore(%arg12 : memref<!tpu.dma_semaphore, #tpu.memory_space<semaphore_mem>>)
    %mul3A_31 = arith.constant 100000 : i32
    %mul3A_32 = arith.muli %add3A, %mul3A_31 : i32
    %add3A_33 = arith.constant 400 : i32
    %add3A_34 = arith.addi %mul3A_32, %add3A_33 : i32
    %dma_start3A_35 = arith.constant 1 : i32
    %dma_start3A_36 = arith.constant 0 : i32
    %dma_start3A_37 = tpu.memref_slice %arg6[%dma_start3A_35, %dma_start3A_36] : memref<4x400xi32, #tpu.memory_space<vmem>> -> memref<1x400xi32, #tpu.memory_space<vmem>>
    %dma_start3A_38 = tpu.memref_squeeze %dma_start3A_37 : memref<1x400xi32, #tpu.memory_space<vmem>> -> memref<400xi32, #tpu.memory_space<vmem>>
    %dma_start3A_39 = tpu.memref_slice %arg2[%add3A_34] : memref<6400000xi32, #tpu.memory_space<hbm>> -> memref<400xi32, #tpu.memory_space<hbm>>
    %dma_start3A_40 = arith.constant 0 : i32
    %dma_start3A_41 = tpu.memref_slice %arg6[%dma_start3A_35, %dma_start3A_40] : memref<4x400xi32, #tpu.memory_space<vmem>> -> memref<1x400xi32, #tpu.memory_space<vmem>>
    %dma_start3A_42 = tpu.memref_squeeze %dma_start3A_41 : memref<1x400xi32, #tpu.memory_space<vmem>> -> memref<400xi32, #tpu.memory_space<vmem>>
    %dma_start3A_43 = tpu.memref_slice %arg2[%add3A_34] : memref<6400000xi32, #tpu.memory_space<hbm>> -> memref<400xi32, #tpu.memory_space<hbm>>
    tpu.enqueue_dma source(%dma_start3A_43 : memref<400xi32, #tpu.memory_space<hbm>>) target(%dma_start3A_42 : memref<400xi32, #tpu.memory_space<vmem>>) target_semaphore(%arg12 : memref<!tpu.dma_semaphore, #tpu.memory_space<semaphore_mem>>)
    %add3A_44 = arith.constant 3200000 : i32
    %add3A_45 = arith.addi %add3A_44, %add3A_34 : i32
    %dma_start3A_46 = arith.constant 1 : i32
    %dma_start3A_47 = arith.constant 0 : i32
    %dma_start3A_48 = tpu.memref_slice %arg7[%dma_start3A_46, %dma_start3A_47] : memref<4x400xi32, #tpu.memory_space<vmem>> -> memref<1x400xi32, #tpu.memory_space<vmem>>
    %dma_start3A_49 = tpu.memref_squeeze %dma_start3A_48 : memref<1x400xi32, #tpu.memory_space<vmem>> -> memref<400xi32, #tpu.memory_space<vmem>>
    %dma_start3A_50 = tpu.memref_slice %arg2[%add3A_45] : memref<6400000xi32, #tpu.memory_space<hbm>> -> memref<400xi32, #tpu.memory_space<hbm>>
    %dma_start3A_51 = arith.constant 0 : i32
    %dma_start3A_52 = tpu.memref_slice %arg7[%dma_start3A_46, %dma_start3A_51] : memref<4x400xi32, #tpu.memory_space<vmem>> -> memref<1x400xi32, #tpu.memory_space<vmem>>
    %dma_start3A_53 = tpu.memref_squeeze %dma_start3A_52 : memref<1x400xi32, #tpu.memory_space<vmem>> -> memref<400xi32, #tpu.memory_space<vmem>>
    %dma_start3A_54 = tpu.memref_slice %arg2[%add3A_45] : memref<6400000xi32, #tpu.memory_space<hbm>> -> memref<400xi32, #tpu.memory_space<hbm>>
    tpu.enqueue_dma source(%dma_start3A_54 : memref<400xi32, #tpu.memory_space<hbm>>) target(%dma_start3A_53 : memref<400xi32, #tpu.memory_space<vmem>>) target_semaphore(%arg12 : memref<!tpu.dma_semaphore, #tpu.memory_space<semaphore_mem>>)
    %mul3A_55 = arith.constant 100000 : i32
    %mul3A_56 = arith.muli %add3A, %mul3A_55 : i32
    %add3A_57 = arith.constant 800 : i32
    %add3A_58 = arith.addi %mul3A_56, %add3A_57 : i32
    %dma_start3A_59 = arith.constant 2 : i32
    %dma_start3A_60 = arith.constant 0 : i32
    %dma_start3A_61 = tpu.memref_slice %arg6[%dma_start3A_59, %dma_start3A_60] : memref<4x400xi32, #tpu.memory_space<vmem>> -> memref<1x400xi32, #tpu.memory_space<vmem>>
    %dma_start3A_62 = tpu.memref_squeeze %dma_start3A_61 : memref<1x400xi32, #tpu.memory_space<vmem>> -> memref<400xi32, #tpu.memory_space<vmem>>
    %dma_start3A_63 = tpu.memref_slice %arg2[%add3A_58] : memref<6400000xi32, #tpu.memory_space<hbm>> -> memref<400xi32, #tpu.memory_space<hbm>>
    %dma_start3A_64 = arith.constant 0 : i32
    %dma_start3A_65 = tpu.memref_slice %arg6[%dma_start3A_59, %dma_start3A_64] : memref<4x400xi32, #tpu.memory_space<vmem>> -> memref<1x400xi32, #tpu.memory_space<vmem>>
    %dma_start3A_66 = tpu.memref_squeeze %dma_start3A_65 : memref<1x400xi32, #tpu.memory_space<vmem>> -> memref<400xi32, #tpu.memory_space<vmem>>
    %dma_start3A_67 = tpu.memref_slice %arg2[%add3A_58] : memref<6400000xi32, #tpu.memory_space<hbm>> -> memref<400xi32, #tpu.memory_space<hbm>>
    tpu.enqueue_dma source(%dma_start3A_67 : memref<400xi32, #tpu.memory_space<hbm>>) target(%dma_start3A_66 : memref<400xi32, #tpu.memory_space<vmem>>) target_semaphore(%arg12 : memref<!tpu.dma_semaphore, #tpu.memory_space<semaphore_mem>>)
    %add3A_68 = arith.constant 3200000 : i32
    %add3A_69 = arith.addi %add3A_68, %add3A_58 : i32
    %dma_start3A_70 = arith.constant 2 : i32
    %dma_start3A_71 = arith.constant 0 : i32
    %dma_start3A_72 = tpu.memref_slice %arg7[%dma_start3A_70, %dma_start3A_71] : memref<4x400xi32, #tpu.memory_space<vmem>> -> memref<1x400xi32, #tpu.memory_space<vmem>>
    %dma_start3A_73 = tpu.memref_squeeze %dma_start3A_72 : memref<1x400xi32, #tpu.memory_space<vmem>> -> memref<400xi32, #tpu.memory_space<vmem>>
    %dma_start3A_74 = tpu.memref_slice %arg2[%add3A_69] : memref<6400000xi32, #tpu.memory_space<hbm>> -> memref<400xi32, #tpu.memory_space<hbm>>
    %dma_start3A_75 = arith.constant 0 : i32
    %dma_start3A_76 = tpu.memref_slice %arg7[%dma_start3A_70, %dma_start3A_75] : memref<4x400xi32, #tpu.memory_space<vmem>> -> memref<1x400xi32, #tpu.memory_space<vmem>>
    %dma_start3A_77 = tpu.memref_squeeze %dma_start3A_76 : memref<1x400xi32, #tpu.memory_space<vmem>> -> memref<400xi32, #tpu.memory_space<vmem>>
    %dma_start3A_78 = tpu.memref_slice %arg2[%add3A_69] : memref<6400000xi32, #tpu.memory_space<hbm>> -> memref<400xi32, #tpu.memory_space<hbm>>
    tpu.enqueue_dma source(%dma_start3A_78 : memref<400xi32, #tpu.memory_space<hbm>>) target(%dma_start3A_77 : memref<400xi32, #tpu.memory_space<vmem>>) target_semaphore(%arg12 : memref<!tpu.dma_semaphore, #tpu.memory_space<semaphore_mem>>)
    %dma_wait3A = arith.constant 0 : i32
    %dma_wait3A_79 = arith.constant 0 : i32
    %dma_wait3A_80 = tpu.memref_slice %arg6[%dma_wait3A, %dma_wait3A_79] : memref<4x400xi32, #tpu.memory_space<vmem>> -> memref<1x400xi32, #tpu.memory_space<vmem>>
    %dma_wait3A_81 = tpu.memref_squeeze %dma_wait3A_80 : memref<1x400xi32, #tpu.memory_space<vmem>> -> memref<400xi32, #tpu.memory_space<vmem>>
    %dma_wait3A_82 = arith.constant 0 : i32
    %dma_wait3A_83 = tpu.memref_slice %arg2[%dma_wait3A_82] : memref<6400000xi32, #tpu.memory_space<hbm>> -> memref<400xi32, #tpu.memory_space<hbm>>
    %dma_wait3A_84 = arith.constant 0 : i32
    %dma_wait3A_85 = tpu.memref_slice %arg6[%dma_wait3A, %dma_wait3A_84] : memref<4x400xi32, #tpu.memory_space<vmem>> -> memref<1x400xi32, #tpu.memory_space<vmem>>
    %dma_wait3A_86 = tpu.memref_squeeze %dma_wait3A_85 : memref<1x400xi32, #tpu.memory_space<vmem>> -> memref<400xi32, #tpu.memory_space<vmem>>
    %dma_wait3A_87 = arith.constant 0 : i32
    %dma_wait3A_88 = tpu.memref_slice %arg2[%dma_wait3A_87] : memref<6400000xi32, #tpu.memory_space<hbm>> -> memref<400xi32, #tpu.memory_space<hbm>>
    tpu.wait_dma2 semaphore(%arg12 : memref<!tpu.dma_semaphore, #tpu.memory_space<semaphore_mem>>) src(%dma_wait3A_88 : memref<400xi32, #tpu.memory_space<hbm>>) dst(%dma_wait3A_86 : memref<400xi32, #tpu.memory_space<vmem>>)
    %dma_wait3A_89 = arith.constant 0 : i32
    %dma_wait3A_90 = arith.constant 0 : i32
    %dma_wait3A_91 = tpu.memref_slice %arg7[%dma_wait3A_89, %dma_wait3A_90] : memref<4x400xi32, #tpu.memory_space<vmem>> -> memref<1x400xi32, #tpu.memory_space<vmem>>
    %dma_wait3A_92 = tpu.memref_squeeze %dma_wait3A_91 : memref<1x400xi32, #tpu.memory_space<vmem>> -> memref<400xi32, #tpu.memory_space<vmem>>
    %dma_wait3A_93 = arith.constant 0 : i32
    %dma_wait3A_94 = tpu.memref_slice %arg2[%dma_wait3A_93] : memref<6400000xi32, #tpu.memory_space<hbm>> -> memref<400xi32, #tpu.memory_space<hbm>>
    %dma_wait3A_95 = arith.constant 0 : i32
    %dma_wait3A_96 = tpu.memref_slice %arg7[%dma_wait3A_89, %dma_wait3A_95] : memref<4x400xi32, #tpu.memory_space<vmem>> -> memref<1x400xi32, #tpu.memory_space<vmem>>
    %dma_wait3A_97 = tpu.memref_squeeze %dma_wait3A_96 : memref<1x400xi32, #tpu.memory_space<vmem>> -> memref<400xi32, #tpu.memory_space<vmem>>
    %dma_wait3A_98 = arith.constant 0 : i32
    %dma_wait3A_99 = tpu.memref_slice %arg2[%dma_wait3A_98] : memref<6400000xi32, #tpu.memory_space<hbm>> -> memref<400xi32, #tpu.memory_space<hbm>>
    tpu.wait_dma2 semaphore(%arg12 : memref<!tpu.dma_semaphore, #tpu.memory_space<semaphore_mem>>) src(%dma_wait3A_99 : memref<400xi32, #tpu.memory_space<hbm>>) dst(%dma_wait3A_97 : memref<400xi32, #tpu.memory_space<vmem>>)
    %dma_start3A_100 = arith.constant 0 : i32
    %dma_start3A_101 = arith.constant 0 : i32
    %dma_start3A_102 = tpu.memref_slice %arg6[%dma_start3A_100, %dma_start3A_101] : memref<4x400xi32, #tpu.memory_space<vmem>> -> memref<1x400xi32, #tpu.memory_space<vmem>>
    %dma_start3A_103 = tpu.memref_squeeze %dma_start3A_102 : memref<1x400xi32, #tpu.memory_space<vmem>> -> memref<400xi32, #tpu.memory_space<vmem>>
    %dma_start3A_104 = arith.constant 0 : i32
    %dma_start3A_105 = arith.constant 0 : i32
    %dma_start3A_106 = tpu.memref_slice %arg3[%dma_start3A_104, %dma_start3A_105] : memref<100096x16xf32, #tpu.memory_space<hbm>> -> memref<100096x16xf32, #tpu.memory_space<hbm>>
    tpu.enqueue_indirect_dma source(%dma_start3A_106 : memref<100096x16xf32, #tpu.memory_space<hbm>>) target(%arg8 : memref<400x16xf32, #tpu.memory_space<vmem>>) offsets(%dma_start3A_103 : memref<400xi32, #tpu.memory_space<vmem>>) semaphore(%arg13 : memref<!tpu.dma_semaphore, #tpu.memory_space<semaphore_mem>>)
    %scan3A_107 = arith.constant 0 : i32
    %scan3A_108 = arith.constant 0 : i32
    %scan3A_109 = arith.constant 63 : i32
    %scan3A_110 = arith.addi %scan3A_108, %scan3A_109 : i32
    %scan3A_111 = arith.constant 1 : i32
    scf.for %scan3A_127 = %scan3A_108 to %scan3A_110 step %scan3A_111  : i32 {
      %mul3A_128 = arith.constant 4 : i32
      %mul3A_129 = arith.muli %mul3A_128, %scan3A_127 : i32
      %add3A_130 = arith.constant 0 : i32
      %add3A_131 = arith.addi %mul3A_129, %add3A_130 : i32
      %lt3A = arith.constant 250 : i32
      %lt3A_132 = arith.cmpi slt, %add3A_131, %lt3A : i32
      %convert_element_type3A = arith.extui %lt3A_132 : i1 to i32
      %cond3A = arith.constant 0 : i32
      %cond3A_133 = arith.cmpi ne, %convert_element_type3A, %cond3A : i32
      scf.if %cond3A_133 {
        %dma_wait3A_161 = arith.constant 0 : i32
        %dma_wait3A_162 = arith.constant 0 : i32
        %dma_wait3A_163 = tpu.memref_slice %arg6[%dma_wait3A_161, %dma_wait3A_162] : memref<4x400xi32, #tpu.memory_space<vmem>> -> memref<1x400xi32, #tpu.memory_space<vmem>>
        %dma_wait3A_164 = tpu.memref_squeeze %dma_wait3A_163 : memref<1x400xi32, #tpu.memory_space<vmem>> -> memref<400xi32, #tpu.memory_space<vmem>>
        %dma_wait3A_165 = arith.constant 0 : i32
        %dma_wait3A_166 = arith.constant 0 : i32
        %dma_wait3A_167 = tpu.memref_slice %arg3[%dma_wait3A_165, %dma_wait3A_166] : memref<100096x16xf32, #tpu.memory_space<hbm>> -> memref<100096x16xf32, #tpu.memory_space<hbm>>
        tpu.wait_indirect_dma semaphore(%arg13 : memref<!tpu.dma_semaphore, #tpu.memory_space<semaphore_mem>>) src(%dma_wait3A_167 : memref<100096x16xf32, #tpu.memory_space<hbm>>) dst(%arg8 : memref<400x16xf32, #tpu.memory_space<vmem>>)
        %dma_start3A_168 = arith.constant 0 : i32
        %dma_start3A_169 = arith.constant 0 : i32
        %dma_start3A_170 = tpu.memref_slice %arg7[%dma_start3A_168, %dma_start3A_169] : memref<4x400xi32, #tpu.memory_space<vmem>> -> memref<1x400xi32, #tpu.memory_space<vmem>>
        %dma_start3A_171 = tpu.memref_squeeze %dma_start3A_170 : memref<1x400xi32, #tpu.memory_space<vmem>> -> memref<400xi32, #tpu.memory_space<vmem>>
        %dma_start3A_172 = arith.constant 0 : i32
        %dma_start3A_173 = arith.constant 0 : i32
        %dma_start3A_174 = tpu.memref_slice %arg11[%dma_start3A_172, %dma_start3A_173] : memref<100096x16xf32, #tpu.memory_space<vmem_shared>> -> memref<100096x16xf32, #tpu.memory_space<vmem_shared>>
        tpu.enqueue_indirect_dma source(%arg8 : memref<400x16xf32, #tpu.memory_space<vmem>>) target(%dma_start3A_174 : memref<100096x16xf32, #tpu.memory_space<vmem_shared>>) offsets(%dma_start3A_171 : memref<400xi32, #tpu.memory_space<vmem>>) semaphore(%arg14 : memref<!tpu.dma_semaphore, #tpu.memory_space<semaphore_mem>>) {add = true}
        %ge3A = arith.constant 1 : i32
        %ge3A_175 = arith.cmpi sge, %add3A_131, %ge3A : i32
        %convert_element_type3A_176 = arith.extui %ge3A_175 : i1 to i32
        %cond3A_177 = arith.constant 0 : i32
        %cond3A_178 = arith.cmpi ne, %convert_element_type3A_176, %cond3A_177 : i32
        scf.if %cond3A_178 {
          %dma_wait3A_193 = arith.constant 3 : i32
          %dma_wait3A_194 = arith.constant 0 : i32
          %dma_wait3A_195 = tpu.memref_slice %arg7[%dma_wait3A_193, %dma_wait3A_194] : memref<4x400xi32, #tpu.memory_space<vmem>> -> memref<1x400xi32, #tpu.memory_space<vmem>>
          %dma_wait3A_196 = tpu.memref_squeeze %dma_wait3A_195 : memref<1x400xi32, #tpu.memory_space<vmem>> -> memref<400xi32, #tpu.memory_space<vmem>>
          %dma_wait3A_197 = arith.constant 0 : i32
          %dma_wait3A_198 = arith.constant 0 : i32
          %dma_wait3A_199 = tpu.memref_slice %arg11[%dma_wait3A_197, %dma_wait3A_198] : memref<100096x16xf32, #tpu.memory_space<vmem_shared>> -> memref<100096x16xf32, #tpu.memory_space<vmem_shared>>
          tpu.wait_indirect_dma semaphore(%arg14 : memref<!tpu.dma_semaphore, #tpu.memory_space<semaphore_mem>>) src(%arg9 : memref<400x16xf32, #tpu.memory_space<vmem>>) dst(%dma_wait3A_199 : memref<100096x16xf32, #tpu.memory_space<vmem_shared>>)
        } else {
        }
        %add3A_179 = arith.constant 1 : i32
        %add3A_180 = arith.addi %add3A_131, %add3A_179 : i32
        %lt3A_181 = arith.constant 250 : i32
        %lt3A_182 = arith.cmpi slt, %add3A_180, %lt3A_181 : i32
        %convert_element_type3A_183 = arith.extui %lt3A_182 : i1 to i32
        %cond3A_184 = arith.constant 0 : i32
        %cond3A_185 = arith.cmpi ne, %convert_element_type3A_183, %cond3A_184 : i32
        scf.if %cond3A_185 {
          %dma_wait3A_193 = arith.constant 1 : i32
          %dma_wait3A_194 = arith.constant 0 : i32
          %dma_wait3A_195 = tpu.memref_slice %arg6[%dma_wait3A_193, %dma_wait3A_194] : memref<4x400xi32, #tpu.memory_space<vmem>> -> memref<1x400xi32, #tpu.memory_space<vmem>>
          %dma_wait3A_196 = tpu.memref_squeeze %dma_wait3A_195 : memref<1x400xi32, #tpu.memory_space<vmem>> -> memref<400xi32, #tpu.memory_space<vmem>>
          %dma_wait3A_197 = arith.constant 0 : i32
          %dma_wait3A_198 = tpu.memref_slice %arg2[%dma_wait3A_197] : memref<6400000xi32, #tpu.memory_space<hbm>> -> memref<400xi32, #tpu.memory_space<hbm>>
          %dma_wait3A_199 = arith.constant 0 : i32
          %dma_wait3A_200 = tpu.memref_slice %arg6[%dma_wait3A_193, %dma_wait3A_199] : memref<4x400xi32, #tpu.memory_space<vmem>> -> memref<1x400xi32, #tpu.memory_space<vmem>>
          %dma_wait3A_201 = tpu.memref_squeeze %dma_wait3A_200 : memref<1x400xi32, #tpu.memory_space<vmem>> -> memref<400xi32, #tpu.memory_space<vmem>>
          %dma_wait3A_202 = arith.constant 0 : i32
          %dma_wait3A_203 = tpu.memref_slice %arg2[%dma_wait3A_202] : memref<6400000xi32, #tpu.memory_space<hbm>> -> memref<400xi32, #tpu.memory_space<hbm>>
          tpu.wait_dma2 semaphore(%arg12 : memref<!tpu.dma_semaphore, #tpu.memory_space<semaphore_mem>>) src(%dma_wait3A_203 : memref<400xi32, #tpu.memory_space<hbm>>) dst(%dma_wait3A_201 : memref<400xi32, #tpu.memory_space<vmem>>)
          %dma_wait3A_204 = arith.constant 1 : i32
          %dma_wait3A_205 = arith.constant 0 : i32
          %dma_wait3A_206 = tpu.memref_slice %arg7[%dma_wait3A_204, %dma_wait3A_205] : memref<4x400xi32, #tpu.memory_space<vmem>> -> memref<1x400xi32, #tpu.memory_space<vmem>>
          %dma_wait3A_207 = tpu.memref_squeeze %dma_wait3A_206 : memref<1x400xi32, #tpu.memory_space<vmem>> -> memref<400xi32, #tpu.memory_space<vmem>>
          %dma_wait3A_208 = arith.constant 0 : i32
          %dma_wait3A_209 = tpu.memref_slice %arg2[%dma_wait3A_208] : memref<6400000xi32, #tpu.memory_space<hbm>> -> memref<400xi32, #tpu.memory_space<hbm>>
          %dma_wait3A_210 = arith.constant 0 : i32
          %dma_wait3A_211 = tpu.memref_slice %arg7[%dma_wait3A_204, %dma_wait3A_210] : memref<4x400xi32, #tpu.memory_space<vmem>> -> memref<1x400xi32, #tpu.memory_space<vmem>>
          %dma_wait3A_212 = tpu.memref_squeeze %dma_wait3A_211 : memref<1x400xi32, #tpu.memory_space<vmem>> -> memref<400xi32, #tpu.memory_space<vmem>>
          %dma_wait3A_213 = arith.constant 0 : i32
          %dma_wait3A_214 = tpu.memref_slice %arg2[%dma_wait3A_213] : memref<6400000xi32, #tpu.memory_space<hbm>> -> memref<400xi32, #tpu.memory_space<hbm>>
          tpu.wait_dma2 semaphore(%arg12 : memref<!tpu.dma_semaphore, #tpu.memory_space<semaphore_mem>>) src(%dma_wait3A_214 : memref<400xi32, #tpu.memory_space<hbm>>) dst(%dma_wait3A_212 : memref<400xi32, #tpu.memory_space<vmem>>)
          %dma_start3A_215 = arith.constant 1 : i32
          %dma_start3A_216 = arith.constant 0 : i32
          %dma_start3A_217 = tpu.memref_slice %arg6[%dma_start3A_215, %dma_start3A_216] : memref<4x400xi32, #tpu.memory_space<vmem>> -> memref<1x400xi32, #tpu.memory_space<vmem>>
          %dma_start3A_218 = tpu.memref_squeeze %dma_start3A_217 : memref<1x400xi32, #tpu.memory_space<vmem>> -> memref<400xi32, #tpu.memory_space<vmem>>
          %dma_start3A_219 = arith.constant 0 : i32
          %dma_start3A_220 = arith.constant 0 : i32
          %dma_start3A_221 = tpu.memref_slice %arg3[%dma_start3A_219, %dma_start3A_220] : memref<100096x16xf32, #tpu.memory_space<hbm>> -> memref<100096x16xf32, #tpu.memory_space<hbm>>
          tpu.enqueue_indirect_dma source(%dma_start3A_221 : memref<100096x16xf32, #tpu.memory_space<hbm>>) target(%arg9 : memref<400x16xf32, #tpu.memory_space<vmem>>) offsets(%dma_start3A_218 : memref<400xi32, #tpu.memory_space<vmem>>) semaphore(%arg13 : memref<!tpu.dma_semaphore, #tpu.memory_space<semaphore_mem>>)
        } else {
        }
        %add3A_186 = arith.constant 3 : i32
        %add3A_187 = arith.addi %add3A_131, %add3A_186 : i32
        %lt3A_188 = arith.constant 250 : i32
        %lt3A_189 = arith.cmpi slt, %add3A_187, %lt3A_188 : i32
        %convert_element_type3A_190 = arith.extui %lt3A_189 : i1 to i32
        %cond3A_191 = arith.constant 0 : i32
        %cond3A_192 = arith.cmpi ne, %convert_element_type3A_190, %cond3A_191 : i32
        scf.if %cond3A_192 {
          %add3A_193 = arith.constant 3 : i32
          %add3A_194 = arith.addi %add3A_131, %add3A_193 : i32
          %mul3A_195 = arith.constant 100000 : i32
          %mul3A_196 = arith.muli %add3A, %mul3A_195 : i32
          %mul3A_197 = arith.constant 400 : i32
          %mul3A_198 = arith.muli %add3A_194, %mul3A_197 : i32
          %add3A_199 = arith.addi %mul3A_196, %mul3A_198 : i32
          %dma_start3A_200 = arith.constant 3 : i32
          %dma_start3A_201 = arith.constant 0 : i32
          %dma_start3A_202 = tpu.memref_slice %arg6[%dma_start3A_200, %dma_start3A_201] : memref<4x400xi32, #tpu.memory_space<vmem>> -> memref<1x400xi32, #tpu.memory_space<vmem>>
          %dma_start3A_203 = tpu.memref_squeeze %dma_start3A_202 : memref<1x400xi32, #tpu.memory_space<vmem>> -> memref<400xi32, #tpu.memory_space<vmem>>
          %dma_start3A_204 = tpu.memref_slice %arg2[%add3A_199] : memref<6400000xi32, #tpu.memory_space<hbm>> -> memref<400xi32, #tpu.memory_space<hbm>>
          %dma_start3A_205 = arith.constant 0 : i32
          %dma_start3A_206 = tpu.memref_slice %arg6[%dma_start3A_200, %dma_start3A_205] : memref<4x400xi32, #tpu.memory_space<vmem>> -> memref<1x400xi32, #tpu.memory_space<vmem>>
          %dma_start3A_207 = tpu.memref_squeeze %dma_start3A_206 : memref<1x400xi32, #tpu.memory_space<vmem>> -> memref<400xi32, #tpu.memory_space<vmem>>
          %dma_start3A_208 = tpu.memref_slice %arg2[%add3A_199] : memref<6400000xi32, #tpu.memory_space<hbm>> -> memref<400xi32, #tpu.memory_space<hbm>>
          tpu.enqueue_dma source(%dma_start3A_208 : memref<400xi32, #tpu.memory_space<hbm>>) target(%dma_start3A_207 : memref<400xi32, #tpu.memory_space<vmem>>) target_semaphore(%arg12 : memref<!tpu.dma_semaphore, #tpu.memory_space<semaphore_mem>>)
          %add3A_209 = arith.constant 3200000 : i32
          %add3A_210 = arith.addi %add3A_209, %add3A_199 : i32
          %dma_start3A_211 = arith.constant 3 : i32
          %dma_start3A_212 = arith.constant 0 : i32
          %dma_start3A_213 = tpu.memref_slice %arg7[%dma_start3A_211, %dma_start3A_212] : memref<4x400xi32, #tpu.memory_space<vmem>> -> memref<1x400xi32, #tpu.memory_space<vmem>>
          %dma_start3A_214 = tpu.memref_squeeze %dma_start3A_213 : memref<1x400xi32, #tpu.memory_space<vmem>> -> memref<400xi32, #tpu.memory_space<vmem>>
          %dma_start3A_215 = tpu.memref_slice %arg2[%add3A_210] : memref<6400000xi32, #tpu.memory_space<hbm>> -> memref<400xi32, #tpu.memory_space<hbm>>
          %dma_start3A_216 = arith.constant 0 : i32
          %dma_start3A_217 = tpu.memref_slice %arg7[%dma_start3A_211, %dma_start3A_216] : memref<4x400xi32, #tpu.memory_space<vmem>> -> memref<1x400xi32, #tpu.memory_space<vmem>>
          %dma_start3A_218 = tpu.memref_squeeze %dma_start3A_217 : memref<1x400xi32, #tpu.memory_space<vmem>> -> memref<400xi32, #tpu.memory_space<vmem>>
          %dma_start3A_219 = tpu.memref_slice %arg2[%add3A_210] : memref<6400000xi32, #tpu.memory_space<hbm>> -> memref<400xi32, #tpu.memory_space<hbm>>
          tpu.enqueue_dma source(%dma_start3A_219 : memref<400xi32, #tpu.memory_space<hbm>>) target(%dma_start3A_218 : memref<400xi32, #tpu.memory_space<vmem>>) target_semaphore(%arg12 : memref<!tpu.dma_semaphore, #tpu.memory_space<semaphore_mem>>)
        } else {
        }
      } else {
      }
      %mul3A_134 = arith.constant 4 : i32
      %mul3A_135 = arith.muli %mul3A_134, %scan3A_127 : i32
      %add3A_136 = arith.constant 1 : i32
      %add3A_137 = arith.addi %mul3A_135, %add3A_136 : i32
      %lt3A_138 = arith.constant 250 : i32
      %lt3A_139 = arith.cmpi slt, %add3A_137, %lt3A_138 : i32
      %convert_element_type3A_140 = arith.extui %lt3A_139 : i1 to i32
      %cond3A_141 = arith.constant 0 : i32
      %cond3A_142 = arith.cmpi ne, %convert_element_type3A_140, %cond3A_141 : i32
      scf.if %cond3A_142 {
        %dma_wait3A_161 = arith.constant 1 : i32
        %dma_wait3A_162 = arith.constant 0 : i32
        %dma_wait3A_163 = tpu.memref_slice %arg6[%dma_wait3A_161, %dma_wait3A_162] : memref<4x400xi32, #tpu.memory_space<vmem>> -> memref<1x400xi32, #tpu.memory_space<vmem>>
        %dma_wait3A_164 = tpu.memref_squeeze %dma_wait3A_163 : memref<1x400xi32, #tpu.memory_space<vmem>> -> memref<400xi32, #tpu.memory_space<vmem>>
        %dma_wait3A_165 = arith.constant 0 : i32
        %dma_wait3A_166 = arith.constant 0 : i32
        %dma_wait3A_167 = tpu.memref_slice %arg3[%dma_wait3A_165, %dma_wait3A_166] : memref<100096x16xf32, #tpu.memory_space<hbm>> -> memref<100096x16xf32, #tpu.memory_space<hbm>>
        tpu.wait_indirect_dma semaphore(%arg13 : memref<!tpu.dma_semaphore, #tpu.memory_space<semaphore_mem>>) src(%dma_wait3A_167 : memref<100096x16xf32, #tpu.memory_space<hbm>>) dst(%arg9 : memref<400x16xf32, #tpu.memory_space<vmem>>)
        %dma_start3A_168 = arith.constant 1 : i32
        %dma_start3A_169 = arith.constant 0 : i32
        %dma_start3A_170 = tpu.memref_slice %arg7[%dma_start3A_168, %dma_start3A_169] : memref<4x400xi32, #tpu.memory_space<vmem>> -> memref<1x400xi32, #tpu.memory_space<vmem>>
        %dma_start3A_171 = tpu.memref_squeeze %dma_start3A_170 : memref<1x400xi32, #tpu.memory_space<vmem>> -> memref<400xi32, #tpu.memory_space<vmem>>
        %dma_start3A_172 = arith.constant 0 : i32
        %dma_start3A_173 = arith.constant 0 : i32
        %dma_start3A_174 = tpu.memref_slice %arg11[%dma_start3A_172, %dma_start3A_173] : memref<100096x16xf32, #tpu.memory_space<vmem_shared>> -> memref<100096x16xf32, #tpu.memory_space<vmem_shared>>
        tpu.enqueue_indirect_dma source(%arg9 : memref<400x16xf32, #tpu.memory_space<vmem>>) target(%dma_start3A_174 : memref<100096x16xf32, #tpu.memory_space<vmem_shared>>) offsets(%dma_start3A_171 : memref<400xi32, #tpu.memory_space<vmem>>) semaphore(%arg14 : memref<!tpu.dma_semaphore, #tpu.memory_space<semaphore_mem>>) {add = true}
        %ge3A = arith.constant 1 : i32
        %ge3A_175 = arith.cmpi sge, %add3A_137, %ge3A : i32
        %convert_element_type3A_176 = arith.extui %ge3A_175 : i1 to i32
        %cond3A_177 = arith.constant 0 : i32
        %cond3A_178 = arith.cmpi ne, %convert_element_type3A_176, %cond3A_177 : i32
        scf.if %cond3A_178 {
          %dma_wait3A_193 = arith.constant 0 : i32
          %dma_wait3A_194 = arith.constant 0 : i32
          %dma_wait3A_195 = tpu.memref_slice %arg7[%dma_wait3A_193, %dma_wait3A_194] : memref<4x400xi32, #tpu.memory_space<vmem>> -> memref<1x400xi32, #tpu.memory_space<vmem>>
          %dma_wait3A_196 = tpu.memref_squeeze %dma_wait3A_195 : memref<1x400xi32, #tpu.memory_space<vmem>> -> memref<400xi32, #tpu.memory_space<vmem>>
          %dma_wait3A_197 = arith.constant 0 : i32
          %dma_wait3A_198 = arith.constant 0 : i32
          %dma_wait3A_199 = tpu.memref_slice %arg11[%dma_wait3A_197, %dma_wait3A_198] : memref<100096x16xf32, #tpu.memory_space<vmem_shared>> -> memref<100096x16xf32, #tpu.memory_space<vmem_shared>>
          tpu.wait_indirect_dma semaphore(%arg14 : memref<!tpu.dma_semaphore, #tpu.memory_space<semaphore_mem>>) src(%arg8 : memref<400x16xf32, #tpu.memory_space<vmem>>) dst(%dma_wait3A_199 : memref<100096x16xf32, #tpu.memory_space<vmem_shared>>)
        } else {
        }
        %add3A_179 = arith.constant 1 : i32
        %add3A_180 = arith.addi %add3A_137, %add3A_179 : i32
        %lt3A_181 = arith.constant 250 : i32
        %lt3A_182 = arith.cmpi slt, %add3A_180, %lt3A_181 : i32
        %convert_element_type3A_183 = arith.extui %lt3A_182 : i1 to i32
        %cond3A_184 = arith.constant 0 : i32
        %cond3A_185 = arith.cmpi ne, %convert_element_type3A_183, %cond3A_184 : i32
        scf.if %cond3A_185 {
          %dma_wait3A_193 = arith.constant 2 : i32
          %dma_wait3A_194 = arith.constant 0 : i32
          %dma_wait3A_195 = tpu.memref_slice %arg6[%dma_wait3A_193, %dma_wait3A_194] : memref<4x400xi32, #tpu.memory_space<vmem>> -> memref<1x400xi32, #tpu.memory_space<vmem>>
          %dma_wait3A_196 = tpu.memref_squeeze %dma_wait3A_195 : memref<1x400xi32, #tpu.memory_space<vmem>> -> memref<400xi32, #tpu.memory_space<vmem>>
          %dma_wait3A_197 = arith.constant 0 : i32
          %dma_wait3A_198 = tpu.memref_slice %arg2[%dma_wait3A_197] : memref<6400000xi32, #tpu.memory_space<hbm>> -> memref<400xi32, #tpu.memory_space<hbm>>
          %dma_wait3A_199 = arith.constant 0 : i32
          %dma_wait3A_200 = tpu.memref_slice %arg6[%dma_wait3A_193, %dma_wait3A_199] : memref<4x400xi32, #tpu.memory_space<vmem>> -> memref<1x400xi32, #tpu.memory_space<vmem>>
          %dma_wait3A_201 = tpu.memref_squeeze %dma_wait3A_200 : memref<1x400xi32, #tpu.memory_space<vmem>> -> memref<400xi32, #tpu.memory_space<vmem>>
          %dma_wait3A_202 = arith.constant 0 : i32
          %dma_wait3A_203 = tpu.memref_slice %arg2[%dma_wait3A_202] : memref<6400000xi32, #tpu.memory_space<hbm>> -> memref<400xi32, #tpu.memory_space<hbm>>
          tpu.wait_dma2 semaphore(%arg12 : memref<!tpu.dma_semaphore, #tpu.memory_space<semaphore_mem>>) src(%dma_wait3A_203 : memref<400xi32, #tpu.memory_space<hbm>>) dst(%dma_wait3A_201 : memref<400xi32, #tpu.memory_space<vmem>>)
          %dma_wait3A_204 = arith.constant 2 : i32
          %dma_wait3A_205 = arith.constant 0 : i32
          %dma_wait3A_206 = tpu.memref_slice %arg7[%dma_wait3A_204, %dma_wait3A_205] : memref<4x400xi32, #tpu.memory_space<vmem>> -> memref<1x400xi32, #tpu.memory_space<vmem>>
          %dma_wait3A_207 = tpu.memref_squeeze %dma_wait3A_206 : memref<1x400xi32, #tpu.memory_space<vmem>> -> memref<400xi32, #tpu.memory_space<vmem>>
          %dma_wait3A_208 = arith.constant 0 : i32
          %dma_wait3A_209 = tpu.memref_slice %arg2[%dma_wait3A_208] : memref<6400000xi32, #tpu.memory_space<hbm>> -> memref<400xi32, #tpu.memory_space<hbm>>
          %dma_wait3A_210 = arith.constant 0 : i32
          %dma_wait3A_211 = tpu.memref_slice %arg7[%dma_wait3A_204, %dma_wait3A_210] : memref<4x400xi32, #tpu.memory_space<vmem>> -> memref<1x400xi32, #tpu.memory_space<vmem>>
          %dma_wait3A_212 = tpu.memref_squeeze %dma_wait3A_211 : memref<1x400xi32, #tpu.memory_space<vmem>> -> memref<400xi32, #tpu.memory_space<vmem>>
          %dma_wait3A_213 = arith.constant 0 : i32
          %dma_wait3A_214 = tpu.memref_slice %arg2[%dma_wait3A_213] : memref<6400000xi32, #tpu.memory_space<hbm>> -> memref<400xi32, #tpu.memory_space<hbm>>
          tpu.wait_dma2 semaphore(%arg12 : memref<!tpu.dma_semaphore, #tpu.memory_space<semaphore_mem>>) src(%dma_wait3A_214 : memref<400xi32, #tpu.memory_space<hbm>>) dst(%dma_wait3A_212 : memref<400xi32, #tpu.memory_space<vmem>>)
          %dma_start3A_215 = arith.constant 2 : i32
          %dma_start3A_216 = arith.constant 0 : i32
          %dma_start3A_217 = tpu.memref_slice %arg6[%dma_start3A_215, %dma_start3A_216] : memref<4x400xi32, #tpu.memory_space<vmem>> -> memref<1x400xi32, #tpu.memory_space<vmem>>
          %dma_start3A_218 = tpu.memref_squeeze %dma_start3A_217 : memref<1x400xi32, #tpu.memory_space<vmem>> -> memref<400xi32, #tpu.memory_space<vmem>>
          %dma_start3A_219 = arith.constant 0 : i32
          %dma_start3A_220 = arith.constant 0 : i32
          %dma_start3A_221 = tpu.memref_slice %arg3[%dma_start3A_219, %dma_start3A_220] : memref<100096x16xf32, #tpu.memory_space<hbm>> -> memref<100096x16xf32, #tpu.memory_space<hbm>>
          tpu.enqueue_indirect_dma source(%dma_start3A_221 : memref<100096x16xf32, #tpu.memory_space<hbm>>) target(%arg8 : memref<400x16xf32, #tpu.memory_space<vmem>>) offsets(%dma_start3A_218 : memref<400xi32, #tpu.memory_space<vmem>>) semaphore(%arg13 : memref<!tpu.dma_semaphore, #tpu.memory_space<semaphore_mem>>)
        } else {
        }
        %add3A_186 = arith.constant 3 : i32
        %add3A_187 = arith.addi %add3A_137, %add3A_186 : i32
        %lt3A_188 = arith.constant 250 : i32
        %lt3A_189 = arith.cmpi slt, %add3A_187, %lt3A_188 : i32
        %convert_element_type3A_190 = arith.extui %lt3A_189 : i1 to i32
        %cond3A_191 = arith.constant 0 : i32
        %cond3A_192 = arith.cmpi ne, %convert_element_type3A_190, %cond3A_191 : i32
        scf.if %cond3A_192 {
          %add3A_193 = arith.constant 3 : i32
          %add3A_194 = arith.addi %add3A_137, %add3A_193 : i32
          %mul3A_195 = arith.constant 100000 : i32
          %mul3A_196 = arith.muli %add3A, %mul3A_195 : i32
          %mul3A_197 = arith.constant 400 : i32
          %mul3A_198 = arith.muli %add3A_194, %mul3A_197 : i32
          %add3A_199 = arith.addi %mul3A_196, %mul3A_198 : i32
          %dma_start3A_200 = arith.constant 0 : i32
          %dma_start3A_201 = arith.constant 0 : i32
          %dma_start3A_202 = tpu.memref_slice %arg6[%dma_start3A_200, %dma_start3A_201] : memref<4x400xi32, #tpu.memory_space<vmem>> -> memref<1x400xi32, #tpu.memory_space<vmem>>
          %dma_start3A_203 = tpu.memref_squeeze %dma_start3A_202 : memref<1x400xi32, #tpu.memory_space<vmem>> -> memref<400xi32, #tpu.memory_space<vmem>>
          %dma_start3A_204 = tpu.memref_slice %arg2[%add3A_199] : memref<6400000xi32, #tpu.memory_space<hbm>> -> memref<400xi32, #tpu.memory_space<hbm>>
          %dma_start3A_205 = arith.constant 0 : i32
          %dma_start3A_206 = tpu.memref_slice %arg6[%dma_start3A_200, %dma_start3A_205] : memref<4x400xi32, #tpu.memory_space<vmem>> -> memref<1x400xi32, #tpu.memory_space<vmem>>
          %dma_start3A_207 = tpu.memref_squeeze %dma_start3A_206 : memref<1x400xi32, #tpu.memory_space<vmem>> -> memref<400xi32, #tpu.memory_space<vmem>>
          %dma_start3A_208 = tpu.memref_slice %arg2[%add3A_199] : memref<6400000xi32, #tpu.memory_space<hbm>> -> memref<400xi32, #tpu.memory_space<hbm>>
          tpu.enqueue_dma source(%dma_start3A_208 : memref<400xi32, #tpu.memory_space<hbm>>) target(%dma_start3A_207 : memref<400xi32, #tpu.memory_space<vmem>>) target_semaphore(%arg12 : memref<!tpu.dma_semaphore, #tpu.memory_space<semaphore_mem>>)
          %add3A_209 = arith.constant 3200000 : i32
          %add3A_210 = arith.addi %add3A_209, %add3A_199 : i32
          %dma_start3A_211 = arith.constant 0 : i32
          %dma_start3A_212 = arith.constant 0 : i32
          %dma_start3A_213 = tpu.memref_slice %arg7[%dma_start3A_211, %dma_start3A_212] : memref<4x400xi32, #tpu.memory_space<vmem>> -> memref<1x400xi32, #tpu.memory_space<vmem>>
          %dma_start3A_214 = tpu.memref_squeeze %dma_start3A_213 : memref<1x400xi32, #tpu.memory_space<vmem>> -> memref<400xi32, #tpu.memory_space<vmem>>
          %dma_start3A_215 = tpu.memref_slice %arg2[%add3A_210] : memref<6400000xi32, #tpu.memory_space<hbm>> -> memref<400xi32, #tpu.memory_space<hbm>>
          %dma_start3A_216 = arith.constant 0 : i32
          %dma_start3A_217 = tpu.memref_slice %arg7[%dma_start3A_211, %dma_start3A_216] : memref<4x400xi32, #tpu.memory_space<vmem>> -> memref<1x400xi32, #tpu.memory_space<vmem>>
          %dma_start3A_218 = tpu.memref_squeeze %dma_start3A_217 : memref<1x400xi32, #tpu.memory_space<vmem>> -> memref<400xi32, #tpu.memory_space<vmem>>
          %dma_start3A_219 = tpu.memref_slice %arg2[%add3A_210] : memref<6400000xi32, #tpu.memory_space<hbm>> -> memref<400xi32, #tpu.memory_space<hbm>>
          tpu.enqueue_dma source(%dma_start3A_219 : memref<400xi32, #tpu.memory_space<hbm>>) target(%dma_start3A_218 : memref<400xi32, #tpu.memory_space<vmem>>) target_semaphore(%arg12 : memref<!tpu.dma_semaphore, #tpu.memory_space<semaphore_mem>>)
        } else {
        }
      } else {
      }
      %mul3A_143 = arith.constant 4 : i32
      %mul3A_144 = arith.muli %mul3A_143, %scan3A_127 : i32
      %add3A_145 = arith.constant 2 : i32
      %add3A_146 = arith.addi %mul3A_144, %add3A_145 : i32
      %lt3A_147 = arith.constant 250 : i32
      %lt3A_148 = arith.cmpi slt, %add3A_146, %lt3A_147 : i32
      %convert_element_type3A_149 = arith.extui %lt3A_148 : i1 to i32
      %cond3A_150 = arith.constant 0 : i32
      %cond3A_151 = arith.cmpi ne, %convert_element_type3A_149, %cond3A_150 : i32
      scf.if %cond3A_151 {
        %dma_wait3A_161 = arith.constant 2 : i32
        %dma_wait3A_162 = arith.constant 0 : i32
        %dma_wait3A_163 = tpu.memref_slice %arg6[%dma_wait3A_161, %dma_wait3A_162] : memref<4x400xi32, #tpu.memory_space<vmem>> -> memref<1x400xi32, #tpu.memory_space<vmem>>
        %dma_wait3A_164 = tpu.memref_squeeze %dma_wait3A_163 : memref<1x400xi32, #tpu.memory_space<vmem>> -> memref<400xi32, #tpu.memory_space<vmem>>
        %dma_wait3A_165 = arith.constant 0 : i32
        %dma_wait3A_166 = arith.constant 0 : i32
        %dma_wait3A_167 = tpu.memref_slice %arg3[%dma_wait3A_165, %dma_wait3A_166] : memref<100096x16xf32, #tpu.memory_space<hbm>> -> memref<100096x16xf32, #tpu.memory_space<hbm>>
        tpu.wait_indirect_dma semaphore(%arg13 : memref<!tpu.dma_semaphore, #tpu.memory_space<semaphore_mem>>) src(%dma_wait3A_167 : memref<100096x16xf32, #tpu.memory_space<hbm>>) dst(%arg8 : memref<400x16xf32, #tpu.memory_space<vmem>>)
        %dma_start3A_168 = arith.constant 2 : i32
        %dma_start3A_169 = arith.constant 0 : i32
        %dma_start3A_170 = tpu.memref_slice %arg7[%dma_start3A_168, %dma_start3A_169] : memref<4x400xi32, #tpu.memory_space<vmem>> -> memref<1x400xi32, #tpu.memory_space<vmem>>
        %dma_start3A_171 = tpu.memref_squeeze %dma_start3A_170 : memref<1x400xi32, #tpu.memory_space<vmem>> -> memref<400xi32, #tpu.memory_space<vmem>>
        %dma_start3A_172 = arith.constant 0 : i32
        %dma_start3A_173 = arith.constant 0 : i32
        %dma_start3A_174 = tpu.memref_slice %arg11[%dma_start3A_172, %dma_start3A_173] : memref<100096x16xf32, #tpu.memory_space<vmem_shared>> -> memref<100096x16xf32, #tpu.memory_space<vmem_shared>>
        tpu.enqueue_indirect_dma source(%arg8 : memref<400x16xf32, #tpu.memory_space<vmem>>) target(%dma_start3A_174 : memref<100096x16xf32, #tpu.memory_space<vmem_shared>>) offsets(%dma_start3A_171 : memref<400xi32, #tpu.memory_space<vmem>>) semaphore(%arg14 : memref<!tpu.dma_semaphore, #tpu.memory_space<semaphore_mem>>) {add = true}
        %ge3A = arith.constant 1 : i32
        %ge3A_175 = arith.cmpi sge, %add3A_146, %ge3A : i32
        %convert_element_type3A_176 = arith.extui %ge3A_175 : i1 to i32
        %cond3A_177 = arith.constant 0 : i32
        %cond3A_178 = arith.cmpi ne, %convert_element_type3A_176, %cond3A_177 : i32
        scf.if %cond3A_178 {
          %dma_wait3A_193 = arith.constant 1 : i32
          %dma_wait3A_194 = arith.constant 0 : i32
          %dma_wait3A_195 = tpu.memref_slice %arg7[%dma_wait3A_193, %dma_wait3A_194] : memref<4x400xi32, #tpu.memory_space<vmem>> -> memref<1x400xi32, #tpu.memory_space<vmem>>
          %dma_wait3A_196 = tpu.memref_squeeze %dma_wait3A_195 : memref<1x400xi32, #tpu.memory_space<vmem>> -> memref<400xi32, #tpu.memory_space<vmem>>
          %dma_wait3A_197 = arith.constant 0 : i32
          %dma_wait3A_198 = arith.constant 0 : i32
          %dma_wait3A_199 = tpu.memref_slice %arg11[%dma_wait3A_197, %dma_wait3A_198] : memref<100096x16xf32, #tpu.memory_space<vmem_shared>> -> memref<100096x16xf32, #tpu.memory_space<vmem_shared>>
          tpu.wait_indirect_dma semaphore(%arg14 : memref<!tpu.dma_semaphore, #tpu.memory_space<semaphore_mem>>) src(%arg9 : memref<400x16xf32, #tpu.memory_space<vmem>>) dst(%dma_wait3A_199 : memref<100096x16xf32, #tpu.memory_space<vmem_shared>>)
        } else {
        }
        %add3A_179 = arith.constant 1 : i32
        %add3A_180 = arith.addi %add3A_146, %add3A_179 : i32
        %lt3A_181 = arith.constant 250 : i32
        %lt3A_182 = arith.cmpi slt, %add3A_180, %lt3A_181 : i32
        %convert_element_type3A_183 = arith.extui %lt3A_182 : i1 to i32
        %cond3A_184 = arith.constant 0 : i32
        %cond3A_185 = arith.cmpi ne, %convert_element_type3A_183, %cond3A_184 : i32
        scf.if %cond3A_185 {
          %dma_wait3A_193 = arith.constant 3 : i32
          %dma_wait3A_194 = arith.constant 0 : i32
          %dma_wait3A_195 = tpu.memref_slice %arg6[%dma_wait3A_193, %dma_wait3A_194] : memref<4x400xi32, #tpu.memory_space<vmem>> -> memref<1x400xi32, #tpu.memory_space<vmem>>
          %dma_wait3A_196 = tpu.memref_squeeze %dma_wait3A_195 : memref<1x400xi32, #tpu.memory_space<vmem>> -> memref<400xi32, #tpu.memory_space<vmem>>
          %dma_wait3A_197 = arith.constant 0 : i32
          %dma_wait3A_198 = tpu.memref_slice %arg2[%dma_wait3A_197] : memref<6400000xi32, #tpu.memory_space<hbm>> -> memref<400xi32, #tpu.memory_space<hbm>>
          %dma_wait3A_199 = arith.constant 0 : i32
          %dma_wait3A_200 = tpu.memref_slice %arg6[%dma_wait3A_193, %dma_wait3A_199] : memref<4x400xi32, #tpu.memory_space<vmem>> -> memref<1x400xi32, #tpu.memory_space<vmem>>
          %dma_wait3A_201 = tpu.memref_squeeze %dma_wait3A_200 : memref<1x400xi32, #tpu.memory_space<vmem>> -> memref<400xi32, #tpu.memory_space<vmem>>
          %dma_wait3A_202 = arith.constant 0 : i32
          %dma_wait3A_203 = tpu.memref_slice %arg2[%dma_wait3A_202] : memref<6400000xi32, #tpu.memory_space<hbm>> -> memref<400xi32, #tpu.memory_space<hbm>>
          tpu.wait_dma2 semaphore(%arg12 : memref<!tpu.dma_semaphore, #tpu.memory_space<semaphore_mem>>) src(%dma_wait3A_203 : memref<400xi32, #tpu.memory_space<hbm>>) dst(%dma_wait3A_201 : memref<400xi32, #tpu.memory_space<vmem>>)
          %dma_wait3A_204 = arith.constant 3 : i32
          %dma_wait3A_205 = arith.constant 0 : i32
          %dma_wait3A_206 = tpu.memref_slice %arg7[%dma_wait3A_204, %dma_wait3A_205] : memref<4x400xi32, #tpu.memory_space<vmem>> -> memref<1x400xi32, #tpu.memory_space<vmem>>
          %dma_wait3A_207 = tpu.memref_squeeze %dma_wait3A_206 : memref<1x400xi32, #tpu.memory_space<vmem>> -> memref<400xi32, #tpu.memory_space<vmem>>
          %dma_wait3A_208 = arith.constant 0 : i32
          %dma_wait3A_209 = tpu.memref_slice %arg2[%dma_wait3A_208] : memref<6400000xi32, #tpu.memory_space<hbm>> -> memref<400xi32, #tpu.memory_space<hbm>>
          %dma_wait3A_210 = arith.constant 0 : i32
          %dma_wait3A_211 = tpu.memref_slice %arg7[%dma_wait3A_204, %dma_wait3A_210] : memref<4x400xi32, #tpu.memory_space<vmem>> -> memref<1x400xi32, #tpu.memory_space<vmem>>
          %dma_wait3A_212 = tpu.memref_squeeze %dma_wait3A_211 : memref<1x400xi32, #tpu.memory_space<vmem>> -> memref<400xi32, #tpu.memory_space<vmem>>
          %dma_wait3A_213 = arith.constant 0 : i32
          %dma_wait3A_214 = tpu.memref_slice %arg2[%dma_wait3A_213] : memref<6400000xi32, #tpu.memory_space<hbm>> -> memref<400xi32, #tpu.memory_space<hbm>>
          tpu.wait_dma2 semaphore(%arg12 : memref<!tpu.dma_semaphore, #tpu.memory_space<semaphore_mem>>) src(%dma_wait3A_214 : memref<400xi32, #tpu.memory_space<hbm>>) dst(%dma_wait3A_212 : memref<400xi32, #tpu.memory_space<vmem>>)
          %dma_start3A_215 = arith.constant 3 : i32
          %dma_start3A_216 = arith.constant 0 : i32
          %dma_start3A_217 = tpu.memref_slice %arg6[%dma_start3A_215, %dma_start3A_216] : memref<4x400xi32, #tpu.memory_space<vmem>> -> memref<1x400xi32, #tpu.memory_space<vmem>>
          %dma_start3A_218 = tpu.memref_squeeze %dma_start3A_217 : memref<1x400xi32, #tpu.memory_space<vmem>> -> memref<400xi32, #tpu.memory_space<vmem>>
          %dma_start3A_219 = arith.constant 0 : i32
          %dma_start3A_220 = arith.constant 0 : i32
          %dma_start3A_221 = tpu.memref_slice %arg3[%dma_start3A_219, %dma_start3A_220] : memref<100096x16xf32, #tpu.memory_space<hbm>> -> memref<100096x16xf32, #tpu.memory_space<hbm>>
          tpu.enqueue_indirect_dma source(%dma_start3A_221 : memref<100096x16xf32, #tpu.memory_space<hbm>>) target(%arg9 : memref<400x16xf32, #tpu.memory_space<vmem>>) offsets(%dma_start3A_218 : memref<400xi32, #tpu.memory_space<vmem>>) semaphore(%arg13 : memref<!tpu.dma_semaphore, #tpu.memory_space<semaphore_mem>>)
        } else {
        }
        %add3A_186 = arith.constant 3 : i32
        %add3A_187 = arith.addi %add3A_146, %add3A_186 : i32
        %lt3A_188 = arith.constant 250 : i32
        %lt3A_189 = arith.cmpi slt, %add3A_187, %lt3A_188 : i32
        %convert_element_type3A_190 = arith.extui %lt3A_189 : i1 to i32
        %cond3A_191 = arith.constant 0 : i32
        %cond3A_192 = arith.cmpi ne, %convert_element_type3A_190, %cond3A_191 : i32
        scf.if %cond3A_192 {
          %add3A_193 = arith.constant 3 : i32
          %add3A_194 = arith.addi %add3A_146, %add3A_193 : i32
          %mul3A_195 = arith.constant 100000 : i32
          %mul3A_196 = arith.muli %add3A, %mul3A_195 : i32
          %mul3A_197 = arith.constant 400 : i32
          %mul3A_198 = arith.muli %add3A_194, %mul3A_197 : i32
          %add3A_199 = arith.addi %mul3A_196, %mul3A_198 : i32
          %dma_start3A_200 = arith.constant 1 : i32
          %dma_start3A_201 = arith.constant 0 : i32
          %dma_start3A_202 = tpu.memref_slice %arg6[%dma_start3A_200, %dma_start3A_201] : memref<4x400xi32, #tpu.memory_space<vmem>> -> memref<1x400xi32, #tpu.memory_space<vmem>>
          %dma_start3A_203 = tpu.memref_squeeze %dma_start3A_202 : memref<1x400xi32, #tpu.memory_space<vmem>> -> memref<400xi32, #tpu.memory_space<vmem>>
          %dma_start3A_204 = tpu.memref_slice %arg2[%add3A_199] : memref<6400000xi32, #tpu.memory_space<hbm>> -> memref<400xi32, #tpu.memory_space<hbm>>
          %dma_start3A_205 = arith.constant 0 : i32
          %dma_start3A_206 = tpu.memref_slice %arg6[%dma_start3A_200, %dma_start3A_205] : memref<4x400xi32, #tpu.memory_space<vmem>> -> memref<1x400xi32, #tpu.memory_space<vmem>>
          %dma_start3A_207 = tpu.memref_squeeze %dma_start3A_206 : memref<1x400xi32, #tpu.memory_space<vmem>> -> memref<400xi32, #tpu.memory_space<vmem>>
          %dma_start3A_208 = tpu.memref_slice %arg2[%add3A_199] : memref<6400000xi32, #tpu.memory_space<hbm>> -> memref<400xi32, #tpu.memory_space<hbm>>
          tpu.enqueue_dma source(%dma_start3A_208 : memref<400xi32, #tpu.memory_space<hbm>>) target(%dma_start3A_207 : memref<400xi32, #tpu.memory_space<vmem>>) target_semaphore(%arg12 : memref<!tpu.dma_semaphore, #tpu.memory_space<semaphore_mem>>)
          %add3A_209 = arith.constant 3200000 : i32
          %add3A_210 = arith.addi %add3A_209, %add3A_199 : i32
          %dma_start3A_211 = arith.constant 1 : i32
          %dma_start3A_212 = arith.constant 0 : i32
          %dma_start3A_213 = tpu.memref_slice %arg7[%dma_start3A_211, %dma_start3A_212] : memref<4x400xi32, #tpu.memory_space<vmem>> -> memref<1x400xi32, #tpu.memory_space<vmem>>
          %dma_start3A_214 = tpu.memref_squeeze %dma_start3A_213 : memref<1x400xi32, #tpu.memory_space<vmem>> -> memref<400xi32, #tpu.memory_space<vmem>>
          %dma_start3A_215 = tpu.memref_slice %arg2[%add3A_210] : memref<6400000xi32, #tpu.memory_space<hbm>> -> memref<400xi32, #tpu.memory_space<hbm>>
          %dma_start3A_216 = arith.constant 0 : i32
          %dma_start3A_217 = tpu.memref_slice %arg7[%dma_start3A_211, %dma_start3A_216] : memref<4x400xi32, #tpu.memory_space<vmem>> -> memref<1x400xi32, #tpu.memory_space<vmem>>
          %dma_start3A_218 = tpu.memref_squeeze %dma_start3A_217 : memref<1x400xi32, #tpu.memory_space<vmem>> -> memref<400xi32, #tpu.memory_space<vmem>>
          %dma_start3A_219 = tpu.memref_slice %arg2[%add3A_210] : memref<6400000xi32, #tpu.memory_space<hbm>> -> memref<400xi32, #tpu.memory_space<hbm>>
          tpu.enqueue_dma source(%dma_start3A_219 : memref<400xi32, #tpu.memory_space<hbm>>) target(%dma_start3A_218 : memref<400xi32, #tpu.memory_space<vmem>>) target_semaphore(%arg12 : memref<!tpu.dma_semaphore, #tpu.memory_space<semaphore_mem>>)
        } else {
        }
      } else {
      }
      %mul3A_152 = arith.constant 4 : i32
      %mul3A_153 = arith.muli %mul3A_152, %scan3A_127 : i32
      %add3A_154 = arith.constant 3 : i32
      %add3A_155 = arith.addi %mul3A_153, %add3A_154 : i32
      %lt3A_156 = arith.constant 250 : i32
      %lt3A_157 = arith.cmpi slt, %add3A_155, %lt3A_156 : i32
      %convert_element_type3A_158 = arith.extui %lt3A_157 : i1 to i32
      %cond3A_159 = arith.constant 0 : i32
      %cond3A_160 = arith.cmpi ne, %convert_element_type3A_158, %cond3A_159 : i32
      scf.if %cond3A_160 {
        %dma_wait3A_161 = arith.constant 3 : i32
        %dma_wait3A_162 = arith.constant 0 : i32
        %dma_wait3A_163 = tpu.memref_slice %arg6[%dma_wait3A_161, %dma_wait3A_162] : memref<4x400xi32, #tpu.memory_space<vmem>> -> memref<1x400xi32, #tpu.memory_space<vmem>>
        %dma_wait3A_164 = tpu.memref_squeeze %dma_wait3A_163 : memref<1x400xi32, #tpu.memory_space<vmem>> -> memref<400xi32, #tpu.memory_space<vmem>>
        %dma_wait3A_165 = arith.constant 0 : i32
        %dma_wait3A_166 = arith.constant 0 : i32
        %dma_wait3A_167 = tpu.memref_slice %arg3[%dma_wait3A_165, %dma_wait3A_166] : memref<100096x16xf32, #tpu.memory_space<hbm>> -> memref<100096x16xf32, #tpu.memory_space<hbm>>
        tpu.wait_indirect_dma semaphore(%arg13 : memref<!tpu.dma_semaphore, #tpu.memory_space<semaphore_mem>>) src(%dma_wait3A_167 : memref<100096x16xf32, #tpu.memory_space<hbm>>) dst(%arg9 : memref<400x16xf32, #tpu.memory_space<vmem>>)
        %dma_start3A_168 = arith.constant 3 : i32
        %dma_start3A_169 = arith.constant 0 : i32
        %dma_start3A_170 = tpu.memref_slice %arg7[%dma_start3A_168, %dma_start3A_169] : memref<4x400xi32, #tpu.memory_space<vmem>> -> memref<1x400xi32, #tpu.memory_space<vmem>>
        %dma_start3A_171 = tpu.memref_squeeze %dma_start3A_170 : memref<1x400xi32, #tpu.memory_space<vmem>> -> memref<400xi32, #tpu.memory_space<vmem>>
        %dma_start3A_172 = arith.constant 0 : i32
        %dma_start3A_173 = arith.constant 0 : i32
        %dma_start3A_174 = tpu.memref_slice %arg11[%dma_start3A_172, %dma_start3A_173] : memref<100096x16xf32, #tpu.memory_space<vmem_shared>> -> memref<100096x16xf32, #tpu.memory_space<vmem_shared>>
        tpu.enqueue_indirect_dma source(%arg9 : memref<400x16xf32, #tpu.memory_space<vmem>>) target(%dma_start3A_174 : memref<100096x16xf32, #tpu.memory_space<vmem_shared>>) offsets(%dma_start3A_171 : memref<400xi32, #tpu.memory_space<vmem>>) semaphore(%arg14 : memref<!tpu.dma_semaphore, #tpu.memory_space<semaphore_mem>>) {add = true}
        %ge3A = arith.constant 1 : i32
        %ge3A_175 = arith.cmpi sge, %add3A_155, %ge3A : i32
        %convert_element_type3A_176 = arith.extui %ge3A_175 : i1 to i32
        %cond3A_177 = arith.constant 0 : i32
        %cond3A_178 = arith.cmpi ne, %convert_element_type3A_176, %cond3A_177 : i32
        scf.if %cond3A_178 {
          %dma_wait3A_193 = arith.constant 2 : i32
          %dma_wait3A_194 = arith.constant 0 : i32
          %dma_wait3A_195 = tpu.memref_slice %arg7[%dma_wait3A_193, %dma_wait3A_194] : memref<4x400xi32, #tpu.memory_space<vmem>> -> memref<1x400xi32, #tpu.memory_space<vmem>>
          %dma_wait3A_196 = tpu.memref_squeeze %dma_wait3A_195 : memref<1x400xi32, #tpu.memory_space<vmem>> -> memref<400xi32, #tpu.memory_space<vmem>>
          %dma_wait3A_197 = arith.constant 0 : i32
          %dma_wait3A_198 = arith.constant 0 : i32
          %dma_wait3A_199 = tpu.memref_slice %arg11[%dma_wait3A_197, %dma_wait3A_198] : memref<100096x16xf32, #tpu.memory_space<vmem_shared>> -> memref<100096x16xf32, #tpu.memory_space<vmem_shared>>
          tpu.wait_indirect_dma semaphore(%arg14 : memref<!tpu.dma_semaphore, #tpu.memory_space<semaphore_mem>>) src(%arg8 : memref<400x16xf32, #tpu.memory_space<vmem>>) dst(%dma_wait3A_199 : memref<100096x16xf32, #tpu.memory_space<vmem_shared>>)
        } else {
        }
        %add3A_179 = arith.constant 1 : i32
        %add3A_180 = arith.addi %add3A_155, %add3A_179 : i32
        %lt3A_181 = arith.constant 250 : i32
        %lt3A_182 = arith.cmpi slt, %add3A_180, %lt3A_181 : i32
        %convert_element_type3A_183 = arith.extui %lt3A_182 : i1 to i32
        %cond3A_184 = arith.constant 0 : i32
        %cond3A_185 = arith.cmpi ne, %convert_element_type3A_183, %cond3A_184 : i32
        scf.if %cond3A_185 {
          %dma_wait3A_193 = arith.constant 0 : i32
          %dma_wait3A_194 = arith.constant 0 : i32
          %dma_wait3A_195 = tpu.memref_slice %arg6[%dma_wait3A_193, %dma_wait3A_194] : memref<4x400xi32, #tpu.memory_space<vmem>> -> memref<1x400xi32, #tpu.memory_space<vmem>>
          %dma_wait3A_196 = tpu.memref_squeeze %dma_wait3A_195 : memref<1x400xi32, #tpu.memory_space<vmem>> -> memref<400xi32, #tpu.memory_space<vmem>>
          %dma_wait3A_197 = arith.constant 0 : i32
          %dma_wait3A_198 = tpu.memref_slice %arg2[%dma_wait3A_197] : memref<6400000xi32, #tpu.memory_space<hbm>> -> memref<400xi32, #tpu.memory_space<hbm>>
          %dma_wait3A_199 = arith.constant 0 : i32
          %dma_wait3A_200 = tpu.memref_slice %arg6[%dma_wait3A_193, %dma_wait3A_199] : memref<4x400xi32, #tpu.memory_space<vmem>> -> memref<1x400xi32, #tpu.memory_space<vmem>>
          %dma_wait3A_201 = tpu.memref_squeeze %dma_wait3A_200 : memref<1x400xi32, #tpu.memory_space<vmem>> -> memref<400xi32, #tpu.memory_space<vmem>>
          %dma_wait3A_202 = arith.constant 0 : i32
          %dma_wait3A_203 = tpu.memref_slice %arg2[%dma_wait3A_202] : memref<6400000xi32, #tpu.memory_space<hbm>> -> memref<400xi32, #tpu.memory_space<hbm>>
          tpu.wait_dma2 semaphore(%arg12 : memref<!tpu.dma_semaphore, #tpu.memory_space<semaphore_mem>>) src(%dma_wait3A_203 : memref<400xi32, #tpu.memory_space<hbm>>) dst(%dma_wait3A_201 : memref<400xi32, #tpu.memory_space<vmem>>)
          %dma_wait3A_204 = arith.constant 0 : i32
          %dma_wait3A_205 = arith.constant 0 : i32
          %dma_wait3A_206 = tpu.memref_slice %arg7[%dma_wait3A_204, %dma_wait3A_205] : memref<4x400xi32, #tpu.memory_space<vmem>> -> memref<1x400xi32, #tpu.memory_space<vmem>>
          %dma_wait3A_207 = tpu.memref_squeeze %dma_wait3A_206 : memref<1x400xi32, #tpu.memory_space<vmem>> -> memref<400xi32, #tpu.memory_space<vmem>>
          %dma_wait3A_208 = arith.constant 0 : i32
          %dma_wait3A_209 = tpu.memref_slice %arg2[%dma_wait3A_208] : memref<6400000xi32, #tpu.memory_space<hbm>> -> memref<400xi32, #tpu.memory_space<hbm>>
          %dma_wait3A_210 = arith.constant 0 : i32
          %dma_wait3A_211 = tpu.memref_slice %arg7[%dma_wait3A_204, %dma_wait3A_210] : memref<4x400xi32, #tpu.memory_space<vmem>> -> memref<1x400xi32, #tpu.memory_space<vmem>>
          %dma_wait3A_212 = tpu.memref_squeeze %dma_wait3A_211 : memref<1x400xi32, #tpu.memory_space<vmem>> -> memref<400xi32, #tpu.memory_space<vmem>>
          %dma_wait3A_213 = arith.constant 0 : i32
          %dma_wait3A_214 = tpu.memref_slice %arg2[%dma_wait3A_213] : memref<6400000xi32, #tpu.memory_space<hbm>> -> memref<400xi32, #tpu.memory_space<hbm>>
          tpu.wait_dma2 semaphore(%arg12 : memref<!tpu.dma_semaphore, #tpu.memory_space<semaphore_mem>>) src(%dma_wait3A_214 : memref<400xi32, #tpu.memory_space<hbm>>) dst(%dma_wait3A_212 : memref<400xi32, #tpu.memory_space<vmem>>)
          %dma_start3A_215 = arith.constant 0 : i32
          %dma_start3A_216 = arith.constant 0 : i32
          %dma_start3A_217 = tpu.memref_slice %arg6[%dma_start3A_215, %dma_start3A_216] : memref<4x400xi32, #tpu.memory_space<vmem>> -> memref<1x400xi32, #tpu.memory_space<vmem>>
          %dma_start3A_218 = tpu.memref_squeeze %dma_start3A_217 : memref<1x400xi32, #tpu.memory_space<vmem>> -> memref<400xi32, #tpu.memory_space<vmem>>
          %dma_start3A_219 = arith.constant 0 : i32
          %dma_start3A_220 = arith.constant 0 : i32
          %dma_start3A_221 = tpu.memref_slice %arg3[%dma_start3A_219, %dma_start3A_220] : memref<100096x16xf32, #tpu.memory_space<hbm>> -> memref<100096x16xf32, #tpu.memory_space<hbm>>
          tpu.enqueue_indirect_dma source(%dma_start3A_221 : memref<100096x16xf32, #tpu.memory_space<hbm>>) target(%arg8 : memref<400x16xf32, #tpu.memory_space<vmem>>) offsets(%dma_start3A_218 : memref<400xi32, #tpu.memory_space<vmem>>) semaphore(%arg13 : memref<!tpu.dma_semaphore, #tpu.memory_space<semaphore_mem>>)
        } else {
        }
        %add3A_186 = arith.constant 3 : i32
        %add3A_187 = arith.addi %add3A_155, %add3A_186 : i32
        %lt3A_188 = arith.constant 250 : i32
        %lt3A_189 = arith.cmpi slt, %add3A_187, %lt3A_188 : i32
        %convert_element_type3A_190 = arith.extui %lt3A_189 : i1 to i32
        %cond3A_191 = arith.constant 0 : i32
        %cond3A_192 = arith.cmpi ne, %convert_element_type3A_190, %cond3A_191 : i32
        scf.if %cond3A_192 {
          %add3A_193 = arith.constant 3 : i32
          %add3A_194 = arith.addi %add3A_155, %add3A_193 : i32
          %mul3A_195 = arith.constant 100000 : i32
          %mul3A_196 = arith.muli %add3A, %mul3A_195 : i32
          %mul3A_197 = arith.constant 400 : i32
          %mul3A_198 = arith.muli %add3A_194, %mul3A_197 : i32
          %add3A_199 = arith.addi %mul3A_196, %mul3A_198 : i32
          %dma_start3A_200 = arith.constant 2 : i32
          %dma_start3A_201 = arith.constant 0 : i32
          %dma_start3A_202 = tpu.memref_slice %arg6[%dma_start3A_200, %dma_start3A_201] : memref<4x400xi32, #tpu.memory_space<vmem>> -> memref<1x400xi32, #tpu.memory_space<vmem>>
          %dma_start3A_203 = tpu.memref_squeeze %dma_start3A_202 : memref<1x400xi32, #tpu.memory_space<vmem>> -> memref<400xi32, #tpu.memory_space<vmem>>
          %dma_start3A_204 = tpu.memref_slice %arg2[%add3A_199] : memref<6400000xi32, #tpu.memory_space<hbm>> -> memref<400xi32, #tpu.memory_space<hbm>>
          %dma_start3A_205 = arith.constant 0 : i32
          %dma_start3A_206 = tpu.memref_slice %arg6[%dma_start3A_200, %dma_start3A_205] : memref<4x400xi32, #tpu.memory_space<vmem>> -> memref<1x400xi32, #tpu.memory_space<vmem>>
          %dma_start3A_207 = tpu.memref_squeeze %dma_start3A_206 : memref<1x400xi32, #tpu.memory_space<vmem>> -> memref<400xi32, #tpu.memory_space<vmem>>
          %dma_start3A_208 = tpu.memref_slice %arg2[%add3A_199] : memref<6400000xi32, #tpu.memory_space<hbm>> -> memref<400xi32, #tpu.memory_space<hbm>>
          tpu.enqueue_dma source(%dma_start3A_208 : memref<400xi32, #tpu.memory_space<hbm>>) target(%dma_start3A_207 : memref<400xi32, #tpu.memory_space<vmem>>) target_semaphore(%arg12 : memref<!tpu.dma_semaphore, #tpu.memory_space<semaphore_mem>>)
          %add3A_209 = arith.constant 3200000 : i32
          %add3A_210 = arith.addi %add3A_209, %add3A_199 : i32
          %dma_start3A_211 = arith.constant 2 : i32
          %dma_start3A_212 = arith.constant 0 : i32
          %dma_start3A_213 = tpu.memref_slice %arg7[%dma_start3A_211, %dma_start3A_212] : memref<4x400xi32, #tpu.memory_space<vmem>> -> memref<1x400xi32, #tpu.memory_space<vmem>>
          %dma_start3A_214 = tpu.memref_squeeze %dma_start3A_213 : memref<1x400xi32, #tpu.memory_space<vmem>> -> memref<400xi32, #tpu.memory_space<vmem>>
          %dma_start3A_215 = tpu.memref_slice %arg2[%add3A_210] : memref<6400000xi32, #tpu.memory_space<hbm>> -> memref<400xi32, #tpu.memory_space<hbm>>
          %dma_start3A_216 = arith.constant 0 : i32
          %dma_start3A_217 = tpu.memref_slice %arg7[%dma_start3A_211, %dma_start3A_216] : memref<4x400xi32, #tpu.memory_space<vmem>> -> memref<1x400xi32, #tpu.memory_space<vmem>>
          %dma_start3A_218 = tpu.memref_squeeze %dma_start3A_217 : memref<1x400xi32, #tpu.memory_space<vmem>> -> memref<400xi32, #tpu.memory_space<vmem>>
          %dma_start3A_219 = tpu.memref_slice %arg2[%add3A_210] : memref<6400000xi32, #tpu.memory_space<hbm>> -> memref<400xi32, #tpu.memory_space<hbm>>
          tpu.enqueue_dma source(%dma_start3A_219 : memref<400xi32, #tpu.memory_space<hbm>>) target(%dma_start3A_218 : memref<400xi32, #tpu.memory_space<vmem>>) target_semaphore(%arg12 : memref<!tpu.dma_semaphore, #tpu.memory_space<semaphore_mem>>)
        } else {
        }
      } else {
      }
    }
    %scan3A_112 = arith.constant 63 : i32
    %dma_wait3A_113 = arith.constant 1 : i32
    %dma_wait3A_114 = arith.constant 0 : i32
    %dma_wait3A_115 = tpu.memref_slice %arg7[%dma_wait3A_113, %dma_wait3A_114] : memref<4x400xi32, #tpu.memory_space<vmem>> -> memref<1x400xi32, #tpu.memory_space<vmem>>
    %dma_wait3A_116 = tpu.memref_squeeze %dma_wait3A_115 : memref<1x400xi32, #tpu.memory_space<vmem>> -> memref<400xi32, #tpu.memory_space<vmem>>
    %dma_wait3A_117 = arith.constant 0 : i32
    %dma_wait3A_118 = arith.constant 0 : i32
    %dma_wait3A_119 = tpu.memref_slice %arg11[%dma_wait3A_117, %dma_wait3A_118] : memref<100096x16xf32, #tpu.memory_space<vmem_shared>> -> memref<100096x16xf32, #tpu.memory_space<vmem_shared>>
    tpu.wait_indirect_dma semaphore(%arg14 : memref<!tpu.dma_semaphore, #tpu.memory_space<semaphore_mem>>) src(%arg9 : memref<400x16xf32, #tpu.memory_space<vmem>>) dst(%dma_wait3A_119 : memref<100096x16xf32, #tpu.memory_space<vmem_shared>>)
    %barrier3A_120 = arith.constant 0 : index
    tpu.barrier barrier_id(%barrier3A_120)
    %scan3A_121 = arith.constant 0 : i32
    %scan3A_122 = arith.constant 0 : i32
    %scan3A_123 = arith.constant 16 : i32
    %scan3A_124 = arith.addi %scan3A_122, %scan3A_123 : i32
    %scan3A_125 = arith.constant 1 : i32
    scf.for %scan3A_127 = %scan3A_122 to %scan3A_124 step %scan3A_125  : i32 {
      %mul3A_128 = arith.constant 391 : i32
      %mul3A_129 = arith.muli %scan3A_127, %mul3A_128 : i32
      %add3A_130 = arith.addi %mul3A_2, %mul3A_129 : i32
      "tpu.region"() ({
        %run_scoped3A = tpu.sem_alloc : memref<!tpu.dma_semaphore, #tpu.memory_space<semaphore_mem>>
        %dma_start3A_134 = arith.constant 0 : i32
        %dma_start3A_135 = tpu.memref_slice %arg11[%add3A_130, %dma_start3A_134] : memref<100096x16xf32, #tpu.memory_space<vmem_shared>> -> memref<391x16xf32, #tpu.memory_space<vmem_shared>>
        %dma_start3A_136 = arith.constant 0 : i32
        %dma_start3A_137 = tpu.memref_slice %arg11[%add3A_130, %dma_start3A_136] : memref<100096x16xf32, #tpu.memory_space<vmem_shared>> -> memref<391x16xf32, #tpu.memory_space<vmem_shared>>
        tpu.enqueue_dma source(%dma_start3A_137 : memref<391x16xf32, #tpu.memory_space<vmem_shared>>) target(%arg10 : memref<391x16xf32, #tpu.memory_space<vmem>>) target_semaphore(%run_scoped3A : memref<!tpu.dma_semaphore, #tpu.memory_space<semaphore_mem>>)
        %dma_wait3A_138 = arith.constant 0 : i32
        %dma_wait3A_139 = tpu.memref_slice %arg11[%add3A_130, %dma_wait3A_138] : memref<100096x16xf32, #tpu.memory_space<vmem_shared>> -> memref<391x16xf32, #tpu.memory_space<vmem_shared>>
        %dma_wait3A_140 = arith.constant 0 : i32
        %dma_wait3A_141 = tpu.memref_slice %arg11[%add3A_130, %dma_wait3A_140] : memref<100096x16xf32, #tpu.memory_space<vmem_shared>> -> memref<391x16xf32, #tpu.memory_space<vmem_shared>>
        tpu.wait_dma2 semaphore(%run_scoped3A : memref<!tpu.dma_semaphore, #tpu.memory_space<semaphore_mem>>) src(%dma_wait3A_141 : memref<391x16xf32, #tpu.memory_space<vmem_shared>>) dst(%arg10 : memref<391x16xf32, #tpu.memory_space<vmem>>)
        tpu.yield
      }) : () -> ()
      %mul3A_131 = arith.constant 100096 : i32
      %mul3A_132 = arith.muli %arg0, %mul3A_131 : i32
      %add3A_133 = arith.addi %mul3A_132, %add3A_130 : i32
      "tpu.region"() ({
        %run_scoped3A = tpu.sem_alloc : memref<!tpu.dma_semaphore, #tpu.memory_space<semaphore_mem>>
        %dma_start3A_134 = arith.constant 0 : i32
        %dma_start3A_135 = tpu.memref_slice %arg5[%add3A_133, %dma_start3A_134] : memref<200192x16xf32, #tpu.memory_space<hbm>> -> memref<391x16xf32, #tpu.memory_space<hbm>>
        %dma_start3A_136 = arith.constant 0 : i32
        %dma_start3A_137 = tpu.memref_slice %arg5[%add3A_133, %dma_start3A_136] : memref<200192x16xf32, #tpu.memory_space<hbm>> -> memref<391x16xf32, #tpu.memory_space<hbm>>
        tpu.enqueue_dma source(%arg10 : memref<391x16xf32, #tpu.memory_space<vmem>>) target(%dma_start3A_137 : memref<391x16xf32, #tpu.memory_space<hbm>>) target_semaphore(%run_scoped3A : memref<!tpu.dma_semaphore, #tpu.memory_space<semaphore_mem>>)
        %dma_wait3A_138 = arith.constant 0 : i32
        %dma_wait3A_139 = tpu.memref_slice %arg5[%add3A_133, %dma_wait3A_138] : memref<200192x16xf32, #tpu.memory_space<hbm>> -> memref<391x16xf32, #tpu.memory_space<hbm>>
        %dma_wait3A_140 = arith.constant 0 : i32
        %dma_wait3A_141 = tpu.memref_slice %arg5[%add3A_133, %dma_wait3A_140] : memref<200192x16xf32, #tpu.memory_space<hbm>> -> memref<391x16xf32, #tpu.memory_space<hbm>>
        tpu.wait_dma2 semaphore(%run_scoped3A : memref<!tpu.dma_semaphore, #tpu.memory_space<semaphore_mem>>) src(%arg10 : memref<391x16xf32, #tpu.memory_space<vmem>>) dst(%dma_wait3A_141 : memref<391x16xf32, #tpu.memory_space<hbm>>)
        tpu.yield
      }) : () -> ()
    }
    %scan3A_126 = arith.constant 16 : i32
    return
  }
}

#map = affine_map<(d0, d1) -> (0)>
#map1 = affine_map<(d0, d1) -> (0, 0)>
module attributes {stable_mosaic.version = 14 : i64} {
  func.func @_mp_sc(%arg0: i32, %arg1: i32, %arg2: memref<6400000xi32, #tpu.memory_space<hbm>>, %arg3: memref<100096x16xf32, #tpu.memory_space<hbm>>, %arg4: memref<100096x16xf32, #tpu.memory_space<hbm>>, %arg5: memref<200192x16xf32, #tpu.memory_space<hbm>>, %arg6: memref<4x400xi32, #tpu.memory_space<vmem>>, %arg7: memref<4x400xi32, #tpu.memory_space<vmem>>, %arg8: memref<400x16xf32, #tpu.memory_space<vmem>>, %arg9: memref<400x16xf32, #tpu.memory_space<vmem>>, %arg10: memref<391x16xf32, #tpu.memory_space<vmem>>, %arg11: memref<100096x16xf32, #tpu.memory_space<vmem_shared>>, %arg12: memref<!tpu.dma_semaphore, #tpu.memory_space<semaphore_mem>>, %arg13: memref<!tpu.dma_semaphore, #tpu.memory_space<semaphore_mem>>, %arg14: memref<!tpu.dma_semaphore, #tpu.memory_space<semaphore_mem>>) attributes {dimension_semantics = [#tpu.dimension_semantics<core_parallel>, #tpu.dimension_semantics<subcore_parallel>], iteration_bounds = array<i64: 2, 16>, scalar_prefetch = 0 : i64, scratch_operands = 9 : i64, tpu.core_type = #tpu.core_type<sc_vector_subcore>, window_params = [{transform_indices = #map}, {transform_indices = #map1}, {transform_indices = #map1}, {transform_indices = #map1}]} {
    %mul3A = arith.constant 2 : i32
    %mul3A_0 = arith.muli %arg1, %mul3A : i32
    %add3A = arith.addi %mul3A_0, %arg0 : i32
    %mul3A_1 = arith.constant 6256 : i32
    %mul3A_2 = arith.muli %arg1, %mul3A_1 : i32
    %scan3A = arith.constant 0 : i32
    %scan3A_3 = arith.constant 0 : i32
    %scan3A_4 = arith.constant 16 : i32
    %scan3A_5 = arith.addi %scan3A_3, %scan3A_4 : i32
    %scan3A_6 = arith.constant 1 : i32
    scf.for %scan3A_127 = %scan3A_3 to %scan3A_5 step %scan3A_6  : i32 {
      %mul3A_128 = arith.constant 391 : i32
      %mul3A_129 = arith.muli %scan3A_127, %mul3A_128 : i32
      %add3A_130 = arith.addi %mul3A_2, %mul3A_129 : i32
      "tpu.region"() ({
        %run_scoped3A = tpu.sem_alloc : memref<!tpu.dma_semaphore, #tpu.memory_space<semaphore_mem>>
        %dma_start3A_131 = arith.constant 0 : i32
        %dma_start3A_132 = tpu.memref_slice %arg4[%add3A_130, %dma_start3A_131] : memref<100096x16xf32, #tpu.memory_space<hbm>> -> memref<391x16xf32, #tpu.memory_space<hbm>>
        %dma_start3A_133 = arith.constant 0 : i32
        %dma_start3A_134 = tpu.memref_slice %arg4[%add3A_130, %dma_start3A_133] : memref<100096x16xf32, #tpu.memory_space<hbm>> -> memref<391x16xf32, #tpu.memory_space<hbm>>
        tpu.enqueue_dma source(%dma_start3A_134 : memref<391x16xf32, #tpu.memory_space<hbm>>) target(%arg10 : memref<391x16xf32, #tpu.memory_space<vmem>>) target_semaphore(%run_scoped3A : memref<!tpu.dma_semaphore, #tpu.memory_space<semaphore_mem>>)
        %dma_wait3A_135 = arith.constant 0 : i32
        %dma_wait3A_136 = tpu.memref_slice %arg4[%add3A_130, %dma_wait3A_135] : memref<100096x16xf32, #tpu.memory_space<hbm>> -> memref<391x16xf32, #tpu.memory_space<hbm>>
        %dma_wait3A_137 = arith.constant 0 : i32
        %dma_wait3A_138 = tpu.memref_slice %arg4[%add3A_130, %dma_wait3A_137] : memref<100096x16xf32, #tpu.memory_space<hbm>> -> memref<391x16xf32, #tpu.memory_space<hbm>>
        tpu.wait_dma2 semaphore(%run_scoped3A : memref<!tpu.dma_semaphore, #tpu.memory_space<semaphore_mem>>) src(%dma_wait3A_138 : memref<391x16xf32, #tpu.memory_space<hbm>>) dst(%arg10 : memref<391x16xf32, #tpu.memory_space<vmem>>)
        tpu.yield
      }) : () -> ()
      "tpu.region"() ({
        %run_scoped3A = tpu.sem_alloc : memref<!tpu.dma_semaphore, #tpu.memory_space<semaphore_mem>>
        %dma_start3A_131 = arith.constant 0 : i32
        %dma_start3A_132 = tpu.memref_slice %arg11[%add3A_130, %dma_start3A_131] : memref<100096x16xf32, #tpu.memory_space<vmem_shared>> -> memref<391x16xf32, #tpu.memory_space<vmem_shared>>
        %dma_start3A_133 = arith.constant 0 : i32
        %dma_start3A_134 = tpu.memref_slice %arg11[%add3A_130, %dma_start3A_133] : memref<100096x16xf32, #tpu.memory_space<vmem_shared>> -> memref<391x16xf32, #tpu.memory_space<vmem_shared>>
        tpu.enqueue_dma source(%arg10 : memref<391x16xf32, #tpu.memory_space<vmem>>) target(%dma_start3A_134 : memref<391x16xf32, #tpu.memory_space<vmem_shared>>) target_semaphore(%run_scoped3A : memref<!tpu.dma_semaphore, #tpu.memory_space<semaphore_mem>>)
        %dma_wait3A_135 = arith.constant 0 : i32
        %dma_wait3A_136 = tpu.memref_slice %arg11[%add3A_130, %dma_wait3A_135] : memref<100096x16xf32, #tpu.memory_space<vmem_shared>> -> memref<391x16xf32, #tpu.memory_space<vmem_shared>>
        %dma_wait3A_137 = arith.constant 0 : i32
        %dma_wait3A_138 = tpu.memref_slice %arg11[%add3A_130, %dma_wait3A_137] : memref<100096x16xf32, #tpu.memory_space<vmem_shared>> -> memref<391x16xf32, #tpu.memory_space<vmem_shared>>
        tpu.wait_dma2 semaphore(%run_scoped3A : memref<!tpu.dma_semaphore, #tpu.memory_space<semaphore_mem>>) src(%arg10 : memref<391x16xf32, #tpu.memory_space<vmem>>) dst(%dma_wait3A_138 : memref<391x16xf32, #tpu.memory_space<vmem_shared>>)
        tpu.yield
      }) : () -> ()
    }
    %scan3A_7 = arith.constant 16 : i32
    %barrier3A = arith.constant 0 : index
    tpu.barrier barrier_id(%barrier3A)
    %mul3A_8 = arith.constant 100000 : i32
    %mul3A_9 = arith.muli %add3A, %mul3A_8 : i32
    %add3A_10 = arith.constant 0 : i32
    %add3A_11 = arith.addi %mul3A_9, %add3A_10 : i32
    %dma_start3A = arith.constant 0 : i32
    %dma_start3A_12 = arith.constant 0 : i32
    %dma_start3A_13 = tpu.memref_slice %arg6[%dma_start3A, %dma_start3A_12] : memref<4x400xi32, #tpu.memory_space<vmem>> -> memref<1x400xi32, #tpu.memory_space<vmem>>
    %dma_start3A_14 = tpu.memref_squeeze %dma_start3A_13 : memref<1x400xi32, #tpu.memory_space<vmem>> -> memref<400xi32, #tpu.memory_space<vmem>>
    %dma_start3A_15 = tpu.memref_slice %arg2[%add3A_11] : memref<6400000xi32, #tpu.memory_space<hbm>> -> memref<400xi32, #tpu.memory_space<hbm>>
    %dma_start3A_16 = arith.constant 0 : i32
    %dma_start3A_17 = tpu.memref_slice %arg6[%dma_start3A, %dma_start3A_16] : memref<4x400xi32, #tpu.memory_space<vmem>> -> memref<1x400xi32, #tpu.memory_space<vmem>>
    %dma_start3A_18 = tpu.memref_squeeze %dma_start3A_17 : memref<1x400xi32, #tpu.memory_space<vmem>> -> memref<400xi32, #tpu.memory_space<vmem>>
    %dma_start3A_19 = tpu.memref_slice %arg2[%add3A_11] : memref<6400000xi32, #tpu.memory_space<hbm>> -> memref<400xi32, #tpu.memory_space<hbm>>
    tpu.enqueue_dma source(%dma_start3A_19 : memref<400xi32, #tpu.memory_space<hbm>>) target(%dma_start3A_18 : memref<400xi32, #tpu.memory_space<vmem>>) target_semaphore(%arg12 : memref<!tpu.dma_semaphore, #tpu.memory_space<semaphore_mem>>)
    %add3A_20 = arith.constant 3200000 : i32
    %add3A_21 = arith.addi %add3A_20, %add3A_11 : i32
    %dma_start3A_22 = arith.constant 0 : i32
    %dma_start3A_23 = arith.constant 0 : i32
    %dma_start3A_24 = tpu.memref_slice %arg7[%dma_start3A_22, %dma_start3A_23] : memref<4x400xi32, #tpu.memory_space<vmem>> -> memref<1x400xi32, #tpu.memory_space<vmem>>
    %dma_start3A_25 = tpu.memref_squeeze %dma_start3A_24 : memref<1x400xi32, #tpu.memory_space<vmem>> -> memref<400xi32, #tpu.memory_space<vmem>>
    %dma_start3A_26 = tpu.memref_slice %arg2[%add3A_21] : memref<6400000xi32, #tpu.memory_space<hbm>> -> memref<400xi32, #tpu.memory_space<hbm>>
    %dma_start3A_27 = arith.constant 0 : i32
    %dma_start3A_28 = tpu.memref_slice %arg7[%dma_start3A_22, %dma_start3A_27] : memref<4x400xi32, #tpu.memory_space<vmem>> -> memref<1x400xi32, #tpu.memory_space<vmem>>
    %dma_start3A_29 = tpu.memref_squeeze %dma_start3A_28 : memref<1x400xi32, #tpu.memory_space<vmem>> -> memref<400xi32, #tpu.memory_space<vmem>>
    %dma_start3A_30 = tpu.memref_slice %arg2[%add3A_21] : memref<6400000xi32, #tpu.memory_space<hbm>> -> memref<400xi32, #tpu.memory_space<hbm>>
    tpu.enqueue_dma source(%dma_start3A_30 : memref<400xi32, #tpu.memory_space<hbm>>) target(%dma_start3A_29 : memref<400xi32, #tpu.memory_space<vmem>>) target_semaphore(%arg12 : memref<!tpu.dma_semaphore, #tpu.memory_space<semaphore_mem>>)
    %mul3A_31 = arith.constant 100000 : i32
    %mul3A_32 = arith.muli %add3A, %mul3A_31 : i32
    %add3A_33 = arith.constant 400 : i32
    %add3A_34 = arith.addi %mul3A_32, %add3A_33 : i32
    %dma_start3A_35 = arith.constant 1 : i32
    %dma_start3A_36 = arith.constant 0 : i32
    %dma_start3A_37 = tpu.memref_slice %arg6[%dma_start3A_35, %dma_start3A_36] : memref<4x400xi32, #tpu.memory_space<vmem>> -> memref<1x400xi32, #tpu.memory_space<vmem>>
    %dma_start3A_38 = tpu.memref_squeeze %dma_start3A_37 : memref<1x400xi32, #tpu.memory_space<vmem>> -> memref<400xi32, #tpu.memory_space<vmem>>
    %dma_start3A_39 = tpu.memref_slice %arg2[%add3A_34] : memref<6400000xi32, #tpu.memory_space<hbm>> -> memref<400xi32, #tpu.memory_space<hbm>>
    %dma_start3A_40 = arith.constant 0 : i32
    %dma_start3A_41 = tpu.memref_slice %arg6[%dma_start3A_35, %dma_start3A_40] : memref<4x400xi32, #tpu.memory_space<vmem>> -> memref<1x400xi32, #tpu.memory_space<vmem>>
    %dma_start3A_42 = tpu.memref_squeeze %dma_start3A_41 : memref<1x400xi32, #tpu.memory_space<vmem>> -> memref<400xi32, #tpu.memory_space<vmem>>
    %dma_start3A_43 = tpu.memref_slice %arg2[%add3A_34] : memref<6400000xi32, #tpu.memory_space<hbm>> -> memref<400xi32, #tpu.memory_space<hbm>>
    tpu.enqueue_dma source(%dma_start3A_43 : memref<400xi32, #tpu.memory_space<hbm>>) target(%dma_start3A_42 : memref<400xi32, #tpu.memory_space<vmem>>) target_semaphore(%arg12 : memref<!tpu.dma_semaphore, #tpu.memory_space<semaphore_mem>>)
    %add3A_44 = arith.constant 3200000 : i32
    %add3A_45 = arith.addi %add3A_44, %add3A_34 : i32
    %dma_start3A_46 = arith.constant 1 : i32
    %dma_start3A_47 = arith.constant 0 : i32
    %dma_start3A_48 = tpu.memref_slice %arg7[%dma_start3A_46, %dma_start3A_47] : memref<4x400xi32, #tpu.memory_space<vmem>> -> memref<1x400xi32, #tpu.memory_space<vmem>>
    %dma_start3A_49 = tpu.memref_squeeze %dma_start3A_48 : memref<1x400xi32, #tpu.memory_space<vmem>> -> memref<400xi32, #tpu.memory_space<vmem>>
    %dma_start3A_50 = tpu.memref_slice %arg2[%add3A_45] : memref<6400000xi32, #tpu.memory_space<hbm>> -> memref<400xi32, #tpu.memory_space<hbm>>
    %dma_start3A_51 = arith.constant 0 : i32
    %dma_start3A_52 = tpu.memref_slice %arg7[%dma_start3A_46, %dma_start3A_51] : memref<4x400xi32, #tpu.memory_space<vmem>> -> memref<1x400xi32, #tpu.memory_space<vmem>>
    %dma_start3A_53 = tpu.memref_squeeze %dma_start3A_52 : memref<1x400xi32, #tpu.memory_space<vmem>> -> memref<400xi32, #tpu.memory_space<vmem>>
    %dma_start3A_54 = tpu.memref_slice %arg2[%add3A_45] : memref<6400000xi32, #tpu.memory_space<hbm>> -> memref<400xi32, #tpu.memory_space<hbm>>
    tpu.enqueue_dma source(%dma_start3A_54 : memref<400xi32, #tpu.memory_space<hbm>>) target(%dma_start3A_53 : memref<400xi32, #tpu.memory_space<vmem>>) target_semaphore(%arg12 : memref<!tpu.dma_semaphore, #tpu.memory_space<semaphore_mem>>)
    %mul3A_55 = arith.constant 100000 : i32
    %mul3A_56 = arith.muli %add3A, %mul3A_55 : i32
    %add3A_57 = arith.constant 800 : i32
    %add3A_58 = arith.addi %mul3A_56, %add3A_57 : i32
    %dma_start3A_59 = arith.constant 2 : i32
    %dma_start3A_60 = arith.constant 0 : i32
    %dma_start3A_61 = tpu.memref_slice %arg6[%dma_start3A_59, %dma_start3A_60] : memref<4x400xi32, #tpu.memory_space<vmem>> -> memref<1x400xi32, #tpu.memory_space<vmem>>
    %dma_start3A_62 = tpu.memref_squeeze %dma_start3A_61 : memref<1x400xi32, #tpu.memory_space<vmem>> -> memref<400xi32, #tpu.memory_space<vmem>>
    %dma_start3A_63 = tpu.memref_slice %arg2[%add3A_58] : memref<6400000xi32, #tpu.memory_space<hbm>> -> memref<400xi32, #tpu.memory_space<hbm>>
    %dma_start3A_64 = arith.constant 0 : i32
    %dma_start3A_65 = tpu.memref_slice %arg6[%dma_start3A_59, %dma_start3A_64] : memref<4x400xi32, #tpu.memory_space<vmem>> -> memref<1x400xi32, #tpu.memory_space<vmem>>
    %dma_start3A_66 = tpu.memref_squeeze %dma_start3A_65 : memref<1x400xi32, #tpu.memory_space<vmem>> -> memref<400xi32, #tpu.memory_space<vmem>>
    %dma_start3A_67 = tpu.memref_slice %arg2[%add3A_58] : memref<6400000xi32, #tpu.memory_space<hbm>> -> memref<400xi32, #tpu.memory_space<hbm>>
    tpu.enqueue_dma source(%dma_start3A_67 : memref<400xi32, #tpu.memory_space<hbm>>) target(%dma_start3A_66 : memref<400xi32, #tpu.memory_space<vmem>>) target_semaphore(%arg12 : memref<!tpu.dma_semaphore, #tpu.memory_space<semaphore_mem>>)
    %add3A_68 = arith.constant 3200000 : i32
    %add3A_69 = arith.addi %add3A_68, %add3A_58 : i32
    %dma_start3A_70 = arith.constant 2 : i32
    %dma_start3A_71 = arith.constant 0 : i32
    %dma_start3A_72 = tpu.memref_slice %arg7[%dma_start3A_70, %dma_start3A_71] : memref<4x400xi32, #tpu.memory_space<vmem>> -> memref<1x400xi32, #tpu.memory_space<vmem>>
    %dma_start3A_73 = tpu.memref_squeeze %dma_start3A_72 : memref<1x400xi32, #tpu.memory_space<vmem>> -> memref<400xi32, #tpu.memory_space<vmem>>
    %dma_start3A_74 = tpu.memref_slice %arg2[%add3A_69] : memref<6400000xi32, #tpu.memory_space<hbm>> -> memref<400xi32, #tpu.memory_space<hbm>>
    %dma_start3A_75 = arith.constant 0 : i32
    %dma_start3A_76 = tpu.memref_slice %arg7[%dma_start3A_70, %dma_start3A_75] : memref<4x400xi32, #tpu.memory_space<vmem>> -> memref<1x400xi32, #tpu.memory_space<vmem>>
    %dma_start3A_77 = tpu.memref_squeeze %dma_start3A_76 : memref<1x400xi32, #tpu.memory_space<vmem>> -> memref<400xi32, #tpu.memory_space<vmem>>
    %dma_start3A_78 = tpu.memref_slice %arg2[%add3A_69] : memref<6400000xi32, #tpu.memory_space<hbm>> -> memref<400xi32, #tpu.memory_space<hbm>>
    tpu.enqueue_dma source(%dma_start3A_78 : memref<400xi32, #tpu.memory_space<hbm>>) target(%dma_start3A_77 : memref<400xi32, #tpu.memory_space<vmem>>) target_semaphore(%arg12 : memref<!tpu.dma_semaphore, #tpu.memory_space<semaphore_mem>>)
    %dma_wait3A = arith.constant 0 : i32
    %dma_wait3A_79 = arith.constant 0 : i32
    %dma_wait3A_80 = tpu.memref_slice %arg6[%dma_wait3A, %dma_wait3A_79] : memref<4x400xi32, #tpu.memory_space<vmem>> -> memref<1x400xi32, #tpu.memory_space<vmem>>
    %dma_wait3A_81 = tpu.memref_squeeze %dma_wait3A_80 : memref<1x400xi32, #tpu.memory_space<vmem>> -> memref<400xi32, #tpu.memory_space<vmem>>
    %dma_wait3A_82 = arith.constant 0 : i32
    %dma_wait3A_83 = tpu.memref_slice %arg2[%dma_wait3A_82] : memref<6400000xi32, #tpu.memory_space<hbm>> -> memref<400xi32, #tpu.memory_space<hbm>>
    %dma_wait3A_84 = arith.constant 0 : i32
    %dma_wait3A_85 = tpu.memref_slice %arg6[%dma_wait3A, %dma_wait3A_84] : memref<4x400xi32, #tpu.memory_space<vmem>> -> memref<1x400xi32, #tpu.memory_space<vmem>>
    %dma_wait3A_86 = tpu.memref_squeeze %dma_wait3A_85 : memref<1x400xi32, #tpu.memory_space<vmem>> -> memref<400xi32, #tpu.memory_space<vmem>>
    %dma_wait3A_87 = arith.constant 0 : i32
    %dma_wait3A_88 = tpu.memref_slice %arg2[%dma_wait3A_87] : memref<6400000xi32, #tpu.memory_space<hbm>> -> memref<400xi32, #tpu.memory_space<hbm>>
    tpu.wait_dma2 semaphore(%arg12 : memref<!tpu.dma_semaphore, #tpu.memory_space<semaphore_mem>>) src(%dma_wait3A_88 : memref<400xi32, #tpu.memory_space<hbm>>) dst(%dma_wait3A_86 : memref<400xi32, #tpu.memory_space<vmem>>)
    %dma_wait3A_89 = arith.constant 0 : i32
    %dma_wait3A_90 = arith.constant 0 : i32
    %dma_wait3A_91 = tpu.memref_slice %arg7[%dma_wait3A_89, %dma_wait3A_90] : memref<4x400xi32, #tpu.memory_space<vmem>> -> memref<1x400xi32, #tpu.memory_space<vmem>>
    %dma_wait3A_92 = tpu.memref_squeeze %dma_wait3A_91 : memref<1x400xi32, #tpu.memory_space<vmem>> -> memref<400xi32, #tpu.memory_space<vmem>>
    %dma_wait3A_93 = arith.constant 0 : i32
    %dma_wait3A_94 = tpu.memref_slice %arg2[%dma_wait3A_93] : memref<6400000xi32, #tpu.memory_space<hbm>> -> memref<400xi32, #tpu.memory_space<hbm>>
    %dma_wait3A_95 = arith.constant 0 : i32
    %dma_wait3A_96 = tpu.memref_slice %arg7[%dma_wait3A_89, %dma_wait3A_95] : memref<4x400xi32, #tpu.memory_space<vmem>> -> memref<1x400xi32, #tpu.memory_space<vmem>>
    %dma_wait3A_97 = tpu.memref_squeeze %dma_wait3A_96 : memref<1x400xi32, #tpu.memory_space<vmem>> -> memref<400xi32, #tpu.memory_space<vmem>>
    %dma_wait3A_98 = arith.constant 0 : i32
    %dma_wait3A_99 = tpu.memref_slice %arg2[%dma_wait3A_98] : memref<6400000xi32, #tpu.memory_space<hbm>> -> memref<400xi32, #tpu.memory_space<hbm>>
    tpu.wait_dma2 semaphore(%arg12 : memref<!tpu.dma_semaphore, #tpu.memory_space<semaphore_mem>>) src(%dma_wait3A_99 : memref<400xi32, #tpu.memory_space<hbm>>) dst(%dma_wait3A_97 : memref<400xi32, #tpu.memory_space<vmem>>)
    %dma_start3A_100 = arith.constant 0 : i32
    %dma_start3A_101 = arith.constant 0 : i32
    %dma_start3A_102 = tpu.memref_slice %arg6[%dma_start3A_100, %dma_start3A_101] : memref<4x400xi32, #tpu.memory_space<vmem>> -> memref<1x400xi32, #tpu.memory_space<vmem>>
    %dma_start3A_103 = tpu.memref_squeeze %dma_start3A_102 : memref<1x400xi32, #tpu.memory_space<vmem>> -> memref<400xi32, #tpu.memory_space<vmem>>
    %dma_start3A_104 = arith.constant 0 : i32
    %dma_start3A_105 = arith.constant 0 : i32
    %dma_start3A_106 = tpu.memref_slice %arg3[%dma_start3A_104, %dma_start3A_105] : memref<100096x16xf32, #tpu.memory_space<hbm>> -> memref<100096x16xf32, #tpu.memory_space<hbm>>
    tpu.enqueue_indirect_dma source(%dma_start3A_106 : memref<100096x16xf32, #tpu.memory_space<hbm>>) target(%arg8 : memref<400x16xf32, #tpu.memory_space<vmem>>) offsets(%dma_start3A_103 : memref<400xi32, #tpu.memory_space<vmem>>) semaphore(%arg13 : memref<!tpu.dma_semaphore, #tpu.memory_space<semaphore_mem>>)
    %scan3A_107 = arith.constant 0 : i32
    %scan3A_108 = arith.constant 0 : i32
    %scan3A_109 = arith.constant 63 : i32
    %scan3A_110 = arith.addi %scan3A_108, %scan3A_109 : i32
    %scan3A_111 = arith.constant 1 : i32
    scf.for %scan3A_127 = %scan3A_108 to %scan3A_110 step %scan3A_111  : i32 {
      %mul3A_128 = arith.constant 4 : i32
      %mul3A_129 = arith.muli %mul3A_128, %scan3A_127 : i32
      %add3A_130 = arith.constant 0 : i32
      %add3A_131 = arith.addi %mul3A_129, %add3A_130 : i32
      %lt3A = arith.constant 250 : i32
      %lt3A_132 = arith.cmpi slt, %add3A_131, %lt3A : i32
      %convert_element_type3A = arith.extui %lt3A_132 : i1 to i32
      %cond3A = arith.constant 0 : i32
      %cond3A_133 = arith.cmpi ne, %convert_element_type3A, %cond3A : i32
      scf.if %cond3A_133 {
        %dma_wait3A_161 = arith.constant 0 : i32
        %dma_wait3A_162 = arith.constant 0 : i32
        %dma_wait3A_163 = tpu.memref_slice %arg6[%dma_wait3A_161, %dma_wait3A_162] : memref<4x400xi32, #tpu.memory_space<vmem>> -> memref<1x400xi32, #tpu.memory_space<vmem>>
        %dma_wait3A_164 = tpu.memref_squeeze %dma_wait3A_163 : memref<1x400xi32, #tpu.memory_space<vmem>> -> memref<400xi32, #tpu.memory_space<vmem>>
        %dma_wait3A_165 = arith.constant 0 : i32
        %dma_wait3A_166 = arith.constant 0 : i32
        %dma_wait3A_167 = tpu.memref_slice %arg3[%dma_wait3A_165, %dma_wait3A_166] : memref<100096x16xf32, #tpu.memory_space<hbm>> -> memref<100096x16xf32, #tpu.memory_space<hbm>>
        tpu.wait_indirect_dma semaphore(%arg13 : memref<!tpu.dma_semaphore, #tpu.memory_space<semaphore_mem>>) src(%dma_wait3A_167 : memref<100096x16xf32, #tpu.memory_space<hbm>>) dst(%arg8 : memref<400x16xf32, #tpu.memory_space<vmem>>)
        %dma_start3A_168 = arith.constant 0 : i32
        %dma_start3A_169 = arith.constant 0 : i32
        %dma_start3A_170 = tpu.memref_slice %arg7[%dma_start3A_168, %dma_start3A_169] : memref<4x400xi32, #tpu.memory_space<vmem>> -> memref<1x400xi32, #tpu.memory_space<vmem>>
        %dma_start3A_171 = tpu.memref_squeeze %dma_start3A_170 : memref<1x400xi32, #tpu.memory_space<vmem>> -> memref<400xi32, #tpu.memory_space<vmem>>
        %dma_start3A_172 = arith.constant 0 : i32
        %dma_start3A_173 = arith.constant 0 : i32
        %dma_start3A_174 = tpu.memref_slice %arg11[%dma_start3A_172, %dma_start3A_173] : memref<100096x16xf32, #tpu.memory_space<vmem_shared>> -> memref<100096x16xf32, #tpu.memory_space<vmem_shared>>
        tpu.enqueue_indirect_dma source(%arg8 : memref<400x16xf32, #tpu.memory_space<vmem>>) target(%dma_start3A_174 : memref<100096x16xf32, #tpu.memory_space<vmem_shared>>) offsets(%dma_start3A_171 : memref<400xi32, #tpu.memory_space<vmem>>) semaphore(%arg14 : memref<!tpu.dma_semaphore, #tpu.memory_space<semaphore_mem>>) {add = true}
        %ge3A = arith.constant 1 : i32
        %ge3A_175 = arith.cmpi sge, %add3A_131, %ge3A : i32
        %convert_element_type3A_176 = arith.extui %ge3A_175 : i1 to i32
        %cond3A_177 = arith.constant 0 : i32
        %cond3A_178 = arith.cmpi ne, %convert_element_type3A_176, %cond3A_177 : i32
        scf.if %cond3A_178 {
          %dma_wait3A_193 = arith.constant 3 : i32
          %dma_wait3A_194 = arith.constant 0 : i32
          %dma_wait3A_195 = tpu.memref_slice %arg7[%dma_wait3A_193, %dma_wait3A_194] : memref<4x400xi32, #tpu.memory_space<vmem>> -> memref<1x400xi32, #tpu.memory_space<vmem>>
          %dma_wait3A_196 = tpu.memref_squeeze %dma_wait3A_195 : memref<1x400xi32, #tpu.memory_space<vmem>> -> memref<400xi32, #tpu.memory_space<vmem>>
          %dma_wait3A_197 = arith.constant 0 : i32
          %dma_wait3A_198 = arith.constant 0 : i32
          %dma_wait3A_199 = tpu.memref_slice %arg11[%dma_wait3A_197, %dma_wait3A_198] : memref<100096x16xf32, #tpu.memory_space<vmem_shared>> -> memref<100096x16xf32, #tpu.memory_space<vmem_shared>>
          tpu.wait_indirect_dma semaphore(%arg14 : memref<!tpu.dma_semaphore, #tpu.memory_space<semaphore_mem>>) src(%arg9 : memref<400x16xf32, #tpu.memory_space<vmem>>) dst(%dma_wait3A_199 : memref<100096x16xf32, #tpu.memory_space<vmem_shared>>)
        } else {
        }
        %add3A_179 = arith.constant 1 : i32
        %add3A_180 = arith.addi %add3A_131, %add3A_179 : i32
        %lt3A_181 = arith.constant 250 : i32
        %lt3A_182 = arith.cmpi slt, %add3A_180, %lt3A_181 : i32
        %convert_element_type3A_183 = arith.extui %lt3A_182 : i1 to i32
        %cond3A_184 = arith.constant 0 : i32
        %cond3A_185 = arith.cmpi ne, %convert_element_type3A_183, %cond3A_184 : i32
        scf.if %cond3A_185 {
          %dma_wait3A_193 = arith.constant 1 : i32
          %dma_wait3A_194 = arith.constant 0 : i32
          %dma_wait3A_195 = tpu.memref_slice %arg6[%dma_wait3A_193, %dma_wait3A_194] : memref<4x400xi32, #tpu.memory_space<vmem>> -> memref<1x400xi32, #tpu.memory_space<vmem>>
          %dma_wait3A_196 = tpu.memref_squeeze %dma_wait3A_195 : memref<1x400xi32, #tpu.memory_space<vmem>> -> memref<400xi32, #tpu.memory_space<vmem>>
          %dma_wait3A_197 = arith.constant 0 : i32
          %dma_wait3A_198 = tpu.memref_slice %arg2[%dma_wait3A_197] : memref<6400000xi32, #tpu.memory_space<hbm>> -> memref<400xi32, #tpu.memory_space<hbm>>
          %dma_wait3A_199 = arith.constant 0 : i32
          %dma_wait3A_200 = tpu.memref_slice %arg6[%dma_wait3A_193, %dma_wait3A_199] : memref<4x400xi32, #tpu.memory_space<vmem>> -> memref<1x400xi32, #tpu.memory_space<vmem>>
          %dma_wait3A_201 = tpu.memref_squeeze %dma_wait3A_200 : memref<1x400xi32, #tpu.memory_space<vmem>> -> memref<400xi32, #tpu.memory_space<vmem>>
          %dma_wait3A_202 = arith.constant 0 : i32
          %dma_wait3A_203 = tpu.memref_slice %arg2[%dma_wait3A_202] : memref<6400000xi32, #tpu.memory_space<hbm>> -> memref<400xi32, #tpu.memory_space<hbm>>
          tpu.wait_dma2 semaphore(%arg12 : memref<!tpu.dma_semaphore, #tpu.memory_space<semaphore_mem>>) src(%dma_wait3A_203 : memref<400xi32, #tpu.memory_space<hbm>>) dst(%dma_wait3A_201 : memref<400xi32, #tpu.memory_space<vmem>>)
          %dma_wait3A_204 = arith.constant 1 : i32
          %dma_wait3A_205 = arith.constant 0 : i32
          %dma_wait3A_206 = tpu.memref_slice %arg7[%dma_wait3A_204, %dma_wait3A_205] : memref<4x400xi32, #tpu.memory_space<vmem>> -> memref<1x400xi32, #tpu.memory_space<vmem>>
          %dma_wait3A_207 = tpu.memref_squeeze %dma_wait3A_206 : memref<1x400xi32, #tpu.memory_space<vmem>> -> memref<400xi32, #tpu.memory_space<vmem>>
          %dma_wait3A_208 = arith.constant 0 : i32
          %dma_wait3A_209 = tpu.memref_slice %arg2[%dma_wait3A_208] : memref<6400000xi32, #tpu.memory_space<hbm>> -> memref<400xi32, #tpu.memory_space<hbm>>
          %dma_wait3A_210 = arith.constant 0 : i32
          %dma_wait3A_211 = tpu.memref_slice %arg7[%dma_wait3A_204, %dma_wait3A_210] : memref<4x400xi32, #tpu.memory_space<vmem>> -> memref<1x400xi32, #tpu.memory_space<vmem>>
          %dma_wait3A_212 = tpu.memref_squeeze %dma_wait3A_211 : memref<1x400xi32, #tpu.memory_space<vmem>> -> memref<400xi32, #tpu.memory_space<vmem>>
          %dma_wait3A_213 = arith.constant 0 : i32
          %dma_wait3A_214 = tpu.memref_slice %arg2[%dma_wait3A_213] : memref<6400000xi32, #tpu.memory_space<hbm>> -> memref<400xi32, #tpu.memory_space<hbm>>
          tpu.wait_dma2 semaphore(%arg12 : memref<!tpu.dma_semaphore, #tpu.memory_space<semaphore_mem>>) src(%dma_wait3A_214 : memref<400xi32, #tpu.memory_space<hbm>>) dst(%dma_wait3A_212 : memref<400xi32, #tpu.memory_space<vmem>>)
          %dma_start3A_215 = arith.constant 1 : i32
          %dma_start3A_216 = arith.constant 0 : i32
          %dma_start3A_217 = tpu.memref_slice %arg6[%dma_start3A_215, %dma_start3A_216] : memref<4x400xi32, #tpu.memory_space<vmem>> -> memref<1x400xi32, #tpu.memory_space<vmem>>
          %dma_start3A_218 = tpu.memref_squeeze %dma_start3A_217 : memref<1x400xi32, #tpu.memory_space<vmem>> -> memref<400xi32, #tpu.memory_space<vmem>>
          %dma_start3A_219 = arith.constant 0 : i32
          %dma_start3A_220 = arith.constant 0 : i32
          %dma_start3A_221 = tpu.memref_slice %arg3[%dma_start3A_219, %dma_start3A_220] : memref<100096x16xf32, #tpu.memory_space<hbm>> -> memref<100096x16xf32, #tpu.memory_space<hbm>>
          tpu.enqueue_indirect_dma source(%dma_start3A_221 : memref<100096x16xf32, #tpu.memory_space<hbm>>) target(%arg9 : memref<400x16xf32, #tpu.memory_space<vmem>>) offsets(%dma_start3A_218 : memref<400xi32, #tpu.memory_space<vmem>>) semaphore(%arg13 : memref<!tpu.dma_semaphore, #tpu.memory_space<semaphore_mem>>)
        } else {
        }
        %add3A_186 = arith.constant 3 : i32
        %add3A_187 = arith.addi %add3A_131, %add3A_186 : i32
        %lt3A_188 = arith.constant 250 : i32
        %lt3A_189 = arith.cmpi slt, %add3A_187, %lt3A_188 : i32
        %convert_element_type3A_190 = arith.extui %lt3A_189 : i1 to i32
        %cond3A_191 = arith.constant 0 : i32
        %cond3A_192 = arith.cmpi ne, %convert_element_type3A_190, %cond3A_191 : i32
        scf.if %cond3A_192 {
          %add3A_193 = arith.constant 3 : i32
          %add3A_194 = arith.addi %add3A_131, %add3A_193 : i32
          %mul3A_195 = arith.constant 100000 : i32
          %mul3A_196 = arith.muli %add3A, %mul3A_195 : i32
          %mul3A_197 = arith.constant 400 : i32
          %mul3A_198 = arith.muli %add3A_194, %mul3A_197 : i32
          %add3A_199 = arith.addi %mul3A_196, %mul3A_198 : i32
          %dma_start3A_200 = arith.constant 3 : i32
          %dma_start3A_201 = arith.constant 0 : i32
          %dma_start3A_202 = tpu.memref_slice %arg6[%dma_start3A_200, %dma_start3A_201] : memref<4x400xi32, #tpu.memory_space<vmem>> -> memref<1x400xi32, #tpu.memory_space<vmem>>
          %dma_start3A_203 = tpu.memref_squeeze %dma_start3A_202 : memref<1x400xi32, #tpu.memory_space<vmem>> -> memref<400xi32, #tpu.memory_space<vmem>>
          %dma_start3A_204 = tpu.memref_slice %arg2[%add3A_199] : memref<6400000xi32, #tpu.memory_space<hbm>> -> memref<400xi32, #tpu.memory_space<hbm>>
          %dma_start3A_205 = arith.constant 0 : i32
          %dma_start3A_206 = tpu.memref_slice %arg6[%dma_start3A_200, %dma_start3A_205] : memref<4x400xi32, #tpu.memory_space<vmem>> -> memref<1x400xi32, #tpu.memory_space<vmem>>
          %dma_start3A_207 = tpu.memref_squeeze %dma_start3A_206 : memref<1x400xi32, #tpu.memory_space<vmem>> -> memref<400xi32, #tpu.memory_space<vmem>>
          %dma_start3A_208 = tpu.memref_slice %arg2[%add3A_199] : memref<6400000xi32, #tpu.memory_space<hbm>> -> memref<400xi32, #tpu.memory_space<hbm>>
          tpu.enqueue_dma source(%dma_start3A_208 : memref<400xi32, #tpu.memory_space<hbm>>) target(%dma_start3A_207 : memref<400xi32, #tpu.memory_space<vmem>>) target_semaphore(%arg12 : memref<!tpu.dma_semaphore, #tpu.memory_space<semaphore_mem>>)
          %add3A_209 = arith.constant 3200000 : i32
          %add3A_210 = arith.addi %add3A_209, %add3A_199 : i32
          %dma_start3A_211 = arith.constant 3 : i32
          %dma_start3A_212 = arith.constant 0 : i32
          %dma_start3A_213 = tpu.memref_slice %arg7[%dma_start3A_211, %dma_start3A_212] : memref<4x400xi32, #tpu.memory_space<vmem>> -> memref<1x400xi32, #tpu.memory_space<vmem>>
          %dma_start3A_214 = tpu.memref_squeeze %dma_start3A_213 : memref<1x400xi32, #tpu.memory_space<vmem>> -> memref<400xi32, #tpu.memory_space<vmem>>
          %dma_start3A_215 = tpu.memref_slice %arg2[%add3A_210] : memref<6400000xi32, #tpu.memory_space<hbm>> -> memref<400xi32, #tpu.memory_space<hbm>>
          %dma_start3A_216 = arith.constant 0 : i32
          %dma_start3A_217 = tpu.memref_slice %arg7[%dma_start3A_211, %dma_start3A_216] : memref<4x400xi32, #tpu.memory_space<vmem>> -> memref<1x400xi32, #tpu.memory_space<vmem>>
          %dma_start3A_218 = tpu.memref_squeeze %dma_start3A_217 : memref<1x400xi32, #tpu.memory_space<vmem>> -> memref<400xi32, #tpu.memory_space<vmem>>
          %dma_start3A_219 = tpu.memref_slice %arg2[%add3A_210] : memref<6400000xi32, #tpu.memory_space<hbm>> -> memref<400xi32, #tpu.memory_space<hbm>>
          tpu.enqueue_dma source(%dma_start3A_219 : memref<400xi32, #tpu.memory_space<hbm>>) target(%dma_start3A_218 : memref<400xi32, #tpu.memory_space<vmem>>) target_semaphore(%arg12 : memref<!tpu.dma_semaphore, #tpu.memory_space<semaphore_mem>>)
        } else {
        }
      } else {
      }
      %mul3A_134 = arith.constant 4 : i32
      %mul3A_135 = arith.muli %mul3A_134, %scan3A_127 : i32
      %add3A_136 = arith.constant 1 : i32
      %add3A_137 = arith.addi %mul3A_135, %add3A_136 : i32
      %lt3A_138 = arith.constant 250 : i32
      %lt3A_139 = arith.cmpi slt, %add3A_137, %lt3A_138 : i32
      %convert_element_type3A_140 = arith.extui %lt3A_139 : i1 to i32
      %cond3A_141 = arith.constant 0 : i32
      %cond3A_142 = arith.cmpi ne, %convert_element_type3A_140, %cond3A_141 : i32
      scf.if %cond3A_142 {
        %dma_wait3A_161 = arith.constant 1 : i32
        %dma_wait3A_162 = arith.constant 0 : i32
        %dma_wait3A_163 = tpu.memref_slice %arg6[%dma_wait3A_161, %dma_wait3A_162] : memref<4x400xi32, #tpu.memory_space<vmem>> -> memref<1x400xi32, #tpu.memory_space<vmem>>
        %dma_wait3A_164 = tpu.memref_squeeze %dma_wait3A_163 : memref<1x400xi32, #tpu.memory_space<vmem>> -> memref<400xi32, #tpu.memory_space<vmem>>
        %dma_wait3A_165 = arith.constant 0 : i32
        %dma_wait3A_166 = arith.constant 0 : i32
        %dma_wait3A_167 = tpu.memref_slice %arg3[%dma_wait3A_165, %dma_wait3A_166] : memref<100096x16xf32, #tpu.memory_space<hbm>> -> memref<100096x16xf32, #tpu.memory_space<hbm>>
        tpu.wait_indirect_dma semaphore(%arg13 : memref<!tpu.dma_semaphore, #tpu.memory_space<semaphore_mem>>) src(%dma_wait3A_167 : memref<100096x16xf32, #tpu.memory_space<hbm>>) dst(%arg9 : memref<400x16xf32, #tpu.memory_space<vmem>>)
        %dma_start3A_168 = arith.constant 1 : i32
        %dma_start3A_169 = arith.constant 0 : i32
        %dma_start3A_170 = tpu.memref_slice %arg7[%dma_start3A_168, %dma_start3A_169] : memref<4x400xi32, #tpu.memory_space<vmem>> -> memref<1x400xi32, #tpu.memory_space<vmem>>
        %dma_start3A_171 = tpu.memref_squeeze %dma_start3A_170 : memref<1x400xi32, #tpu.memory_space<vmem>> -> memref<400xi32, #tpu.memory_space<vmem>>
        %dma_start3A_172 = arith.constant 0 : i32
        %dma_start3A_173 = arith.constant 0 : i32
        %dma_start3A_174 = tpu.memref_slice %arg11[%dma_start3A_172, %dma_start3A_173] : memref<100096x16xf32, #tpu.memory_space<vmem_shared>> -> memref<100096x16xf32, #tpu.memory_space<vmem_shared>>
        tpu.enqueue_indirect_dma source(%arg9 : memref<400x16xf32, #tpu.memory_space<vmem>>) target(%dma_start3A_174 : memref<100096x16xf32, #tpu.memory_space<vmem_shared>>) offsets(%dma_start3A_171 : memref<400xi32, #tpu.memory_space<vmem>>) semaphore(%arg14 : memref<!tpu.dma_semaphore, #tpu.memory_space<semaphore_mem>>) {add = true}
        %ge3A = arith.constant 1 : i32
        %ge3A_175 = arith.cmpi sge, %add3A_137, %ge3A : i32
        %convert_element_type3A_176 = arith.extui %ge3A_175 : i1 to i32
        %cond3A_177 = arith.constant 0 : i32
        %cond3A_178 = arith.cmpi ne, %convert_element_type3A_176, %cond3A_177 : i32
        scf.if %cond3A_178 {
          %dma_wait3A_193 = arith.constant 0 : i32
          %dma_wait3A_194 = arith.constant 0 : i32
          %dma_wait3A_195 = tpu.memref_slice %arg7[%dma_wait3A_193, %dma_wait3A_194] : memref<4x400xi32, #tpu.memory_space<vmem>> -> memref<1x400xi32, #tpu.memory_space<vmem>>
          %dma_wait3A_196 = tpu.memref_squeeze %dma_wait3A_195 : memref<1x400xi32, #tpu.memory_space<vmem>> -> memref<400xi32, #tpu.memory_space<vmem>>
          %dma_wait3A_197 = arith.constant 0 : i32
          %dma_wait3A_198 = arith.constant 0 : i32
          %dma_wait3A_199 = tpu.memref_slice %arg11[%dma_wait3A_197, %dma_wait3A_198] : memref<100096x16xf32, #tpu.memory_space<vmem_shared>> -> memref<100096x16xf32, #tpu.memory_space<vmem_shared>>
          tpu.wait_indirect_dma semaphore(%arg14 : memref<!tpu.dma_semaphore, #tpu.memory_space<semaphore_mem>>) src(%arg8 : memref<400x16xf32, #tpu.memory_space<vmem>>) dst(%dma_wait3A_199 : memref<100096x16xf32, #tpu.memory_space<vmem_shared>>)
        } else {
        }
        %add3A_179 = arith.constant 1 : i32
        %add3A_180 = arith.addi %add3A_137, %add3A_179 : i32
        %lt3A_181 = arith.constant 250 : i32
        %lt3A_182 = arith.cmpi slt, %add3A_180, %lt3A_181 : i32
        %convert_element_type3A_183 = arith.extui %lt3A_182 : i1 to i32
        %cond3A_184 = arith.constant 0 : i32
        %cond3A_185 = arith.cmpi ne, %convert_element_type3A_183, %cond3A_184 : i32
        scf.if %cond3A_185 {
          %dma_wait3A_193 = arith.constant 2 : i32
          %dma_wait3A_194 = arith.constant 0 : i32
          %dma_wait3A_195 = tpu.memref_slice %arg6[%dma_wait3A_193, %dma_wait3A_194] : memref<4x400xi32, #tpu.memory_space<vmem>> -> memref<1x400xi32, #tpu.memory_space<vmem>>
          %dma_wait3A_196 = tpu.memref_squeeze %dma_wait3A_195 : memref<1x400xi32, #tpu.memory_space<vmem>> -> memref<400xi32, #tpu.memory_space<vmem>>
          %dma_wait3A_197 = arith.constant 0 : i32
          %dma_wait3A_198 = tpu.memref_slice %arg2[%dma_wait3A_197] : memref<6400000xi32, #tpu.memory_space<hbm>> -> memref<400xi32, #tpu.memory_space<hbm>>
          %dma_wait3A_199 = arith.constant 0 : i32
          %dma_wait3A_200 = tpu.memref_slice %arg6[%dma_wait3A_193, %dma_wait3A_199] : memref<4x400xi32, #tpu.memory_space<vmem>> -> memref<1x400xi32, #tpu.memory_space<vmem>>
          %dma_wait3A_201 = tpu.memref_squeeze %dma_wait3A_200 : memref<1x400xi32, #tpu.memory_space<vmem>> -> memref<400xi32, #tpu.memory_space<vmem>>
          %dma_wait3A_202 = arith.constant 0 : i32
          %dma_wait3A_203 = tpu.memref_slice %arg2[%dma_wait3A_202] : memref<6400000xi32, #tpu.memory_space<hbm>> -> memref<400xi32, #tpu.memory_space<hbm>>
          tpu.wait_dma2 semaphore(%arg12 : memref<!tpu.dma_semaphore, #tpu.memory_space<semaphore_mem>>) src(%dma_wait3A_203 : memref<400xi32, #tpu.memory_space<hbm>>) dst(%dma_wait3A_201 : memref<400xi32, #tpu.memory_space<vmem>>)
          %dma_wait3A_204 = arith.constant 2 : i32
          %dma_wait3A_205 = arith.constant 0 : i32
          %dma_wait3A_206 = tpu.memref_slice %arg7[%dma_wait3A_204, %dma_wait3A_205] : memref<4x400xi32, #tpu.memory_space<vmem>> -> memref<1x400xi32, #tpu.memory_space<vmem>>
          %dma_wait3A_207 = tpu.memref_squeeze %dma_wait3A_206 : memref<1x400xi32, #tpu.memory_space<vmem>> -> memref<400xi32, #tpu.memory_space<vmem>>
          %dma_wait3A_208 = arith.constant 0 : i32
          %dma_wait3A_209 = tpu.memref_slice %arg2[%dma_wait3A_208] : memref<6400000xi32, #tpu.memory_space<hbm>> -> memref<400xi32, #tpu.memory_space<hbm>>
          %dma_wait3A_210 = arith.constant 0 : i32
          %dma_wait3A_211 = tpu.memref_slice %arg7[%dma_wait3A_204, %dma_wait3A_210] : memref<4x400xi32, #tpu.memory_space<vmem>> -> memref<1x400xi32, #tpu.memory_space<vmem>>
          %dma_wait3A_212 = tpu.memref_squeeze %dma_wait3A_211 : memref<1x400xi32, #tpu.memory_space<vmem>> -> memref<400xi32, #tpu.memory_space<vmem>>
          %dma_wait3A_213 = arith.constant 0 : i32
          %dma_wait3A_214 = tpu.memref_slice %arg2[%dma_wait3A_213] : memref<6400000xi32, #tpu.memory_space<hbm>> -> memref<400xi32, #tpu.memory_space<hbm>>
          tpu.wait_dma2 semaphore(%arg12 : memref<!tpu.dma_semaphore, #tpu.memory_space<semaphore_mem>>) src(%dma_wait3A_214 : memref<400xi32, #tpu.memory_space<hbm>>) dst(%dma_wait3A_212 : memref<400xi32, #tpu.memory_space<vmem>>)
          %dma_start3A_215 = arith.constant 2 : i32
          %dma_start3A_216 = arith.constant 0 : i32
          %dma_start3A_217 = tpu.memref_slice %arg6[%dma_start3A_215, %dma_start3A_216] : memref<4x400xi32, #tpu.memory_space<vmem>> -> memref<1x400xi32, #tpu.memory_space<vmem>>
          %dma_start3A_218 = tpu.memref_squeeze %dma_start3A_217 : memref<1x400xi32, #tpu.memory_space<vmem>> -> memref<400xi32, #tpu.memory_space<vmem>>
          %dma_start3A_219 = arith.constant 0 : i32
          %dma_start3A_220 = arith.constant 0 : i32
          %dma_start3A_221 = tpu.memref_slice %arg3[%dma_start3A_219, %dma_start3A_220] : memref<100096x16xf32, #tpu.memory_space<hbm>> -> memref<100096x16xf32, #tpu.memory_space<hbm>>
          tpu.enqueue_indirect_dma source(%dma_start3A_221 : memref<100096x16xf32, #tpu.memory_space<hbm>>) target(%arg8 : memref<400x16xf32, #tpu.memory_space<vmem>>) offsets(%dma_start3A_218 : memref<400xi32, #tpu.memory_space<vmem>>) semaphore(%arg13 : memref<!tpu.dma_semaphore, #tpu.memory_space<semaphore_mem>>)
        } else {
        }
        %add3A_186 = arith.constant 3 : i32
        %add3A_187 = arith.addi %add3A_137, %add3A_186 : i32
        %lt3A_188 = arith.constant 250 : i32
        %lt3A_189 = arith.cmpi slt, %add3A_187, %lt3A_188 : i32
        %convert_element_type3A_190 = arith.extui %lt3A_189 : i1 to i32
        %cond3A_191 = arith.constant 0 : i32
        %cond3A_192 = arith.cmpi ne, %convert_element_type3A_190, %cond3A_191 : i32
        scf.if %cond3A_192 {
          %add3A_193 = arith.constant 3 : i32
          %add3A_194 = arith.addi %add3A_137, %add3A_193 : i32
          %mul3A_195 = arith.constant 100000 : i32
          %mul3A_196 = arith.muli %add3A, %mul3A_195 : i32
          %mul3A_197 = arith.constant 400 : i32
          %mul3A_198 = arith.muli %add3A_194, %mul3A_197 : i32
          %add3A_199 = arith.addi %mul3A_196, %mul3A_198 : i32
          %dma_start3A_200 = arith.constant 0 : i32
          %dma_start3A_201 = arith.constant 0 : i32
          %dma_start3A_202 = tpu.memref_slice %arg6[%dma_start3A_200, %dma_start3A_201] : memref<4x400xi32, #tpu.memory_space<vmem>> -> memref<1x400xi32, #tpu.memory_space<vmem>>
          %dma_start3A_203 = tpu.memref_squeeze %dma_start3A_202 : memref<1x400xi32, #tpu.memory_space<vmem>> -> memref<400xi32, #tpu.memory_space<vmem>>
          %dma_start3A_204 = tpu.memref_slice %arg2[%add3A_199] : memref<6400000xi32, #tpu.memory_space<hbm>> -> memref<400xi32, #tpu.memory_space<hbm>>
          %dma_start3A_205 = arith.constant 0 : i32
          %dma_start3A_206 = tpu.memref_slice %arg6[%dma_start3A_200, %dma_start3A_205] : memref<4x400xi32, #tpu.memory_space<vmem>> -> memref<1x400xi32, #tpu.memory_space<vmem>>
          %dma_start3A_207 = tpu.memref_squeeze %dma_start3A_206 : memref<1x400xi32, #tpu.memory_space<vmem>> -> memref<400xi32, #tpu.memory_space<vmem>>
          %dma_start3A_208 = tpu.memref_slice %arg2[%add3A_199] : memref<6400000xi32, #tpu.memory_space<hbm>> -> memref<400xi32, #tpu.memory_space<hbm>>
          tpu.enqueue_dma source(%dma_start3A_208 : memref<400xi32, #tpu.memory_space<hbm>>) target(%dma_start3A_207 : memref<400xi32, #tpu.memory_space<vmem>>) target_semaphore(%arg12 : memref<!tpu.dma_semaphore, #tpu.memory_space<semaphore_mem>>)
          %add3A_209 = arith.constant 3200000 : i32
          %add3A_210 = arith.addi %add3A_209, %add3A_199 : i32
          %dma_start3A_211 = arith.constant 0 : i32
          %dma_start3A_212 = arith.constant 0 : i32
          %dma_start3A_213 = tpu.memref_slice %arg7[%dma_start3A_211, %dma_start3A_212] : memref<4x400xi32, #tpu.memory_space<vmem>> -> memref<1x400xi32, #tpu.memory_space<vmem>>
          %dma_start3A_214 = tpu.memref_squeeze %dma_start3A_213 : memref<1x400xi32, #tpu.memory_space<vmem>> -> memref<400xi32, #tpu.memory_space<vmem>>
          %dma_start3A_215 = tpu.memref_slice %arg2[%add3A_210] : memref<6400000xi32, #tpu.memory_space<hbm>> -> memref<400xi32, #tpu.memory_space<hbm>>
          %dma_start3A_216 = arith.constant 0 : i32
          %dma_start3A_217 = tpu.memref_slice %arg7[%dma_start3A_211, %dma_start3A_216] : memref<4x400xi32, #tpu.memory_space<vmem>> -> memref<1x400xi32, #tpu.memory_space<vmem>>
          %dma_start3A_218 = tpu.memref_squeeze %dma_start3A_217 : memref<1x400xi32, #tpu.memory_space<vmem>> -> memref<400xi32, #tpu.memory_space<vmem>>
          %dma_start3A_219 = tpu.memref_slice %arg2[%add3A_210] : memref<6400000xi32, #tpu.memory_space<hbm>> -> memref<400xi32, #tpu.memory_space<hbm>>
          tpu.enqueue_dma source(%dma_start3A_219 : memref<400xi32, #tpu.memory_space<hbm>>) target(%dma_start3A_218 : memref<400xi32, #tpu.memory_space<vmem>>) target_semaphore(%arg12 : memref<!tpu.dma_semaphore, #tpu.memory_space<semaphore_mem>>)
        } else {
        }
      } else {
      }
      %mul3A_143 = arith.constant 4 : i32
      %mul3A_144 = arith.muli %mul3A_143, %scan3A_127 : i32
      %add3A_145 = arith.constant 2 : i32
      %add3A_146 = arith.addi %mul3A_144, %add3A_145 : i32
      %lt3A_147 = arith.constant 250 : i32
      %lt3A_148 = arith.cmpi slt, %add3A_146, %lt3A_147 : i32
      %convert_element_type3A_149 = arith.extui %lt3A_148 : i1 to i32
      %cond3A_150 = arith.constant 0 : i32
      %cond3A_151 = arith.cmpi ne, %convert_element_type3A_149, %cond3A_150 : i32
      scf.if %cond3A_151 {
        %dma_wait3A_161 = arith.constant 2 : i32
        %dma_wait3A_162 = arith.constant 0 : i32
        %dma_wait3A_163 = tpu.memref_slice %arg6[%dma_wait3A_161, %dma_wait3A_162] : memref<4x400xi32, #tpu.memory_space<vmem>> -> memref<1x400xi32, #tpu.memory_space<vmem>>
        %dma_wait3A_164 = tpu.memref_squeeze %dma_wait3A_163 : memref<1x400xi32, #tpu.memory_space<vmem>> -> memref<400xi32, #tpu.memory_space<vmem>>
        %dma_wait3A_165 = arith.constant 0 : i32
        %dma_wait3A_166 = arith.constant 0 : i32
        %dma_wait3A_167 = tpu.memref_slice %arg3[%dma_wait3A_165, %dma_wait3A_166] : memref<100096x16xf32, #tpu.memory_space<hbm>> -> memref<100096x16xf32, #tpu.memory_space<hbm>>
        tpu.wait_indirect_dma semaphore(%arg13 : memref<!tpu.dma_semaphore, #tpu.memory_space<semaphore_mem>>) src(%dma_wait3A_167 : memref<100096x16xf32, #tpu.memory_space<hbm>>) dst(%arg8 : memref<400x16xf32, #tpu.memory_space<vmem>>)
        %dma_start3A_168 = arith.constant 2 : i32
        %dma_start3A_169 = arith.constant 0 : i32
        %dma_start3A_170 = tpu.memref_slice %arg7[%dma_start3A_168, %dma_start3A_169] : memref<4x400xi32, #tpu.memory_space<vmem>> -> memref<1x400xi32, #tpu.memory_space<vmem>>
        %dma_start3A_171 = tpu.memref_squeeze %dma_start3A_170 : memref<1x400xi32, #tpu.memory_space<vmem>> -> memref<400xi32, #tpu.memory_space<vmem>>
        %dma_start3A_172 = arith.constant 0 : i32
        %dma_start3A_173 = arith.constant 0 : i32
        %dma_start3A_174 = tpu.memref_slice %arg11[%dma_start3A_172, %dma_start3A_173] : memref<100096x16xf32, #tpu.memory_space<vmem_shared>> -> memref<100096x16xf32, #tpu.memory_space<vmem_shared>>
        tpu.enqueue_indirect_dma source(%arg8 : memref<400x16xf32, #tpu.memory_space<vmem>>) target(%dma_start3A_174 : memref<100096x16xf32, #tpu.memory_space<vmem_shared>>) offsets(%dma_start3A_171 : memref<400xi32, #tpu.memory_space<vmem>>) semaphore(%arg14 : memref<!tpu.dma_semaphore, #tpu.memory_space<semaphore_mem>>) {add = true}
        %ge3A = arith.constant 1 : i32
        %ge3A_175 = arith.cmpi sge, %add3A_146, %ge3A : i32
        %convert_element_type3A_176 = arith.extui %ge3A_175 : i1 to i32
        %cond3A_177 = arith.constant 0 : i32
        %cond3A_178 = arith.cmpi ne, %convert_element_type3A_176, %cond3A_177 : i32
        scf.if %cond3A_178 {
          %dma_wait3A_193 = arith.constant 1 : i32
          %dma_wait3A_194 = arith.constant 0 : i32
          %dma_wait3A_195 = tpu.memref_slice %arg7[%dma_wait3A_193, %dma_wait3A_194] : memref<4x400xi32, #tpu.memory_space<vmem>> -> memref<1x400xi32, #tpu.memory_space<vmem>>
          %dma_wait3A_196 = tpu.memref_squeeze %dma_wait3A_195 : memref<1x400xi32, #tpu.memory_space<vmem>> -> memref<400xi32, #tpu.memory_space<vmem>>
          %dma_wait3A_197 = arith.constant 0 : i32
          %dma_wait3A_198 = arith.constant 0 : i32
          %dma_wait3A_199 = tpu.memref_slice %arg11[%dma_wait3A_197, %dma_wait3A_198] : memref<100096x16xf32, #tpu.memory_space<vmem_shared>> -> memref<100096x16xf32, #tpu.memory_space<vmem_shared>>
          tpu.wait_indirect_dma semaphore(%arg14 : memref<!tpu.dma_semaphore, #tpu.memory_space<semaphore_mem>>) src(%arg9 : memref<400x16xf32, #tpu.memory_space<vmem>>) dst(%dma_wait3A_199 : memref<100096x16xf32, #tpu.memory_space<vmem_shared>>)
        } else {
        }
        %add3A_179 = arith.constant 1 : i32
        %add3A_180 = arith.addi %add3A_146, %add3A_179 : i32
        %lt3A_181 = arith.constant 250 : i32
        %lt3A_182 = arith.cmpi slt, %add3A_180, %lt3A_181 : i32
        %convert_element_type3A_183 = arith.extui %lt3A_182 : i1 to i32
        %cond3A_184 = arith.constant 0 : i32
        %cond3A_185 = arith.cmpi ne, %convert_element_type3A_183, %cond3A_184 : i32
        scf.if %cond3A_185 {
          %dma_wait3A_193 = arith.constant 3 : i32
          %dma_wait3A_194 = arith.constant 0 : i32
          %dma_wait3A_195 = tpu.memref_slice %arg6[%dma_wait3A_193, %dma_wait3A_194] : memref<4x400xi32, #tpu.memory_space<vmem>> -> memref<1x400xi32, #tpu.memory_space<vmem>>
          %dma_wait3A_196 = tpu.memref_squeeze %dma_wait3A_195 : memref<1x400xi32, #tpu.memory_space<vmem>> -> memref<400xi32, #tpu.memory_space<vmem>>
          %dma_wait3A_197 = arith.constant 0 : i32
          %dma_wait3A_198 = tpu.memref_slice %arg2[%dma_wait3A_197] : memref<6400000xi32, #tpu.memory_space<hbm>> -> memref<400xi32, #tpu.memory_space<hbm>>
          %dma_wait3A_199 = arith.constant 0 : i32
          %dma_wait3A_200 = tpu.memref_slice %arg6[%dma_wait3A_193, %dma_wait3A_199] : memref<4x400xi32, #tpu.memory_space<vmem>> -> memref<1x400xi32, #tpu.memory_space<vmem>>
          %dma_wait3A_201 = tpu.memref_squeeze %dma_wait3A_200 : memref<1x400xi32, #tpu.memory_space<vmem>> -> memref<400xi32, #tpu.memory_space<vmem>>
          %dma_wait3A_202 = arith.constant 0 : i32
          %dma_wait3A_203 = tpu.memref_slice %arg2[%dma_wait3A_202] : memref<6400000xi32, #tpu.memory_space<hbm>> -> memref<400xi32, #tpu.memory_space<hbm>>
          tpu.wait_dma2 semaphore(%arg12 : memref<!tpu.dma_semaphore, #tpu.memory_space<semaphore_mem>>) src(%dma_wait3A_203 : memref<400xi32, #tpu.memory_space<hbm>>) dst(%dma_wait3A_201 : memref<400xi32, #tpu.memory_space<vmem>>)
          %dma_wait3A_204 = arith.constant 3 : i32
          %dma_wait3A_205 = arith.constant 0 : i32
          %dma_wait3A_206 = tpu.memref_slice %arg7[%dma_wait3A_204, %dma_wait3A_205] : memref<4x400xi32, #tpu.memory_space<vmem>> -> memref<1x400xi32, #tpu.memory_space<vmem>>
          %dma_wait3A_207 = tpu.memref_squeeze %dma_wait3A_206 : memref<1x400xi32, #tpu.memory_space<vmem>> -> memref<400xi32, #tpu.memory_space<vmem>>
          %dma_wait3A_208 = arith.constant 0 : i32
          %dma_wait3A_209 = tpu.memref_slice %arg2[%dma_wait3A_208] : memref<6400000xi32, #tpu.memory_space<hbm>> -> memref<400xi32, #tpu.memory_space<hbm>>
          %dma_wait3A_210 = arith.constant 0 : i32
          %dma_wait3A_211 = tpu.memref_slice %arg7[%dma_wait3A_204, %dma_wait3A_210] : memref<4x400xi32, #tpu.memory_space<vmem>> -> memref<1x400xi32, #tpu.memory_space<vmem>>
          %dma_wait3A_212 = tpu.memref_squeeze %dma_wait3A_211 : memref<1x400xi32, #tpu.memory_space<vmem>> -> memref<400xi32, #tpu.memory_space<vmem>>
          %dma_wait3A_213 = arith.constant 0 : i32
          %dma_wait3A_214 = tpu.memref_slice %arg2[%dma_wait3A_213] : memref<6400000xi32, #tpu.memory_space<hbm>> -> memref<400xi32, #tpu.memory_space<hbm>>
          tpu.wait_dma2 semaphore(%arg12 : memref<!tpu.dma_semaphore, #tpu.memory_space<semaphore_mem>>) src(%dma_wait3A_214 : memref<400xi32, #tpu.memory_space<hbm>>) dst(%dma_wait3A_212 : memref<400xi32, #tpu.memory_space<vmem>>)
          %dma_start3A_215 = arith.constant 3 : i32
          %dma_start3A_216 = arith.constant 0 : i32
          %dma_start3A_217 = tpu.memref_slice %arg6[%dma_start3A_215, %dma_start3A_216] : memref<4x400xi32, #tpu.memory_space<vmem>> -> memref<1x400xi32, #tpu.memory_space<vmem>>
          %dma_start3A_218 = tpu.memref_squeeze %dma_start3A_217 : memref<1x400xi32, #tpu.memory_space<vmem>> -> memref<400xi32, #tpu.memory_space<vmem>>
          %dma_start3A_219 = arith.constant 0 : i32
          %dma_start3A_220 = arith.constant 0 : i32
          %dma_start3A_221 = tpu.memref_slice %arg3[%dma_start3A_219, %dma_start3A_220] : memref<100096x16xf32, #tpu.memory_space<hbm>> -> memref<100096x16xf32, #tpu.memory_space<hbm>>
          tpu.enqueue_indirect_dma source(%dma_start3A_221 : memref<100096x16xf32, #tpu.memory_space<hbm>>) target(%arg9 : memref<400x16xf32, #tpu.memory_space<vmem>>) offsets(%dma_start3A_218 : memref<400xi32, #tpu.memory_space<vmem>>) semaphore(%arg13 : memref<!tpu.dma_semaphore, #tpu.memory_space<semaphore_mem>>)
        } else {
        }
        %add3A_186 = arith.constant 3 : i32
        %add3A_187 = arith.addi %add3A_146, %add3A_186 : i32
        %lt3A_188 = arith.constant 250 : i32
        %lt3A_189 = arith.cmpi slt, %add3A_187, %lt3A_188 : i32
        %convert_element_type3A_190 = arith.extui %lt3A_189 : i1 to i32
        %cond3A_191 = arith.constant 0 : i32
        %cond3A_192 = arith.cmpi ne, %convert_element_type3A_190, %cond3A_191 : i32
        scf.if %cond3A_192 {
          %add3A_193 = arith.constant 3 : i32
          %add3A_194 = arith.addi %add3A_146, %add3A_193 : i32
          %mul3A_195 = arith.constant 100000 : i32
          %mul3A_196 = arith.muli %add3A, %mul3A_195 : i32
          %mul3A_197 = arith.constant 400 : i32
          %mul3A_198 = arith.muli %add3A_194, %mul3A_197 : i32
          %add3A_199 = arith.addi %mul3A_196, %mul3A_198 : i32
          %dma_start3A_200 = arith.constant 1 : i32
          %dma_start3A_201 = arith.constant 0 : i32
          %dma_start3A_202 = tpu.memref_slice %arg6[%dma_start3A_200, %dma_start3A_201] : memref<4x400xi32, #tpu.memory_space<vmem>> -> memref<1x400xi32, #tpu.memory_space<vmem>>
          %dma_start3A_203 = tpu.memref_squeeze %dma_start3A_202 : memref<1x400xi32, #tpu.memory_space<vmem>> -> memref<400xi32, #tpu.memory_space<vmem>>
          %dma_start3A_204 = tpu.memref_slice %arg2[%add3A_199] : memref<6400000xi32, #tpu.memory_space<hbm>> -> memref<400xi32, #tpu.memory_space<hbm>>
          %dma_start3A_205 = arith.constant 0 : i32
          %dma_start3A_206 = tpu.memref_slice %arg6[%dma_start3A_200, %dma_start3A_205] : memref<4x400xi32, #tpu.memory_space<vmem>> -> memref<1x400xi32, #tpu.memory_space<vmem>>
          %dma_start3A_207 = tpu.memref_squeeze %dma_start3A_206 : memref<1x400xi32, #tpu.memory_space<vmem>> -> memref<400xi32, #tpu.memory_space<vmem>>
          %dma_start3A_208 = tpu.memref_slice %arg2[%add3A_199] : memref<6400000xi32, #tpu.memory_space<hbm>> -> memref<400xi32, #tpu.memory_space<hbm>>
          tpu.enqueue_dma source(%dma_start3A_208 : memref<400xi32, #tpu.memory_space<hbm>>) target(%dma_start3A_207 : memref<400xi32, #tpu.memory_space<vmem>>) target_semaphore(%arg12 : memref<!tpu.dma_semaphore, #tpu.memory_space<semaphore_mem>>)
          %add3A_209 = arith.constant 3200000 : i32
          %add3A_210 = arith.addi %add3A_209, %add3A_199 : i32
          %dma_start3A_211 = arith.constant 1 : i32
          %dma_start3A_212 = arith.constant 0 : i32
          %dma_start3A_213 = tpu.memref_slice %arg7[%dma_start3A_211, %dma_start3A_212] : memref<4x400xi32, #tpu.memory_space<vmem>> -> memref<1x400xi32, #tpu.memory_space<vmem>>
          %dma_start3A_214 = tpu.memref_squeeze %dma_start3A_213 : memref<1x400xi32, #tpu.memory_space<vmem>> -> memref<400xi32, #tpu.memory_space<vmem>>
          %dma_start3A_215 = tpu.memref_slice %arg2[%add3A_210] : memref<6400000xi32, #tpu.memory_space<hbm>> -> memref<400xi32, #tpu.memory_space<hbm>>
          %dma_start3A_216 = arith.constant 0 : i32
          %dma_start3A_217 = tpu.memref_slice %arg7[%dma_start3A_211, %dma_start3A_216] : memref<4x400xi32, #tpu.memory_space<vmem>> -> memref<1x400xi32, #tpu.memory_space<vmem>>
          %dma_start3A_218 = tpu.memref_squeeze %dma_start3A_217 : memref<1x400xi32, #tpu.memory_space<vmem>> -> memref<400xi32, #tpu.memory_space<vmem>>
          %dma_start3A_219 = tpu.memref_slice %arg2[%add3A_210] : memref<6400000xi32, #tpu.memory_space<hbm>> -> memref<400xi32, #tpu.memory_space<hbm>>
          tpu.enqueue_dma source(%dma_start3A_219 : memref<400xi32, #tpu.memory_space<hbm>>) target(%dma_start3A_218 : memref<400xi32, #tpu.memory_space<vmem>>) target_semaphore(%arg12 : memref<!tpu.dma_semaphore, #tpu.memory_space<semaphore_mem>>)
        } else {
        }
      } else {
      }
      %mul3A_152 = arith.constant 4 : i32
      %mul3A_153 = arith.muli %mul3A_152, %scan3A_127 : i32
      %add3A_154 = arith.constant 3 : i32
      %add3A_155 = arith.addi %mul3A_153, %add3A_154 : i32
      %lt3A_156 = arith.constant 250 : i32
      %lt3A_157 = arith.cmpi slt, %add3A_155, %lt3A_156 : i32
      %convert_element_type3A_158 = arith.extui %lt3A_157 : i1 to i32
      %cond3A_159 = arith.constant 0 : i32
      %cond3A_160 = arith.cmpi ne, %convert_element_type3A_158, %cond3A_159 : i32
      scf.if %cond3A_160 {
        %dma_wait3A_161 = arith.constant 3 : i32
        %dma_wait3A_162 = arith.constant 0 : i32
        %dma_wait3A_163 = tpu.memref_slice %arg6[%dma_wait3A_161, %dma_wait3A_162] : memref<4x400xi32, #tpu.memory_space<vmem>> -> memref<1x400xi32, #tpu.memory_space<vmem>>
        %dma_wait3A_164 = tpu.memref_squeeze %dma_wait3A_163 : memref<1x400xi32, #tpu.memory_space<vmem>> -> memref<400xi32, #tpu.memory_space<vmem>>
        %dma_wait3A_165 = arith.constant 0 : i32
        %dma_wait3A_166 = arith.constant 0 : i32
        %dma_wait3A_167 = tpu.memref_slice %arg3[%dma_wait3A_165, %dma_wait3A_166] : memref<100096x16xf32, #tpu.memory_space<hbm>> -> memref<100096x16xf32, #tpu.memory_space<hbm>>
        tpu.wait_indirect_dma semaphore(%arg13 : memref<!tpu.dma_semaphore, #tpu.memory_space<semaphore_mem>>) src(%dma_wait3A_167 : memref<100096x16xf32, #tpu.memory_space<hbm>>) dst(%arg9 : memref<400x16xf32, #tpu.memory_space<vmem>>)
        %dma_start3A_168 = arith.constant 3 : i32
        %dma_start3A_169 = arith.constant 0 : i32
        %dma_start3A_170 = tpu.memref_slice %arg7[%dma_start3A_168, %dma_start3A_169] : memref<4x400xi32, #tpu.memory_space<vmem>> -> memref<1x400xi32, #tpu.memory_space<vmem>>
        %dma_start3A_171 = tpu.memref_squeeze %dma_start3A_170 : memref<1x400xi32, #tpu.memory_space<vmem>> -> memref<400xi32, #tpu.memory_space<vmem>>
        %dma_start3A_172 = arith.constant 0 : i32
        %dma_start3A_173 = arith.constant 0 : i32
        %dma_start3A_174 = tpu.memref_slice %arg11[%dma_start3A_172, %dma_start3A_173] : memref<100096x16xf32, #tpu.memory_space<vmem_shared>> -> memref<100096x16xf32, #tpu.memory_space<vmem_shared>>
        tpu.enqueue_indirect_dma source(%arg9 : memref<400x16xf32, #tpu.memory_space<vmem>>) target(%dma_start3A_174 : memref<100096x16xf32, #tpu.memory_space<vmem_shared>>) offsets(%dma_start3A_171 : memref<400xi32, #tpu.memory_space<vmem>>) semaphore(%arg14 : memref<!tpu.dma_semaphore, #tpu.memory_space<semaphore_mem>>) {add = true}
        %ge3A = arith.constant 1 : i32
        %ge3A_175 = arith.cmpi sge, %add3A_155, %ge3A : i32
        %convert_element_type3A_176 = arith.extui %ge3A_175 : i1 to i32
        %cond3A_177 = arith.constant 0 : i32
        %cond3A_178 = arith.cmpi ne, %convert_element_type3A_176, %cond3A_177 : i32
        scf.if %cond3A_178 {
          %dma_wait3A_193 = arith.constant 2 : i32
          %dma_wait3A_194 = arith.constant 0 : i32
          %dma_wait3A_195 = tpu.memref_slice %arg7[%dma_wait3A_193, %dma_wait3A_194] : memref<4x400xi32, #tpu.memory_space<vmem>> -> memref<1x400xi32, #tpu.memory_space<vmem>>
          %dma_wait3A_196 = tpu.memref_squeeze %dma_wait3A_195 : memref<1x400xi32, #tpu.memory_space<vmem>> -> memref<400xi32, #tpu.memory_space<vmem>>
          %dma_wait3A_197 = arith.constant 0 : i32
          %dma_wait3A_198 = arith.constant 0 : i32
          %dma_wait3A_199 = tpu.memref_slice %arg11[%dma_wait3A_197, %dma_wait3A_198] : memref<100096x16xf32, #tpu.memory_space<vmem_shared>> -> memref<100096x16xf32, #tpu.memory_space<vmem_shared>>
          tpu.wait_indirect_dma semaphore(%arg14 : memref<!tpu.dma_semaphore, #tpu.memory_space<semaphore_mem>>) src(%arg8 : memref<400x16xf32, #tpu.memory_space<vmem>>) dst(%dma_wait3A_199 : memref<100096x16xf32, #tpu.memory_space<vmem_shared>>)
        } else {
        }
        %add3A_179 = arith.constant 1 : i32
        %add3A_180 = arith.addi %add3A_155, %add3A_179 : i32
        %lt3A_181 = arith.constant 250 : i32
        %lt3A_182 = arith.cmpi slt, %add3A_180, %lt3A_181 : i32
        %convert_element_type3A_183 = arith.extui %lt3A_182 : i1 to i32
        %cond3A_184 = arith.constant 0 : i32
        %cond3A_185 = arith.cmpi ne, %convert_element_type3A_183, %cond3A_184 : i32
        scf.if %cond3A_185 {
          %dma_wait3A_193 = arith.constant 0 : i32
          %dma_wait3A_194 = arith.constant 0 : i32
          %dma_wait3A_195 = tpu.memref_slice %arg6[%dma_wait3A_193, %dma_wait3A_194] : memref<4x400xi32, #tpu.memory_space<vmem>> -> memref<1x400xi32, #tpu.memory_space<vmem>>
          %dma_wait3A_196 = tpu.memref_squeeze %dma_wait3A_195 : memref<1x400xi32, #tpu.memory_space<vmem>> -> memref<400xi32, #tpu.memory_space<vmem>>
          %dma_wait3A_197 = arith.constant 0 : i32
          %dma_wait3A_198 = tpu.memref_slice %arg2[%dma_wait3A_197] : memref<6400000xi32, #tpu.memory_space<hbm>> -> memref<400xi32, #tpu.memory_space<hbm>>
          %dma_wait3A_199 = arith.constant 0 : i32
          %dma_wait3A_200 = tpu.memref_slice %arg6[%dma_wait3A_193, %dma_wait3A_199] : memref<4x400xi32, #tpu.memory_space<vmem>> -> memref<1x400xi32, #tpu.memory_space<vmem>>
          %dma_wait3A_201 = tpu.memref_squeeze %dma_wait3A_200 : memref<1x400xi32, #tpu.memory_space<vmem>> -> memref<400xi32, #tpu.memory_space<vmem>>
          %dma_wait3A_202 = arith.constant 0 : i32
          %dma_wait3A_203 = tpu.memref_slice %arg2[%dma_wait3A_202] : memref<6400000xi32, #tpu.memory_space<hbm>> -> memref<400xi32, #tpu.memory_space<hbm>>
          tpu.wait_dma2 semaphore(%arg12 : memref<!tpu.dma_semaphore, #tpu.memory_space<semaphore_mem>>) src(%dma_wait3A_203 : memref<400xi32, #tpu.memory_space<hbm>>) dst(%dma_wait3A_201 : memref<400xi32, #tpu.memory_space<vmem>>)
          %dma_wait3A_204 = arith.constant 0 : i32
          %dma_wait3A_205 = arith.constant 0 : i32
          %dma_wait3A_206 = tpu.memref_slice %arg7[%dma_wait3A_204, %dma_wait3A_205] : memref<4x400xi32, #tpu.memory_space<vmem>> -> memref<1x400xi32, #tpu.memory_space<vmem>>
          %dma_wait3A_207 = tpu.memref_squeeze %dma_wait3A_206 : memref<1x400xi32, #tpu.memory_space<vmem>> -> memref<400xi32, #tpu.memory_space<vmem>>
          %dma_wait3A_208 = arith.constant 0 : i32
          %dma_wait3A_209 = tpu.memref_slice %arg2[%dma_wait3A_208] : memref<6400000xi32, #tpu.memory_space<hbm>> -> memref<400xi32, #tpu.memory_space<hbm>>
          %dma_wait3A_210 = arith.constant 0 : i32
          %dma_wait3A_211 = tpu.memref_slice %arg7[%dma_wait3A_204, %dma_wait3A_210] : memref<4x400xi32, #tpu.memory_space<vmem>> -> memref<1x400xi32, #tpu.memory_space<vmem>>
          %dma_wait3A_212 = tpu.memref_squeeze %dma_wait3A_211 : memref<1x400xi32, #tpu.memory_space<vmem>> -> memref<400xi32, #tpu.memory_space<vmem>>
          %dma_wait3A_213 = arith.constant 0 : i32
          %dma_wait3A_214 = tpu.memref_slice %arg2[%dma_wait3A_213] : memref<6400000xi32, #tpu.memory_space<hbm>> -> memref<400xi32, #tpu.memory_space<hbm>>
          tpu.wait_dma2 semaphore(%arg12 : memref<!tpu.dma_semaphore, #tpu.memory_space<semaphore_mem>>) src(%dma_wait3A_214 : memref<400xi32, #tpu.memory_space<hbm>>) dst(%dma_wait3A_212 : memref<400xi32, #tpu.memory_space<vmem>>)
          %dma_start3A_215 = arith.constant 0 : i32
          %dma_start3A_216 = arith.constant 0 : i32
          %dma_start3A_217 = tpu.memref_slice %arg6[%dma_start3A_215, %dma_start3A_216] : memref<4x400xi32, #tpu.memory_space<vmem>> -> memref<1x400xi32, #tpu.memory_space<vmem>>
          %dma_start3A_218 = tpu.memref_squeeze %dma_start3A_217 : memref<1x400xi32, #tpu.memory_space<vmem>> -> memref<400xi32, #tpu.memory_space<vmem>>
          %dma_start3A_219 = arith.constant 0 : i32
          %dma_start3A_220 = arith.constant 0 : i32
          %dma_start3A_221 = tpu.memref_slice %arg3[%dma_start3A_219, %dma_start3A_220] : memref<100096x16xf32, #tpu.memory_space<hbm>> -> memref<100096x16xf32, #tpu.memory_space<hbm>>
          tpu.enqueue_indirect_dma source(%dma_start3A_221 : memref<100096x16xf32, #tpu.memory_space<hbm>>) target(%arg8 : memref<400x16xf32, #tpu.memory_space<vmem>>) offsets(%dma_start3A_218 : memref<400xi32, #tpu.memory_space<vmem>>) semaphore(%arg13 : memref<!tpu.dma_semaphore, #tpu.memory_space<semaphore_mem>>)
        } else {
        }
        %add3A_186 = arith.constant 3 : i32
        %add3A_187 = arith.addi %add3A_155, %add3A_186 : i32
        %lt3A_188 = arith.constant 250 : i32
        %lt3A_189 = arith.cmpi slt, %add3A_187, %lt3A_188 : i32
        %convert_element_type3A_190 = arith.extui %lt3A_189 : i1 to i32
        %cond3A_191 = arith.constant 0 : i32
        %cond3A_192 = arith.cmpi ne, %convert_element_type3A_190, %cond3A_191 : i32
        scf.if %cond3A_192 {
          %add3A_193 = arith.constant 3 : i32
          %add3A_194 = arith.addi %add3A_155, %add3A_193 : i32
          %mul3A_195 = arith.constant 100000 : i32
          %mul3A_196 = arith.muli %add3A, %mul3A_195 : i32
          %mul3A_197 = arith.constant 400 : i32
          %mul3A_198 = arith.muli %add3A_194, %mul3A_197 : i32
          %add3A_199 = arith.addi %mul3A_196, %mul3A_198 : i32
          %dma_start3A_200 = arith.constant 2 : i32
          %dma_start3A_201 = arith.constant 0 : i32
          %dma_start3A_202 = tpu.memref_slice %arg6[%dma_start3A_200, %dma_start3A_201] : memref<4x400xi32, #tpu.memory_space<vmem>> -> memref<1x400xi32, #tpu.memory_space<vmem>>
          %dma_start3A_203 = tpu.memref_squeeze %dma_start3A_202 : memref<1x400xi32, #tpu.memory_space<vmem>> -> memref<400xi32, #tpu.memory_space<vmem>>
          %dma_start3A_204 = tpu.memref_slice %arg2[%add3A_199] : memref<6400000xi32, #tpu.memory_space<hbm>> -> memref<400xi32, #tpu.memory_space<hbm>>
          %dma_start3A_205 = arith.constant 0 : i32
          %dma_start3A_206 = tpu.memref_slice %arg6[%dma_start3A_200, %dma_start3A_205] : memref<4x400xi32, #tpu.memory_space<vmem>> -> memref<1x400xi32, #tpu.memory_space<vmem>>
          %dma_start3A_207 = tpu.memref_squeeze %dma_start3A_206 : memref<1x400xi32, #tpu.memory_space<vmem>> -> memref<400xi32, #tpu.memory_space<vmem>>
          %dma_start3A_208 = tpu.memref_slice %arg2[%add3A_199] : memref<6400000xi32, #tpu.memory_space<hbm>> -> memref<400xi32, #tpu.memory_space<hbm>>
          tpu.enqueue_dma source(%dma_start3A_208 : memref<400xi32, #tpu.memory_space<hbm>>) target(%dma_start3A_207 : memref<400xi32, #tpu.memory_space<vmem>>) target_semaphore(%arg12 : memref<!tpu.dma_semaphore, #tpu.memory_space<semaphore_mem>>)
          %add3A_209 = arith.constant 3200000 : i32
          %add3A_210 = arith.addi %add3A_209, %add3A_199 : i32
          %dma_start3A_211 = arith.constant 2 : i32
          %dma_start3A_212 = arith.constant 0 : i32
          %dma_start3A_213 = tpu.memref_slice %arg7[%dma_start3A_211, %dma_start3A_212] : memref<4x400xi32, #tpu.memory_space<vmem>> -> memref<1x400xi32, #tpu.memory_space<vmem>>
          %dma_start3A_214 = tpu.memref_squeeze %dma_start3A_213 : memref<1x400xi32, #tpu.memory_space<vmem>> -> memref<400xi32, #tpu.memory_space<vmem>>
          %dma_start3A_215 = tpu.memref_slice %arg2[%add3A_210] : memref<6400000xi32, #tpu.memory_space<hbm>> -> memref<400xi32, #tpu.memory_space<hbm>>
          %dma_start3A_216 = arith.constant 0 : i32
          %dma_start3A_217 = tpu.memref_slice %arg7[%dma_start3A_211, %dma_start3A_216] : memref<4x400xi32, #tpu.memory_space<vmem>> -> memref<1x400xi32, #tpu.memory_space<vmem>>
          %dma_start3A_218 = tpu.memref_squeeze %dma_start3A_217 : memref<1x400xi32, #tpu.memory_space<vmem>> -> memref<400xi32, #tpu.memory_space<vmem>>
          %dma_start3A_219 = tpu.memref_slice %arg2[%add3A_210] : memref<6400000xi32, #tpu.memory_space<hbm>> -> memref<400xi32, #tpu.memory_space<hbm>>
          tpu.enqueue_dma source(%dma_start3A_219 : memref<400xi32, #tpu.memory_space<hbm>>) target(%dma_start3A_218 : memref<400xi32, #tpu.memory_space<vmem>>) target_semaphore(%arg12 : memref<!tpu.dma_semaphore, #tpu.memory_space<semaphore_mem>>)
        } else {
        }
      } else {
      }
    }
    %scan3A_112 = arith.constant 63 : i32
    %dma_wait3A_113 = arith.constant 1 : i32
    %dma_wait3A_114 = arith.constant 0 : i32
    %dma_wait3A_115 = tpu.memref_slice %arg7[%dma_wait3A_113, %dma_wait3A_114] : memref<4x400xi32, #tpu.memory_space<vmem>> -> memref<1x400xi32, #tpu.memory_space<vmem>>
    %dma_wait3A_116 = tpu.memref_squeeze %dma_wait3A_115 : memref<1x400xi32, #tpu.memory_space<vmem>> -> memref<400xi32, #tpu.memory_space<vmem>>
    %dma_wait3A_117 = arith.constant 0 : i32
    %dma_wait3A_118 = arith.constant 0 : i32
    %dma_wait3A_119 = tpu.memref_slice %arg11[%dma_wait3A_117, %dma_wait3A_118] : memref<100096x16xf32, #tpu.memory_space<vmem_shared>> -> memref<100096x16xf32, #tpu.memory_space<vmem_shared>>
    tpu.wait_indirect_dma semaphore(%arg14 : memref<!tpu.dma_semaphore, #tpu.memory_space<semaphore_mem>>) src(%arg9 : memref<400x16xf32, #tpu.memory_space<vmem>>) dst(%dma_wait3A_119 : memref<100096x16xf32, #tpu.memory_space<vmem_shared>>)
    %barrier3A_120 = arith.constant 0 : index
    tpu.barrier barrier_id(%barrier3A_120)
    %scan3A_121 = arith.constant 0 : i32
    %scan3A_122 = arith.constant 0 : i32
    %scan3A_123 = arith.constant 16 : i32
    %scan3A_124 = arith.addi %scan3A_122, %scan3A_123 : i32
    %scan3A_125 = arith.constant 1 : i32
    scf.for %scan3A_127 = %scan3A_122 to %scan3A_124 step %scan3A_125  : i32 {
      %mul3A_128 = arith.constant 391 : i32
      %mul3A_129 = arith.muli %scan3A_127, %mul3A_128 : i32
      %add3A_130 = arith.addi %mul3A_2, %mul3A_129 : i32
      "tpu.region"() ({
        %run_scoped3A = tpu.sem_alloc : memref<!tpu.dma_semaphore, #tpu.memory_space<semaphore_mem>>
        %dma_start3A_134 = arith.constant 0 : i32
        %dma_start3A_135 = tpu.memref_slice %arg11[%add3A_130, %dma_start3A_134] : memref<100096x16xf32, #tpu.memory_space<vmem_shared>> -> memref<391x16xf32, #tpu.memory_space<vmem_shared>>
        %dma_start3A_136 = arith.constant 0 : i32
        %dma_start3A_137 = tpu.memref_slice %arg11[%add3A_130, %dma_start3A_136] : memref<100096x16xf32, #tpu.memory_space<vmem_shared>> -> memref<391x16xf32, #tpu.memory_space<vmem_shared>>
        tpu.enqueue_dma source(%dma_start3A_137 : memref<391x16xf32, #tpu.memory_space<vmem_shared>>) target(%arg10 : memref<391x16xf32, #tpu.memory_space<vmem>>) target_semaphore(%run_scoped3A : memref<!tpu.dma_semaphore, #tpu.memory_space<semaphore_mem>>)
        %dma_wait3A_138 = arith.constant 0 : i32
        %dma_wait3A_139 = tpu.memref_slice %arg11[%add3A_130, %dma_wait3A_138] : memref<100096x16xf32, #tpu.memory_space<vmem_shared>> -> memref<391x16xf32, #tpu.memory_space<vmem_shared>>
        %dma_wait3A_140 = arith.constant 0 : i32
        %dma_wait3A_141 = tpu.memref_slice %arg11[%add3A_130, %dma_wait3A_140] : memref<100096x16xf32, #tpu.memory_space<vmem_shared>> -> memref<391x16xf32, #tpu.memory_space<vmem_shared>>
        tpu.wait_dma2 semaphore(%run_scoped3A : memref<!tpu.dma_semaphore, #tpu.memory_space<semaphore_mem>>) src(%dma_wait3A_141 : memref<391x16xf32, #tpu.memory_space<vmem_shared>>) dst(%arg10 : memref<391x16xf32, #tpu.memory_space<vmem>>)
        tpu.yield
      }) : () -> ()
      %mul3A_131 = arith.constant 100096 : i32
      %mul3A_132 = arith.muli %arg0, %mul3A_131 : i32
      %add3A_133 = arith.addi %mul3A_132, %add3A_130 : i32
      "tpu.region"() ({
        %run_scoped3A = tpu.sem_alloc : memref<!tpu.dma_semaphore, #tpu.memory_space<semaphore_mem>>
        %dma_start3A_134 = arith.constant 0 : i32
        %dma_start3A_135 = tpu.memref_slice %arg5[%add3A_133, %dma_start3A_134] : memref<200192x16xf32, #tpu.memory_space<hbm>> -> memref<391x16xf32, #tpu.memory_space<hbm>>
        %dma_start3A_136 = arith.constant 0 : i32
        %dma_start3A_137 = tpu.memref_slice %arg5[%add3A_133, %dma_start3A_136] : memref<200192x16xf32, #tpu.memory_space<hbm>> -> memref<391x16xf32, #tpu.memory_space<hbm>>
        tpu.enqueue_dma source(%arg10 : memref<391x16xf32, #tpu.memory_space<vmem>>) target(%dma_start3A_137 : memref<391x16xf32, #tpu.memory_space<hbm>>) target_semaphore(%run_scoped3A : memref<!tpu.dma_semaphore, #tpu.memory_space<semaphore_mem>>)
        %dma_wait3A_138 = arith.constant 0 : i32
        %dma_wait3A_139 = tpu.memref_slice %arg5[%add3A_133, %dma_wait3A_138] : memref<200192x16xf32, #tpu.memory_space<hbm>> -> memref<391x16xf32, #tpu.memory_space<hbm>>
        %dma_wait3A_140 = arith.constant 0 : i32
        %dma_wait3A_141 = tpu.memref_slice %arg5[%add3A_133, %dma_wait3A_140] : memref<200192x16xf32, #tpu.memory_space<hbm>> -> memref<391x16xf32, #tpu.memory_space<hbm>>
        tpu.wait_dma2 semaphore(%run_scoped3A : memref<!tpu.dma_semaphore, #tpu.memory_space<semaphore_mem>>) src(%arg10 : memref<391x16xf32, #tpu.memory_space<vmem>>) dst(%dma_wait3A_141 : memref<391x16xf32, #tpu.memory_space<hbm>>)
        tpu.yield
      }) : () -> ()
    }
    %scan3A_126 = arith.constant 16 : i32
    return
  }
}

#map = affine_map<(d0, d1) -> (0)>
module attributes {stable_mosaic.version = 14 : i64} {
  func.func @_deg_sc(%arg0: i32, %arg1: i32, %arg2: memref<6400000xi32, #tpu.memory_space<hbm>>, %arg3: memref<100096xf32, #tpu.memory_space<hbm>>, %arg4: memref<2000xf32, #tpu.memory_space<hbm>>, %arg5: memref<200192xf32, #tpu.memory_space<hbm>>, %arg6: memref<2000xi32, #tpu.memory_space<vmem>>, %arg7: memref<2000xi32, #tpu.memory_space<vmem>>, %arg8: memref<2000xf32, #tpu.memory_space<vmem>>, %arg9: memref<6256xf32, #tpu.memory_space<vmem>>, %arg10: memref<100096xf32, #tpu.memory_space<vmem_shared>>, %arg11: memref<!tpu.dma_semaphore, #tpu.memory_space<semaphore_mem>>) attributes {dimension_semantics = [#tpu.dimension_semantics<core_parallel>, #tpu.dimension_semantics<subcore_parallel>], iteration_bounds = array<i64: 2, 16>, scalar_prefetch = 0 : i64, scratch_operands = 6 : i64, tpu.core_type = #tpu.core_type<sc_vector_subcore>, window_params = [{transform_indices = #map}, {transform_indices = #map}, {transform_indices = #map}, {transform_indices = #map}]} {
    %mul3A = arith.constant 2 : i32
    %mul3A_0 = arith.muli %arg1, %mul3A : i32
    %add3A = arith.addi %mul3A_0, %arg0 : i32
    %mul3A_1 = arith.constant 6256 : i32
    %mul3A_2 = arith.muli %arg1, %mul3A_1 : i32
    "tpu.region"() ({
      %run_scoped3A = tpu.sem_alloc : memref<!tpu.dma_semaphore, #tpu.memory_space<semaphore_mem>>
      %dma_start3A_34 = tpu.memref_slice %arg3[%mul3A_2] : memref<100096xf32, #tpu.memory_space<hbm>> -> memref<6256xf32, #tpu.memory_space<hbm>>
      %dma_start3A_35 = tpu.memref_slice %arg3[%mul3A_2] : memref<100096xf32, #tpu.memory_space<hbm>> -> memref<6256xf32, #tpu.memory_space<hbm>>
      tpu.enqueue_dma source(%dma_start3A_35 : memref<6256xf32, #tpu.memory_space<hbm>>) target(%arg9 : memref<6256xf32, #tpu.memory_space<vmem>>) target_semaphore(%run_scoped3A : memref<!tpu.dma_semaphore, #tpu.memory_space<semaphore_mem>>)
      %dma_wait3A_36 = tpu.memref_slice %arg3[%mul3A_2] : memref<100096xf32, #tpu.memory_space<hbm>> -> memref<6256xf32, #tpu.memory_space<hbm>>
      %dma_wait3A_37 = tpu.memref_slice %arg3[%mul3A_2] : memref<100096xf32, #tpu.memory_space<hbm>> -> memref<6256xf32, #tpu.memory_space<hbm>>
      tpu.wait_dma2 semaphore(%run_scoped3A : memref<!tpu.dma_semaphore, #tpu.memory_space<semaphore_mem>>) src(%dma_wait3A_37 : memref<6256xf32, #tpu.memory_space<hbm>>) dst(%arg9 : memref<6256xf32, #tpu.memory_space<vmem>>)
      tpu.yield
    }) : () -> ()
    "tpu.region"() ({
      %run_scoped3A = tpu.sem_alloc : memref<!tpu.dma_semaphore, #tpu.memory_space<semaphore_mem>>
      %dma_start3A_34 = tpu.memref_slice %arg10[%mul3A_2] : memref<100096xf32, #tpu.memory_space<vmem_shared>> -> memref<6256xf32, #tpu.memory_space<vmem_shared>>
      %dma_start3A_35 = tpu.memref_slice %arg10[%mul3A_2] : memref<100096xf32, #tpu.memory_space<vmem_shared>> -> memref<6256xf32, #tpu.memory_space<vmem_shared>>
      tpu.enqueue_dma source(%arg9 : memref<6256xf32, #tpu.memory_space<vmem>>) target(%dma_start3A_35 : memref<6256xf32, #tpu.memory_space<vmem_shared>>) target_semaphore(%run_scoped3A : memref<!tpu.dma_semaphore, #tpu.memory_space<semaphore_mem>>)
      %dma_wait3A_36 = tpu.memref_slice %arg10[%mul3A_2] : memref<100096xf32, #tpu.memory_space<vmem_shared>> -> memref<6256xf32, #tpu.memory_space<vmem_shared>>
      %dma_wait3A_37 = tpu.memref_slice %arg10[%mul3A_2] : memref<100096xf32, #tpu.memory_space<vmem_shared>> -> memref<6256xf32, #tpu.memory_space<vmem_shared>>
      tpu.wait_dma2 semaphore(%run_scoped3A : memref<!tpu.dma_semaphore, #tpu.memory_space<semaphore_mem>>) src(%arg9 : memref<6256xf32, #tpu.memory_space<vmem>>) dst(%dma_wait3A_37 : memref<6256xf32, #tpu.memory_space<vmem_shared>>)
      tpu.yield
    }) : () -> ()
    "tpu.region"() ({
      %run_scoped3A = tpu.sem_alloc : memref<!tpu.dma_semaphore, #tpu.memory_space<semaphore_mem>>
      tpu.enqueue_dma source(%arg4 : memref<2000xf32, #tpu.memory_space<hbm>>) target(%arg8 : memref<2000xf32, #tpu.memory_space<vmem>>) target_semaphore(%run_scoped3A : memref<!tpu.dma_semaphore, #tpu.memory_space<semaphore_mem>>)
      tpu.wait_dma2 semaphore(%run_scoped3A : memref<!tpu.dma_semaphore, #tpu.memory_space<semaphore_mem>>) src(%arg4 : memref<2000xf32, #tpu.memory_space<hbm>>) dst(%arg8 : memref<2000xf32, #tpu.memory_space<vmem>>)
      tpu.yield
    }) : () -> ()
    %barrier3A = arith.constant 0 : index
    tpu.barrier barrier_id(%barrier3A)
    %mul3A_3 = arith.constant 100000 : i32
    %mul3A_4 = arith.muli %add3A, %mul3A_3 : i32
    %add3A_5 = arith.constant 0 : i32
    %add3A_6 = arith.addi %mul3A_4, %add3A_5 : i32
    %add3A_7 = arith.constant 3200000 : i32
    %add3A_8 = arith.addi %add3A_7, %add3A_6 : i32
    %dma_start3A = tpu.memref_slice %arg2[%add3A_8] : memref<6400000xi32, #tpu.memory_space<hbm>> -> memref<2000xi32, #tpu.memory_space<hbm>>
    %dma_start3A_9 = tpu.memref_slice %arg2[%add3A_8] : memref<6400000xi32, #tpu.memory_space<hbm>> -> memref<2000xi32, #tpu.memory_space<hbm>>
    tpu.enqueue_dma source(%dma_start3A_9 : memref<2000xi32, #tpu.memory_space<hbm>>) target(%arg6 : memref<2000xi32, #tpu.memory_space<vmem>>) target_semaphore(%arg11 : memref<!tpu.dma_semaphore, #tpu.memory_space<semaphore_mem>>)
    %mul3A_10 = arith.constant 100000 : i32
    %mul3A_11 = arith.muli %add3A, %mul3A_10 : i32
    %add3A_12 = arith.constant 2000 : i32
    %add3A_13 = arith.addi %mul3A_11, %add3A_12 : i32
    %add3A_14 = arith.constant 3200000 : i32
    %add3A_15 = arith.addi %add3A_14, %add3A_13 : i32
    %dma_start3A_16 = tpu.memref_slice %arg2[%add3A_15] : memref<6400000xi32, #tpu.memory_space<hbm>> -> memref<2000xi32, #tpu.memory_space<hbm>>
    %dma_start3A_17 = tpu.memref_slice %arg2[%add3A_15] : memref<6400000xi32, #tpu.memory_space<hbm>> -> memref<2000xi32, #tpu.memory_space<hbm>>
    tpu.enqueue_dma source(%dma_start3A_17 : memref<2000xi32, #tpu.memory_space<hbm>>) target(%arg7 : memref<2000xi32, #tpu.memory_space<vmem>>) target_semaphore(%arg11 : memref<!tpu.dma_semaphore, #tpu.memory_space<semaphore_mem>>)
    %scan3A = arith.constant 0 : i32
    %scan3A_18 = arith.constant 0 : i32
    %scan3A_19 = arith.constant 24 : i32
    %scan3A_20 = arith.addi %scan3A_18, %scan3A_19 : i32
    %scan3A_21 = arith.constant 1 : i32
    scf.for %scan3A_34 = %scan3A_18 to %scan3A_20 step %scan3A_21  : i32 {
      %mul3A_35 = arith.constant 2 : i32
      %mul3A_36 = arith.muli %mul3A_35, %scan3A_34 : i32
      %dma_wait3A_37 = arith.constant 0 : i32
      %dma_wait3A_38 = tpu.memref_slice %arg2[%dma_wait3A_37] : memref<6400000xi32, #tpu.memory_space<hbm>> -> memref<2000xi32, #tpu.memory_space<hbm>>
      %dma_wait3A_39 = arith.constant 0 : i32
      %dma_wait3A_40 = tpu.memref_slice %arg2[%dma_wait3A_39] : memref<6400000xi32, #tpu.memory_space<hbm>> -> memref<2000xi32, #tpu.memory_space<hbm>>
      tpu.wait_dma2 semaphore(%arg11 : memref<!tpu.dma_semaphore, #tpu.memory_space<semaphore_mem>>) src(%dma_wait3A_40 : memref<2000xi32, #tpu.memory_space<hbm>>) dst(%arg6 : memref<2000xi32, #tpu.memory_space<vmem>>)
      "tpu.region"() ({
        %run_scoped3A = tpu.sem_alloc : memref<!tpu.dma_semaphore, #tpu.memory_space<semaphore_mem>>
        %dma_start3A_67 = arith.constant 0 : i32
        %dma_start3A_68 = tpu.memref_slice %arg10[%dma_start3A_67] : memref<100096xf32, #tpu.memory_space<vmem_shared>> -> memref<100096xf32, #tpu.memory_space<vmem_shared>>
        tpu.enqueue_indirect_dma source(%arg8 : memref<2000xf32, #tpu.memory_space<vmem>>) target(%dma_start3A_68 : memref<100096xf32, #tpu.memory_space<vmem_shared>>) offsets(%arg6 : memref<2000xi32, #tpu.memory_space<vmem>>) semaphore(%run_scoped3A : memref<!tpu.dma_semaphore, #tpu.memory_space<semaphore_mem>>) {add = true}
        %dma_wait3A_69 = arith.constant 0 : i32
        %dma_wait3A_70 = tpu.memref_slice %arg10[%dma_wait3A_69] : memref<100096xf32, #tpu.memory_space<vmem_shared>> -> memref<100096xf32, #tpu.memory_space<vmem_shared>>
        tpu.wait_indirect_dma semaphore(%run_scoped3A : memref<!tpu.dma_semaphore, #tpu.memory_space<semaphore_mem>>) src(%arg8 : memref<2000xf32, #tpu.memory_space<vmem>>) dst(%dma_wait3A_70 : memref<100096xf32, #tpu.memory_space<vmem_shared>>)
        tpu.yield
      }) : () -> ()
      %add3A_41 = arith.constant 2 : i32
      %add3A_42 = arith.addi %mul3A_36, %add3A_41 : i32
      %mul3A_43 = arith.constant 100000 : i32
      %mul3A_44 = arith.muli %add3A, %mul3A_43 : i32
      %mul3A_45 = arith.constant 2000 : i32
      %mul3A_46 = arith.muli %add3A_42, %mul3A_45 : i32
      %add3A_47 = arith.addi %mul3A_44, %mul3A_46 : i32
      %add3A_48 = arith.constant 3200000 : i32
      %add3A_49 = arith.addi %add3A_48, %add3A_47 : i32
      %dma_start3A_50 = tpu.memref_slice %arg2[%add3A_49] : memref<6400000xi32, #tpu.memory_space<hbm>> -> memref<2000xi32, #tpu.memory_space<hbm>>
      %dma_start3A_51 = tpu.memref_slice %arg2[%add3A_49] : memref<6400000xi32, #tpu.memory_space<hbm>> -> memref<2000xi32, #tpu.memory_space<hbm>>
      tpu.enqueue_dma source(%dma_start3A_51 : memref<2000xi32, #tpu.memory_space<hbm>>) target(%arg6 : memref<2000xi32, #tpu.memory_space<vmem>>) target_semaphore(%arg11 : memref<!tpu.dma_semaphore, #tpu.memory_space<semaphore_mem>>)
      %dma_wait3A_52 = arith.constant 0 : i32
      %dma_wait3A_53 = tpu.memref_slice %arg2[%dma_wait3A_52] : memref<6400000xi32, #tpu.memory_space<hbm>> -> memref<2000xi32, #tpu.memory_space<hbm>>
      %dma_wait3A_54 = arith.constant 0 : i32
      %dma_wait3A_55 = tpu.memref_slice %arg2[%dma_wait3A_54] : memref<6400000xi32, #tpu.memory_space<hbm>> -> memref<2000xi32, #tpu.memory_space<hbm>>
      tpu.wait_dma2 semaphore(%arg11 : memref<!tpu.dma_semaphore, #tpu.memory_space<semaphore_mem>>) src(%dma_wait3A_55 : memref<2000xi32, #tpu.memory_space<hbm>>) dst(%arg7 : memref<2000xi32, #tpu.memory_space<vmem>>)
      "tpu.region"() ({
        %run_scoped3A = tpu.sem_alloc : memref<!tpu.dma_semaphore, #tpu.memory_space<semaphore_mem>>
        %dma_start3A_67 = arith.constant 0 : i32
        %dma_start3A_68 = tpu.memref_slice %arg10[%dma_start3A_67] : memref<100096xf32, #tpu.memory_space<vmem_shared>> -> memref<100096xf32, #tpu.memory_space<vmem_shared>>
        tpu.enqueue_indirect_dma source(%arg8 : memref<2000xf32, #tpu.memory_space<vmem>>) target(%dma_start3A_68 : memref<100096xf32, #tpu.memory_space<vmem_shared>>) offsets(%arg7 : memref<2000xi32, #tpu.memory_space<vmem>>) semaphore(%run_scoped3A : memref<!tpu.dma_semaphore, #tpu.memory_space<semaphore_mem>>) {add = true}
        %dma_wait3A_69 = arith.constant 0 : i32
        %dma_wait3A_70 = tpu.memref_slice %arg10[%dma_wait3A_69] : memref<100096xf32, #tpu.memory_space<vmem_shared>> -> memref<100096xf32, #tpu.memory_space<vmem_shared>>
        tpu.wait_indirect_dma semaphore(%run_scoped3A : memref<!tpu.dma_semaphore, #tpu.memory_space<semaphore_mem>>) src(%arg8 : memref<2000xf32, #tpu.memory_space<vmem>>) dst(%dma_wait3A_70 : memref<100096xf32, #tpu.memory_space<vmem_shared>>)
        tpu.yield
      }) : () -> ()
      %add3A_56 = arith.constant 3 : i32
      %add3A_57 = arith.addi %mul3A_36, %add3A_56 : i32
      %mul3A_58 = arith.constant 100000 : i32
      %mul3A_59 = arith.muli %add3A, %mul3A_58 : i32
      %mul3A_60 = arith.constant 2000 : i32
      %mul3A_61 = arith.muli %add3A_57, %mul3A_60 : i32
      %add3A_62 = arith.addi %mul3A_59, %mul3A_61 : i32
      %add3A_63 = arith.constant 3200000 : i32
      %add3A_64 = arith.addi %add3A_63, %add3A_62 : i32
      %dma_start3A_65 = tpu.memref_slice %arg2[%add3A_64] : memref<6400000xi32, #tpu.memory_space<hbm>> -> memref<2000xi32, #tpu.memory_space<hbm>>
      %dma_start3A_66 = tpu.memref_slice %arg2[%add3A_64] : memref<6400000xi32, #tpu.memory_space<hbm>> -> memref<2000xi32, #tpu.memory_space<hbm>>
      tpu.enqueue_dma source(%dma_start3A_66 : memref<2000xi32, #tpu.memory_space<hbm>>) target(%arg7 : memref<2000xi32, #tpu.memory_space<vmem>>) target_semaphore(%arg11 : memref<!tpu.dma_semaphore, #tpu.memory_space<semaphore_mem>>)
    }
    %scan3A_22 = arith.constant 24 : i32
    %dma_wait3A = arith.constant 0 : i32
    %dma_wait3A_23 = tpu.memref_slice %arg2[%dma_wait3A] : memref<6400000xi32, #tpu.memory_space<hbm>> -> memref<2000xi32, #tpu.memory_space<hbm>>
    %dma_wait3A_24 = arith.constant 0 : i32
    %dma_wait3A_25 = tpu.memref_slice %arg2[%dma_wait3A_24] : memref<6400000xi32, #tpu.memory_space<hbm>> -> memref<2000xi32, #tpu.memory_space<hbm>>
    tpu.wait_dma2 semaphore(%arg11 : memref<!tpu.dma_semaphore, #tpu.memory_space<semaphore_mem>>) src(%dma_wait3A_25 : memref<2000xi32, #tpu.memory_space<hbm>>) dst(%arg6 : memref<2000xi32, #tpu.memory_space<vmem>>)
    "tpu.region"() ({
      %run_scoped3A = tpu.sem_alloc : memref<!tpu.dma_semaphore, #tpu.memory_space<semaphore_mem>>
      %dma_start3A_34 = arith.constant 0 : i32
      %dma_start3A_35 = tpu.memref_slice %arg10[%dma_start3A_34] : memref<100096xf32, #tpu.memory_space<vmem_shared>> -> memref<100096xf32, #tpu.memory_space<vmem_shared>>
      tpu.enqueue_indirect_dma source(%arg8 : memref<2000xf32, #tpu.memory_space<vmem>>) target(%dma_start3A_35 : memref<100096xf32, #tpu.memory_space<vmem_shared>>) offsets(%arg6 : memref<2000xi32, #tpu.memory_space<vmem>>) semaphore(%run_scoped3A : memref<!tpu.dma_semaphore, #tpu.memory_space<semaphore_mem>>) {add = true}
      %dma_wait3A_36 = arith.constant 0 : i32
      %dma_wait3A_37 = tpu.memref_slice %arg10[%dma_wait3A_36] : memref<100096xf32, #tpu.memory_space<vmem_shared>> -> memref<100096xf32, #tpu.memory_space<vmem_shared>>
      tpu.wait_indirect_dma semaphore(%run_scoped3A : memref<!tpu.dma_semaphore, #tpu.memory_space<semaphore_mem>>) src(%arg8 : memref<2000xf32, #tpu.memory_space<vmem>>) dst(%dma_wait3A_37 : memref<100096xf32, #tpu.memory_space<vmem_shared>>)
      tpu.yield
    }) : () -> ()
    %dma_wait3A_26 = arith.constant 0 : i32
    %dma_wait3A_27 = tpu.memref_slice %arg2[%dma_wait3A_26] : memref<6400000xi32, #tpu.memory_space<hbm>> -> memref<2000xi32, #tpu.memory_space<hbm>>
    %dma_wait3A_28 = arith.constant 0 : i32
    %dma_wait3A_29 = tpu.memref_slice %arg2[%dma_wait3A_28] : memref<6400000xi32, #tpu.memory_space<hbm>> -> memref<2000xi32, #tpu.memory_space<hbm>>
    tpu.wait_dma2 semaphore(%arg11 : memref<!tpu.dma_semaphore, #tpu.memory_space<semaphore_mem>>) src(%dma_wait3A_29 : memref<2000xi32, #tpu.memory_space<hbm>>) dst(%arg7 : memref<2000xi32, #tpu.memory_space<vmem>>)
    "tpu.region"() ({
      %run_scoped3A = tpu.sem_alloc : memref<!tpu.dma_semaphore, #tpu.memory_space<semaphore_mem>>
      %dma_start3A_34 = arith.constant 0 : i32
      %dma_start3A_35 = tpu.memref_slice %arg10[%dma_start3A_34] : memref<100096xf32, #tpu.memory_space<vmem_shared>> -> memref<100096xf32, #tpu.memory_space<vmem_shared>>
      tpu.enqueue_indirect_dma source(%arg8 : memref<2000xf32, #tpu.memory_space<vmem>>) target(%dma_start3A_35 : memref<100096xf32, #tpu.memory_space<vmem_shared>>) offsets(%arg7 : memref<2000xi32, #tpu.memory_space<vmem>>) semaphore(%run_scoped3A : memref<!tpu.dma_semaphore, #tpu.memory_space<semaphore_mem>>) {add = true}
      %dma_wait3A_36 = arith.constant 0 : i32
      %dma_wait3A_37 = tpu.memref_slice %arg10[%dma_wait3A_36] : memref<100096xf32, #tpu.memory_space<vmem_shared>> -> memref<100096xf32, #tpu.memory_space<vmem_shared>>
      tpu.wait_indirect_dma semaphore(%run_scoped3A : memref<!tpu.dma_semaphore, #tpu.memory_space<semaphore_mem>>) src(%arg8 : memref<2000xf32, #tpu.memory_space<vmem>>) dst(%dma_wait3A_37 : memref<100096xf32, #tpu.memory_space<vmem_shared>>)
      tpu.yield
    }) : () -> ()
    %barrier3A_30 = arith.constant 0 : index
    tpu.barrier barrier_id(%barrier3A_30)
    "tpu.region"() ({
      %run_scoped3A = tpu.sem_alloc : memref<!tpu.dma_semaphore, #tpu.memory_space<semaphore_mem>>
      %dma_start3A_34 = tpu.memref_slice %arg10[%mul3A_2] : memref<100096xf32, #tpu.memory_space<vmem_shared>> -> memref<6256xf32, #tpu.memory_space<vmem_shared>>
      %dma_start3A_35 = tpu.memref_slice %arg10[%mul3A_2] : memref<100096xf32, #tpu.memory_space<vmem_shared>> -> memref<6256xf32, #tpu.memory_space<vmem_shared>>
      tpu.enqueue_dma source(%dma_start3A_35 : memref<6256xf32, #tpu.memory_space<vmem_shared>>) target(%arg9 : memref<6256xf32, #tpu.memory_space<vmem>>) target_semaphore(%run_scoped3A : memref<!tpu.dma_semaphore, #tpu.memory_space<semaphore_mem>>)
      %dma_wait3A_36 = tpu.memref_slice %arg10[%mul3A_2] : memref<100096xf32, #tpu.memory_space<vmem_shared>> -> memref<6256xf32, #tpu.memory_space<vmem_shared>>
      %dma_wait3A_37 = tpu.memref_slice %arg10[%mul3A_2] : memref<100096xf32, #tpu.memory_space<vmem_shared>> -> memref<6256xf32, #tpu.memory_space<vmem_shared>>
      tpu.wait_dma2 semaphore(%run_scoped3A : memref<!tpu.dma_semaphore, #tpu.memory_space<semaphore_mem>>) src(%dma_wait3A_37 : memref<6256xf32, #tpu.memory_space<vmem_shared>>) dst(%arg9 : memref<6256xf32, #tpu.memory_space<vmem>>)
      tpu.yield
    }) : () -> ()
    %mul3A_31 = arith.constant 100096 : i32
    %mul3A_32 = arith.muli %arg0, %mul3A_31 : i32
    %add3A_33 = arith.addi %mul3A_32, %mul3A_2 : i32
    "tpu.region"() ({
      %run_scoped3A = tpu.sem_alloc : memref<!tpu.dma_semaphore, #tpu.memory_space<semaphore_mem>>
      %dma_start3A_34 = tpu.memref_slice %arg5[%add3A_33] : memref<200192xf32, #tpu.memory_space<hbm>> -> memref<6256xf32, #tpu.memory_space<hbm>>
      %dma_start3A_35 = tpu.memref_slice %arg5[%add3A_33] : memref<200192xf32, #tpu.memory_space<hbm>> -> memref<6256xf32, #tpu.memory_space<hbm>>
      tpu.enqueue_dma source(%arg9 : memref<6256xf32, #tpu.memory_space<vmem>>) target(%dma_start3A_35 : memref<6256xf32, #tpu.memory_space<hbm>>) target_semaphore(%run_scoped3A : memref<!tpu.dma_semaphore, #tpu.memory_space<semaphore_mem>>)
      %dma_wait3A_36 = tpu.memref_slice %arg5[%add3A_33] : memref<200192xf32, #tpu.memory_space<hbm>> -> memref<6256xf32, #tpu.memory_space<hbm>>
      %dma_wait3A_37 = tpu.memref_slice %arg5[%add3A_33] : memref<200192xf32, #tpu.memory_space<hbm>> -> memref<6256xf32, #tpu.memory_space<hbm>>
      tpu.wait_dma2 semaphore(%run_scoped3A : memref<!tpu.dma_semaphore, #tpu.memory_space<semaphore_mem>>) src(%arg9 : memref<6256xf32, #tpu.memory_space<vmem>>) dst(%dma_wait3A_37 : memref<6256xf32, #tpu.memory_space<hbm>>)
      tpu.yield
    }) : () -> ()
    return
  }
}

module attributes {stable_mosaic.version = 14 : i64} {
  func.func @_prep_tc_body(%arg0: i32, %arg1: memref<1x1x3128xf32, #tpu.memory_space<vmem>>, %arg2: memref<1x1x3128xf32, #tpu.memory_space<vmem>>, %arg3: memref<3128x4xf32, #tpu.memory_space<vmem>>, %arg4: memref<3128x1xf32, #tpu.memory_space<vmem>>, %arg5: memref<3128x16xf32, #tpu.memory_space<vmem>>) attributes {dimension_semantics = [#tpu.dimension_semantics<arbitrary>], iteration_bounds = array<i64: 32>, scalar_prefetch = 0 : i64, scratch_operands = 0 : i64, tpu.core_type = #tpu.core_type<tc>, window_params = [{transform_indices = @transform_0, window_bounds = array<i64: 1, 1, 3128>}, {transform_indices = @transform_1, window_bounds = array<i64: 1, 1, 3128>}, {transform_indices = @transform_2, window_bounds = array<i64: 3128, 4>}, {transform_indices = @transform_3, window_bounds = array<i64: 3128, 1>}, {transform_indices = @transform_4, window_bounds = array<i64: 3128, 16>}]} {
    %get3A = arith.constant 0 : index
    %get3A_0 = arith.constant 0 : index
    %get3A_1 = arith.constant 0 : index
    %get3A_2 = vector.load %arg1[%get3A, %get3A_0, %get3A_1] : memref<1x1x3128xf32, #tpu.memory_space<vmem>>, vector<1x1x3128xf32>
    %get3A_3 = vector.shape_cast %get3A_2 : vector<1x1x3128xf32> to vector<1x3128xf32>
    %get3A_4 = arith.constant 0 : index
    %get3A_5 = arith.constant 0 : index
    %get3A_6 = arith.constant 0 : index
    %get3A_7 = vector.load %arg2[%get3A_4, %get3A_5, %get3A_6] : memref<1x1x3128xf32, #tpu.memory_space<vmem>>, vector<1x1x3128xf32>
    %get3A_8 = vector.shape_cast %get3A_7 : vector<1x1x3128xf32> to vector<1x3128xf32>
    %add3A = arith.addf %get3A_3, %get3A_8 : vector<1x3128xf32>
    %add3A_9 = arith.constant 1.000000e+00 : f32
    %add3A_10 = vector.broadcast %add3A_9 : f32 to vector<1x3128xf32>
    %add3A_11 = arith.addf %add3A, %add3A_10 : vector<1x3128xf32>
    %rsqrt3A = math.rsqrt %add3A_11 : vector<1x3128xf32>
    %transpose3A = tpu.transpose %rsqrt3A, [1, 0] : vector<1x3128xf32> -> vector<3128x1xf32>
    %swap3A = arith.constant 0 : index
    %swap3A_12 = arith.constant 0 : index
    %swap3A_13 = vector.load %arg4[%swap3A, %swap3A_12] : memref<3128x1xf32, #tpu.memory_space<vmem>>, vector<3128x1xf32>
    tpu.vector_store %arg4[%swap3A, %swap3A_12], %transpose3A {strides = array<i32>} : memref<3128x1xf32, #tpu.memory_space<vmem>>, vector<3128x1xf32>,
    %get3A_14 = arith.constant 0 : index
    %get3A_15 = arith.constant 0 : index
    %get3A_16 = vector.load %arg3[%get3A_14, %get3A_15] : memref<3128x4xf32, #tpu.memory_space<vmem>>, vector<3128x4xf32>
    %mul3A = vector.broadcast %transpose3A : vector<3128x1xf32> to vector<3128x4xf32>
    %mul3A_17 = arith.mulf %get3A_16, %mul3A : vector<3128x4xf32>
    %jit3A = arith.constant 0 : i32
    %convert_element_type3A = arith.sitofp %jit3A : i32 to f32
    %pad3A = vector.broadcast %convert_element_type3A : f32 to vector<3128x12xf32>
    %pad3A_18 = tpu.concatenate %mul3A_17, %pad3A in 1 : vector<3128x4xf32>, vector<3128x12xf32> -> vector<3128x16xf32>
    %swap3A_19 = arith.constant 0 : index
    %swap3A_20 = arith.constant 0 : index
    %swap3A_21 = vector.load %arg5[%swap3A_19, %swap3A_20] : memref<3128x16xf32, #tpu.memory_space<vmem>>, vector<3128x16xf32>
    tpu.vector_store %arg5[%swap3A_19, %swap3A_20], %pad3A_18 {strides = array<i32>} : memref<3128x16xf32, #tpu.memory_space<vmem>>, vector<3128x16xf32>,
    return
  }
  func.func @transform_0(%arg0: i32) -> (i32, i32, i32) {
    %c0_i32 = arith.constant 0 : i32
    %c0_i32_0 = arith.constant 0 : i32
    %c0_i32_1 = arith.constant 0 : i32
    return %arg0, %c0_i32, %c0_i32_0 : i32, i32, i32
  }
  func.func @transform_1(%arg0: i32) -> (i32, i32, i32) {
    %add3A = arith.constant 32 : i32
    %add3A_0 = arith.addi %add3A, %arg0 : i32
    %c0_i32 = arith.constant 0 : i32
    %c0_i32_1 = arith.constant 0 : i32
    %c0_i32_2 = arith.constant 0 : i32
    return %add3A_0, %c0_i32, %c0_i32_1 : i32, i32, i32
  }
  func.func @transform_2(%arg0: i32) -> (i32, i32) {
    %c0_i32 = arith.constant 0 : i32
    %c0_i32_0 = arith.constant 0 : i32
    return %arg0, %c0_i32 : i32, i32
  }
  func.func @transform_3(%arg0: i32) -> (i32, i32) {
    %c0_i32 = arith.constant 0 : i32
    %c0_i32_0 = arith.constant 0 : i32
    return %arg0, %c0_i32 : i32, i32
  }
  func.func @transform_4(%arg0: i32) -> (i32, i32) {
    %c0_i32 = arith.constant 0 : i32
    %c0_i32_0 = arith.constant 0 : i32
    return %arg0, %c0_i32 : i32, i32
  }
}

module attributes {stable_mosaic.version = 14 : i64} {
  func.func @_mid_tc_body(%arg0: i32, %arg1: memref<3128x16xf32, #tpu.memory_space<vmem>>, %arg2: memref<3128x16xf32, #tpu.memory_space<vmem>>, %arg3: memref<3128x4xf32, #tpu.memory_space<vmem>>, %arg4: memref<3128x1xf32, #tpu.memory_space<vmem>>, %arg5: memref<3x16xf32, #tpu.memory_space<vmem>>, %arg6: memref<1x16xf32, #tpu.memory_space<vmem>>, %arg7: memref<3128x16xf32, #tpu.memory_space<vmem>>) attributes {dimension_semantics = [#tpu.dimension_semantics<arbitrary>], iteration_bounds = array<i64: 32>, scalar_prefetch = 0 : i64, scratch_operands = 0 : i64, tpu.core_type = #tpu.core_type<tc>, window_params = [{transform_indices = @transform_0, window_bounds = array<i64: 3128, 16>}, {transform_indices = @transform_1, window_bounds = array<i64: 3128, 16>}, {transform_indices = @transform_2, window_bounds = array<i64: 3128, 4>}, {transform_indices = @transform_3, window_bounds = array<i64: 3128, 1>}, {pipeline_mode = #tpu.pipeline_mode<synchronous>, transform_indices = @transform_4, window_bounds = array<i64: 3, 16>}, {pipeline_mode = #tpu.pipeline_mode<synchronous>, transform_indices = @transform_5, window_bounds = array<i64: 1, 16>}, {transform_indices = @transform_6, window_bounds = array<i64: 3128, 16>}]} {
    %get3A = arith.constant 0 : index
    %get3A_0 = arith.constant 0 : index
    %get3A_1 = vector.load %arg4[%get3A, %get3A_0] : memref<3128x1xf32, #tpu.memory_space<vmem>>, vector<3128x1xf32>
    %get3A_2 = arith.constant 0 : index
    %get3A_3 = arith.constant 0 : index
    %get3A_4 = vector.load %arg1[%get3A_2, %get3A_3] : memref<3128x16xf32, #tpu.memory_space<vmem>>, vector<3128x16xf32>
    %get3A_5 = arith.constant 0 : index
    %get3A_6 = arith.constant 0 : index
    %get3A_7 = vector.load %arg2[%get3A_5, %get3A_6] : memref<3128x16xf32, #tpu.memory_space<vmem>>, vector<3128x16xf32>
    %add3A = arith.addf %get3A_4, %get3A_7 : vector<3128x16xf32>
    %slice3A = vector.extract_strided_slice %add3A {offsets = [0, 0], sizes = [3128, 3], strides = [1, 1]} : vector<3128x16xf32> to vector<3128x3xf32>
    %mul3A = vector.broadcast %get3A_1 : vector<3128x1xf32> to vector<3128x3xf32>
    %mul3A_8 = arith.mulf %mul3A, %slice3A : vector<3128x3xf32>
    %mul3A_9 = arith.mulf %get3A_1, %get3A_1 : vector<3128x1xf32>
    %get3A_10 = arith.constant 0 : index
    %get3A_11 = arith.constant 0 : index
    %get3A_12 = vector.load %arg3[%get3A_10, %get3A_11] : memref<3128x4xf32, #tpu.memory_space<vmem>>, vector<3128x3xf32>
    %mul3A_13 = vector.broadcast %mul3A_9 : vector<3128x1xf32> to vector<3128x3xf32>
    %mul3A_14 = arith.mulf %mul3A_13, %get3A_12 : vector<3128x3xf32>
    %add3A_15 = arith.addf %mul3A_8, %mul3A_14 : vector<3128x3xf32>
    %get3A_16 = arith.constant 0 : index
    %get3A_17 = arith.constant 0 : index
    %get3A_18 = vector.load %arg5[%get3A_16, %get3A_17] : memref<3x16xf32, #tpu.memory_space<vmem>>, vector<3x16xf32>
    %dot_general3A = arith.constant dense<0.000000e+00> : vector<3128x16xf32>
    %dot_general3A_19 = tpu.matmul %add3A_15, %get3A_18, %dot_general3A {dimension_numbers = #tpu.dot_dimension_numbers<[1], [0], [0], [1], [0, 0, 1, 1], [], []>, precision = #tpu.contract_precision<fp32>, transpose_lhs_hint = false} : vector<3128x3xf32>, vector<3x16xf32>, vector<3128x16xf32> -> vector<3128x16xf32>
    %get3A_20 = arith.constant 0 : index
    %get3A_21 = arith.constant 0 : index
    %get3A_22 = vector.load %arg6[%get3A_20, %get3A_21] : memref<1x16xf32, #tpu.memory_space<vmem>>, vector<1x16xf32>
    %add3A_23 = vector.broadcast %get3A_22 : vector<1x16xf32> to vector<3128x16xf32>
    %add3A_24 = arith.addf %dot_general3A_19, %add3A_23 : vector<3128x16xf32>
    %max3A = arith.constant 0.000000e+00 : f32
    %max3A_25 = vector.broadcast %max3A : f32 to vector<3128x16xf32>
    %max3A_26 = arith.maximumf %add3A_24, %max3A_25 : vector<3128x16xf32>
    %mul3A_27 = vector.broadcast %get3A_1 : vector<3128x1xf32> to vector<3128x16xf32>
    %mul3A_28 = arith.mulf %mul3A_27, %max3A_26 : vector<3128x16xf32>
    %swap3A = arith.constant 0 : index
    %swap3A_29 = arith.constant 0 : index
    %swap3A_30 = vector.load %arg7[%swap3A, %swap3A_29] : memref<3128x16xf32, #tpu.memory_space<vmem>>, vector<3128x16xf32>
    tpu.vector_store %arg7[%swap3A, %swap3A_29], %mul3A_28 {strides = array<i32>} : memref<3128x16xf32, #tpu.memory_space<vmem>>, vector<3128x16xf32>,
    return
  }
  func.func @transform_0(%arg0: i32) -> (i32, i32) {
    %c0_i32 = arith.constant 0 : i32
    %c0_i32_0 = arith.constant 0 : i32
    return %arg0, %c0_i32 : i32, i32
  }
  func.func @transform_1(%arg0: i32) -> (i32, i32) {
    %add3A = arith.constant 32 : i32
    %add3A_0 = arith.addi %add3A, %arg0 : i32
    %c0_i32 = arith.constant 0 : i32
    %c0_i32_1 = arith.constant 0 : i32
    return %add3A_0, %c0_i32 : i32, i32
  }
  func.func @transform_2(%arg0: i32) -> (i32, i32) {
    %c0_i32 = arith.constant 0 : i32
    %c0_i32_0 = arith.constant 0 : i32
    return %arg0, %c0_i32 : i32, i32
  }
  func.func @transform_3(%arg0: i32) -> (i32, i32) {
    %c0_i32 = arith.constant 0 : i32
    %c0_i32_0 = arith.constant 0 : i32
    return %arg0, %c0_i32 : i32, i32
  }
  func.func @transform_4(%arg0: i32) -> (i32, i32) {
    %c0_i32 = arith.constant 0 : i32
    %c0_i32_0 = arith.constant 0 : i32
    %c0_i32_1 = arith.constant 0 : i32
    return %c0_i32, %c0_i32_0 : i32, i32
  }
  func.func @transform_5(%arg0: i32) -> (i32, i32) {
    %c0_i32 = arith.constant 0 : i32
    %c0_i32_0 = arith.constant 0 : i32
    %c0_i32_1 = arith.constant 0 : i32
    return %c0_i32, %c0_i32_0 : i32, i32
  }
  func.func @transform_6(%arg0: i32) -> (i32, i32) {
    %c0_i32 = arith.constant 0 : i32
    %c0_i32_0 = arith.constant 0 : i32
    return %arg0, %c0_i32 : i32, i32
  }
}

module attributes {stable_mosaic.version = 14 : i64} {
  func.func @_fin_tc_body(%arg0: i32, %arg1: memref<3128x16xf32, #tpu.memory_space<vmem>>, %arg2: memref<3128x16xf32, #tpu.memory_space<vmem>>, %arg3: memref<3128x16xf32, #tpu.memory_space<vmem>>, %arg4: memref<3128x1xf32, #tpu.memory_space<vmem>>, %arg5: memref<1x1x3128xi32, #tpu.memory_space<vmem>>, %arg6: memref<16x16xf32, #tpu.memory_space<vmem>>, %arg7: memref<1x16xf32, #tpu.memory_space<vmem>>, %arg8: memref<16x7xf32, #tpu.memory_space<vmem>>, %arg9: memref<1x7xf32, #tpu.memory_space<vmem>>, %arg10: memref<128x7xf32, #tpu.memory_space<vmem>>, %arg11: memref<128x16xf32, #tpu.memory_space<vmem>>, %arg12: memref<128x1xf32, #tpu.memory_space<vmem>>) attributes {dimension_semantics = [#tpu.dimension_semantics<arbitrary>], iteration_bounds = array<i64: 32>, scalar_prefetch = 0 : i64, scratch_operands = 2 : i64, tpu.core_type = #tpu.core_type<tc>, window_params = [{transform_indices = @transform_0, window_bounds = array<i64: 3128, 16>}, {transform_indices = @transform_1, window_bounds = array<i64: 3128, 16>}, {transform_indices = @transform_2, window_bounds = array<i64: 3128, 16>}, {transform_indices = @transform_3, window_bounds = array<i64: 3128, 1>}, {transform_indices = @transform_4, window_bounds = array<i64: 1, 1, 3128>}, {pipeline_mode = #tpu.pipeline_mode<synchronous>, transform_indices = @transform_5, window_bounds = array<i64: 16, 16>}, {pipeline_mode = #tpu.pipeline_mode<synchronous>, transform_indices = @transform_6, window_bounds = array<i64: 1, 16>}, {pipeline_mode = #tpu.pipeline_mode<synchronous>, transform_indices = @transform_7, window_bounds = array<i64: 16, 7>}, {pipeline_mode = #tpu.pipeline_mode<synchronous>, transform_indices = @transform_8, window_bounds = array<i64: 1, 7>}, {pipeline_mode = #tpu.pipeline_mode<synchronous>, transform_indices = @transform_9, window_bounds = array<i64: 128, 7>}]} {
    %eq3A = arith.constant 0 : i32
    %eq3A_0 = arith.cmpi eq, %arg0, %eq3A : i32
    %convert_element_type3A = arith.extui %eq3A_0 : i1 to i32
    %cond3A = arith.constant 0 : i32
    %cond3A_1 = arith.cmpi ne, %convert_element_type3A, %cond3A : i32
    scf.if %cond3A_1 {
      %broadcast_in_dim3A_45 = arith.constant 0.000000e+00 : f32
      %broadcast_in_dim3A_46 = vector.broadcast %broadcast_in_dim3A_45 : f32 to vector<128x16xf32>
      %swap3A_47 = arith.constant 0 : index
      %swap3A_48 = arith.constant 0 : index
      %swap3A_49 = vector.load %arg11[%swap3A_47, %swap3A_48] : memref<128x16xf32, #tpu.memory_space<vmem>>, vector<128x16xf32>
      tpu.vector_store %arg11[%swap3A_47, %swap3A_48], %broadcast_in_dim3A_46 {strides = array<i32>} : memref<128x16xf32, #tpu.memory_space<vmem>>, vector<128x16xf32>,
      %broadcast_in_dim3A_50 = arith.constant 0.000000e+00 : f32
      %broadcast_in_dim3A_51 = vector.broadcast %broadcast_in_dim3A_50 : f32 to vector<128x1xf32>
      %swap3A_52 = arith.constant 0 : index
      %swap3A_53 = arith.constant 0 : index
      %swap3A_54 = vector.load %arg12[%swap3A_52, %swap3A_53] : memref<128x1xf32, #tpu.memory_space<vmem>>, vector<128x1xf32>
      tpu.vector_store %arg12[%swap3A_52, %swap3A_53], %broadcast_in_dim3A_51 {strides = array<i32>} : memref<128x1xf32, #tpu.memory_space<vmem>>, vector<128x1xf32>,
    } else {
    }
    %get3A = arith.constant 0 : index
    %get3A_2 = arith.constant 0 : index
    %get3A_3 = vector.load %arg4[%get3A, %get3A_2] : memref<3128x1xf32, #tpu.memory_space<vmem>>, vector<3128x1xf32>
    %get3A_4 = arith.constant 0 : index
    %get3A_5 = arith.constant 0 : index
    %get3A_6 = vector.load %arg1[%get3A_4, %get3A_5] : memref<3128x16xf32, #tpu.memory_space<vmem>>, vector<3128x16xf32>
    %get3A_7 = arith.constant 0 : index
    %get3A_8 = arith.constant 0 : index
    %get3A_9 = vector.load %arg2[%get3A_7, %get3A_8] : memref<3128x16xf32, #tpu.memory_space<vmem>>, vector<3128x16xf32>
    %add3A = arith.addf %get3A_6, %get3A_9 : vector<3128x16xf32>
    %get3A_10 = arith.constant 0 : index
    %get3A_11 = arith.constant 0 : index
    %get3A_12 = vector.load %arg3[%get3A_10, %get3A_11] : memref<3128x16xf32, #tpu.memory_space<vmem>>, vector<3128x16xf32>
    %add3A_13 = arith.addf %add3A, %get3A_12 : vector<3128x16xf32>
    %mul3A = vector.broadcast %get3A_3 : vector<3128x1xf32> to vector<3128x16xf32>
    %mul3A_14 = arith.mulf %mul3A, %add3A_13 : vector<3128x16xf32>
    %iota3A = tpu.iota {dimensions = array<i32: 0>} : vector<128x3128xi32>
    %get3A_15 = arith.constant 0 : index
    %get3A_16 = arith.constant 0 : index
    %get3A_17 = arith.constant 0 : index
    %get3A_18 = vector.load %arg5[%get3A_15, %get3A_16, %get3A_17] : memref<1x1x3128xi32, #tpu.memory_space<vmem>>, vector<1x1x3128xi32>
    %get3A_19 = vector.shape_cast %get3A_18 : vector<1x1x3128xi32> to vector<1x3128xi32>
    %eq3A_20 = vector.broadcast %get3A_19 : vector<1x3128xi32> to vector<128x3128xi32>
    %eq3A_21 = arith.cmpi eq, %iota3A, %eq3A_20 : vector<128x3128xi32>
    %jit3A = arith.constant 1.000000e+00 : f32
    %jit3A_22 = arith.constant 0.000000e+00 : f32
    %broadcast_in_dim3A = vector.broadcast %jit3A : f32 to vector<128x3128xf32>
    %broadcast_in_dim3A_23 = vector.broadcast %jit3A_22 : f32 to vector<128x3128xf32>
    %select_n3A = arith.select %eq3A_21, %broadcast_in_dim3A, %broadcast_in_dim3A_23 : vector<128x3128xi1>, vector<128x3128xf32>
    %get3A_24 = arith.constant 0 : index
    %get3A_25 = arith.constant 0 : index
    %get3A_26 = vector.load %arg11[%get3A_24, %get3A_25] : memref<128x16xf32, #tpu.memory_space<vmem>>, vector<128x16xf32>
    %dot_general3A = arith.constant dense<0.000000e+00> : vector<128x16xf32>
    %dot_general3A_27 = tpu.matmul %select_n3A, %mul3A_14, %dot_general3A {dimension_numbers = #tpu.dot_dimension_numbers<[1], [0], [0], [1], [0, 0, 1, 1], [], []>, precision = #tpu.contract_precision<fp32>, transpose_lhs_hint = false} : vector<128x3128xf32>, vector<3128x16xf32>, vector<128x16xf32> -> vector<128x16xf32>
    %add3A_28 = arith.addf %get3A_26, %dot_general3A_27 : vector<128x16xf32>
    %swap3A = arith.constant 0 : index
    %swap3A_29 = arith.constant 0 : index
    %swap3A_30 = vector.load %arg11[%swap3A, %swap3A_29] : memref<128x16xf32, #tpu.memory_space<vmem>>, vector<128x16xf32>
    tpu.vector_store %arg11[%swap3A, %swap3A_29], %add3A_28 {strides = array<i32>} : memref<128x16xf32, #tpu.memory_space<vmem>>, vector<128x16xf32>,
    %get3A_31 = arith.constant 0 : index
    %get3A_32 = arith.constant 0 : index
    %get3A_33 = vector.load %arg12[%get3A_31, %get3A_32] : memref<128x1xf32, #tpu.memory_space<vmem>>, vector<128x1xf32>
    %reduce_sum3A = arith.constant dense<0.000000e+00> : vector<128xf32>
    %reduce_sum3A_34 = vector.multi_reduction <add>, %select_n3A, %reduce_sum3A [1] : vector<128x3128xf32> to vector<128xf32>
    %broadcast_in_dim3A_35 = vector.shape_cast %reduce_sum3A_34 : vector<128xf32> to vector<128x1xf32>
    %add3A_36 = arith.addf %get3A_33, %broadcast_in_dim3A_35 : vector<128x1xf32>
    %swap3A_37 = arith.constant 0 : index
    %swap3A_38 = arith.constant 0 : index
    %swap3A_39 = vector.load %arg12[%swap3A_37, %swap3A_38] : memref<128x1xf32, #tpu.memory_space<vmem>>, vector<128x1xf32>
    tpu.vector_store %arg12[%swap3A_37, %swap3A_38], %add3A_36 {strides = array<i32>} : memref<128x1xf32, #tpu.memory_space<vmem>>, vector<128x1xf32>,
    %eq3A_40 = arith.constant 31 : i32
    %eq3A_41 = arith.cmpi eq, %arg0, %eq3A_40 : i32
    %convert_element_type3A_42 = arith.extui %eq3A_41 : i1 to i32
    %cond3A_43 = arith.constant 0 : i32
    %cond3A_44 = arith.cmpi ne, %convert_element_type3A_42, %cond3A_43 : i32
    scf.if %cond3A_44 {
      %get3A_45 = arith.constant 0 : index
      %get3A_46 = arith.constant 0 : index
      %get3A_47 = vector.load %arg11[%get3A_45, %get3A_46] : memref<128x16xf32, #tpu.memory_space<vmem>>, vector<128x16xf32>
      %get3A_48 = arith.constant 0 : index
      %get3A_49 = arith.constant 0 : index
      %get3A_50 = vector.load %arg12[%get3A_48, %get3A_49] : memref<128x1xf32, #tpu.memory_space<vmem>>, vector<128x1xf32>
      %get3A_51 = arith.constant 0 : index
      %get3A_52 = arith.constant 0 : index
      %get3A_53 = vector.load %arg6[%get3A_51, %get3A_52] : memref<16x16xf32, #tpu.memory_space<vmem>>, vector<16x16xf32>
      %dot_general3A_54 = arith.constant dense<0.000000e+00> : vector<128x16xf32>
      %dot_general3A_55 = tpu.matmul %get3A_47, %get3A_53, %dot_general3A_54 {dimension_numbers = #tpu.dot_dimension_numbers<[1], [0], [0], [1], [0, 0, 1, 1], [], []>, precision = #tpu.contract_precision<fp32>, transpose_lhs_hint = false} : vector<128x16xf32>, vector<16x16xf32>, vector<128x16xf32> -> vector<128x16xf32>
      %get3A_56 = arith.constant 0 : index
      %get3A_57 = arith.constant 0 : index
      %get3A_58 = vector.load %arg7[%get3A_56, %get3A_57] : memref<1x16xf32, #tpu.memory_space<vmem>>, vector<1x16xf32>
      %mul3A_59 = vector.broadcast %get3A_50 : vector<128x1xf32> to vector<128x16xf32>
      %mul3A_60 = vector.broadcast %get3A_58 : vector<1x16xf32> to vector<128x16xf32>
      %mul3A_61 = arith.mulf %mul3A_59, %mul3A_60 : vector<128x16xf32>
      %add3A_62 = arith.addf %dot_general3A_55, %mul3A_61 : vector<128x16xf32>
      %get3A_63 = arith.constant 0 : index
      %get3A_64 = arith.constant 0 : index
      %get3A_65 = vector.load %arg8[%get3A_63, %get3A_64] : memref<16x7xf32, #tpu.memory_space<vmem>>, vector<16x7xf32>
      %dot_general3A_66 = arith.constant dense<0.000000e+00> : vector<128x7xf32>
      %dot_general3A_67 = tpu.matmul %add3A_62, %get3A_65, %dot_general3A_66 {dimension_numbers = #tpu.dot_dimension_numbers<[1], [0], [0], [1], [0, 0, 1, 1], [], []>, precision = #tpu.contract_precision<fp32>, transpose_lhs_hint = false} : vector<128x16xf32>, vector<16x7xf32>, vector<128x7xf32> -> vector<128x7xf32>
      %get3A_68 = arith.constant 0 : index
      %get3A_69 = arith.constant 0 : index
      %get3A_70 = vector.load %arg9[%get3A_68, %get3A_69] : memref<1x7xf32, #tpu.memory_space<vmem>>, vector<1x7xf32>
      %add3A_71 = vector.broadcast %get3A_70 : vector<1x7xf32> to vector<128x7xf32>
      %add3A_72 = arith.addf %dot_general3A_67, %add3A_71 : vector<128x7xf32>
      %reduce_max3A = arith.constant dense<0xFF800000> : vector<128xf32>
      %reduce_max3A_73 = vector.multi_reduction <maximumf>, %add3A_72, %reduce_max3A [1] : vector<128x7xf32> to vector<128xf32>
      %broadcast_in_dim3A_74 = vector.shape_cast %reduce_max3A_73 : vector<128xf32> to vector<128x1xf32>
      %sub3A = vector.broadcast %broadcast_in_dim3A_74 : vector<128x1xf32> to vector<128x7xf32>
      %sub3A_75 = arith.subf %add3A_72, %sub3A : vector<128x7xf32>
      %exp3A = math.exp %sub3A_75 : vector<128x7xf32>
      %reduce_sum3A_76 = arith.constant dense<0.000000e+00> : vector<128xf32>
      %reduce_sum3A_77 = vector.multi_reduction <add>, %exp3A, %reduce_sum3A_76 [1] : vector<128x7xf32> to vector<128xf32>
      %broadcast_in_dim3A_78 = vector.shape_cast %reduce_sum3A_77 : vector<128xf32> to vector<128x1xf32>
      %log3A = math.log %broadcast_in_dim3A_78 : vector<128x1xf32>
      %sub3A_79 = vector.broadcast %log3A : vector<128x1xf32> to vector<128x7xf32>
      %sub3A_80 = arith.subf %sub3A_75, %sub3A_79 : vector<128x7xf32>
      %swap3A_81 = arith.constant 0 : index
      %swap3A_82 = arith.constant 0 : index
      %swap3A_83 = vector.load %arg10[%swap3A_81, %swap3A_82] : memref<128x7xf32, #tpu.memory_space<vmem>>, vector<128x7xf32>
      tpu.vector_store %arg10[%swap3A_81, %swap3A_82], %sub3A_80 {strides = array<i32>} : memref<128x7xf32, #tpu.memory_space<vmem>>, vector<128x7xf32>,
    } else {
    }
    return
  }
  func.func @transform_0(%arg0: i32) -> (i32, i32) {
    %c0_i32 = arith.constant 0 : i32
    %c0_i32_0 = arith.constant 0 : i32
    return %arg0, %c0_i32 : i32, i32
  }
  func.func @transform_1(%arg0: i32) -> (i32, i32) {
    %add3A = arith.constant 32 : i32
    %add3A_0 = arith.addi %add3A, %arg0 : i32
    %c0_i32 = arith.constant 0 : i32
    %c0_i32_1 = arith.constant 0 : i32
    return %add3A_0, %c0_i32 : i32, i32
  }
  func.func @transform_2(%arg0: i32) -> (i32, i32) {
    %c0_i32 = arith.constant 0 : i32
    %c0_i32_0 = arith.constant 0 : i32
    return %arg0, %c0_i32 : i32, i32
  }
  func.func @transform_3(%arg0: i32) -> (i32, i32) {
    %c0_i32 = arith.constant 0 : i32
    %c0_i32_0 = arith.constant 0 : i32
    return %arg0, %c0_i32 : i32, i32
  }
  func.func @transform_4(%arg0: i32) -> (i32, i32, i32) {
    %c0_i32 = arith.constant 0 : i32
    %c0_i32_0 = arith.constant 0 : i32
    %c0_i32_1 = arith.constant 0 : i32
    return %arg0, %c0_i32, %c0_i32_0 : i32, i32, i32
  }
  func.func @transform_5(%arg0: i32) -> (i32, i32) {
    %c0_i32 = arith.constant 0 : i32
    %c0_i32_0 = arith.constant 0 : i32
    %c0_i32_1 = arith.constant 0 : i32
    return %c0_i32, %c0_i32_0 : i32, i32
  }
  func.func @transform_6(%arg0: i32) -> (i32, i32) {
    %c0_i32 = arith.constant 0 : i32
    %c0_i32_0 = arith.constant 0 : i32
    %c0_i32_1 = arith.constant 0 : i32
    return %c0_i32, %c0_i32_0 : i32, i32
  }
  func.func @transform_7(%arg0: i32) -> (i32, i32) {
    %c0_i32 = arith.constant 0 : i32
    %c0_i32_0 = arith.constant 0 : i32
    %c0_i32_1 = arith.constant 0 : i32
    return %c0_i32, %c0_i32_0 : i32, i32
  }
  func.func @transform_8(%arg0: i32) -> (i32, i32) {
    %c0_i32 = arith.constant 0 : i32
    %c0_i32_0 = arith.constant 0 : i32
    %c0_i32_1 = arith.constant 0 : i32
    return %c0_i32, %c0_i32_0 : i32, i32
  }
  func.func @transform_9(%arg0: i32) -> (i32, i32) {
    %c0_i32 = arith.constant 0 : i32
    %c0_i32_0 = arith.constant 0 : i32
    %c0_i32_1 = arith.constant 0 : i32
    return %c0_i32, %c0_i32_0 : i32, i32
  }
}

</mosaic_0001>

<sc_bundles>
// kernel: kernel.11.cloned.1.call-start
scs
__scs_entry_jumppad:
0x0: {  	(pc) =	sbr.rel $0x88, $3  }
0x1: {  	(tag) =	ssettag $0x0;
	lr =	simm.s32 $0x1  }
0x2: {  	[smem:$0x3F98] =	sst lr;
	_ =	strace $0xD0000000  }
0x3: {  	_ = 	snop  }
0x4: {  	_ = 	snop  }
0x5: {  	_ = 	snop  }
0x6: {  	_ = 	snop  }
0x7: {  	_ = 	snop  }
__scs_overlays_trampoline_lowered:
0x8: {  	[smem:$0x3FA7] =	sst s0  }
0x9: {  	[smem:$0x3FA8] =	sst s1  }
0xa: {  	[smem:$0x3FA9] =	sst s2  }
0xb: {  	[smem:$0x3FAA] =	sst s3  }
0xc: {  	[smem:$0x3FAB] =	sst s4  }
0xd: {  	[smem:$0x3FAC] =	sst s5  }
0xe: {  	[smem:$0x3FAD] =	sst s6  }
0xf: {  	[smem:$0x3FAE] =	sst s7  }
0x10: {  	[smem:$0x3FAF] =	sst s8  }
0x11: {  	[smem:$0x3FB0] =	sst s9;
	s0 =	simm.s32 @!p0 $0x0  }
0x12: {  	s1 =	sld [smem:$0x3F96];
	s0 =	simm.s32 @p0 $0x1  }
0x13: {  	[smem:$0x3FB1] =	sst s0;
	s0 =	simm.s32 @!p1 $0x0  }
0x14: {  	s2 =	sld [smem:$0x3F95];
	s0 =	simm.s32 @p1 $0x1  }
0x15: {  	[smem:$0x3FB2] =	sst s0;
	s0 =	simm.s32 @!p2 $0x0  }
0x16: {  	s3 =	sld [smem:$0x3FDB];
	s0 =	simm.s32 @p2 $0x1  }
0x17: {  	s4 =	simm.s32 $0x1BF5;
	[smem:$0x3FB4] =	sst s0  }
0x18: {  	s0 =	sld [smem:$0x3F97];
	_ =	swait.ge [sflag:s4], $0x0  }
0x19: {  	s7 =	sld [smem:$0x3F98]  }
0x1a: {  	s8 =	sadd.s32 $0xFFFFE003, lr  }
0x1b: {  	s9 =	sadd.s32 $0xFFFFFEF7, lr;
	s5 =	simm.s32 $0xFFFFFFFF;
	p2 =	slt.u32 s8, $0xFFFFF086  }
0x1c: {  	p1 =	slt.u32 s9, $0xF7A;
	s5 =	simm.s32 @!p2 $0x0  }
0x1d: {  	s5 =	simm.s32 @p1 $0x1;
	p0 =	seq.s32 s7, s2  }
0x1e: {  	s7 =	smul.u32 @!p0 $0xF7A, s2;
	p2 =	seq.s32 @!p0 s5, $0x0  }
0x1f: {  	s9 =	smul.u32 $0xF7A, s1;
	s8 =	simm.s32 @!p0 $0x1BF5;
	p2 =	por !p2, p0  }
0x20: {  	[sflag:s8] =	ssyncset.s32 @!p0 $0xFFFFF086;
	s6 =	sadd.s32 @!p0 s3, s7;
	s7 =	simm.s32 @!p0 $0x108  }
0x21: {  	s3 =	sadd.s32 s3, s9;
	s6 =	sadd.s32 @!p0 $0x88, s6;
	s7 =	simm.s32 @p2 $0x1082  }
0x22: {  	[simem:s7], [sflag:s8] =	dma.local @!p0 [hbm:s6], $0xF7A  }
0x23: {  	s9 =	sor.u32 $0xD0000000, s2;
	s6 =	simm.s32 $0x108;
	_ =	swait.ge @!p0 [sflag:s8], $0x0  }
0x24: {  	s3 =	sadd.s32 $0x88, s3;
	s6 =	simm.s32 @!p1 $0x1082;
	[sflag:s4] =	ssyncset.s32 $0xFFFFF086  }
0x25: {  	[simem:s6], [sflag:s4] =	dma.local [hbm:s3], $0xF7A  }
0x26: {  	[smem:$0x3F98] =	sst s1;
	(tag) =	ssettag s2;
	_ =	strace s9  }
0x27: {  	s1 =	sld [smem:$0x3FA8]  }
0x28: {  	s2 =	sld [smem:$0x3FA9]  }
0x29: {  	s4 =	sld [smem:$0x3FAB]  }
0x2a: {  	p0 =	seq.s32 s5, $0x0;
	s5 =	sld [smem:$0x3FAC]  }
0x2b: {  	s6 =	sld [smem:$0x3FAD]  }
0x2c: {  	s7 =	sld [smem:$0x3FAE]  }
0x2d: {  	s3 =	simm.s32 $0x108;
	s8 =	sld [smem:$0x3FAF]  }
0x2e: {  	s3 =	simm.s32 @!p0 $0x1082;
	s9 =	sld [smem:$0x3FB0]  }
0x2f: {  	lr =	sadd.s32 s0, s3;
	s0 =	sld [smem:$0x3FA7]  }
0x30: {  	s3 =	sld [smem:$0x3FAA]  }
0x31: {  	[smem:$0x3FB3] =	sst s10  }
0x32: {  	s10 =	sld [smem:$0x3FB1];
	_ =	sdelay $0x3  }
0x33: {  	p0 =	seq.s32 s10, $0x1;
	s10 =	sld [smem:$0x3FB3];
	_ =	sdelay $0x3  }
0x34: {  	[smem:$0x3FB3] =	sst s10  }
0x35: {  	s10 =	sld [smem:$0x3FB2];
	_ =	sdelay $0x3  }
0x36: {  	p1 =	seq.s32 s10, $0x1;
	s10 =	sld [smem:$0x3FB3];
	_ =	sdelay $0x3  }
0x37: {  	[smem:$0x3FB3] =	sst s10  }
0x38: {  	s10 =	sld [smem:$0x3FB4]  }
0x39: {  	_ = 	snop;
	(pc) =	sbr.ind lr, $3  }
0x3a: {  	_ = 	snop  }
0x3b: {  	_ = 	snop  }
0x3c: {  	p2 =	seq.s32 s10, $0x1;
	s10 =	sld [smem:$0x3FB3]  }
0x3d: {  	_ =	shalt  }
0x3e: {  	_ =	shalt  }
0x3f: {  	_ =	shalt  }
0x40: {  	_ =	shalt  }
0x41: {  	_ =	shalt  }
0x42: {  	_ =	shalt  }
0x43: {  	_ =	shalt  }
0x44: {  	_ =	shalt  }
0x45: {  	_ =	shalt  }
0x46: {  	_ =	shalt  }
0x47: {  	_ =	shalt  }
0x48: {  	_ =	shalt  }
0x49: {  	_ =	shalt  }
0x4a: {  	_ =	shalt  }
0x4b: {  	_ =	shalt  }
0x4c: {  	_ =	shalt  }
0x4d: {  	_ =	shalt  }
0x4e: {  	_ =	shalt  }
0x4f: {  	_ =	shalt  }
0x50: {  	_ =	shalt  }
0x51: {  	_ =	shalt  }
0x52: {  	_ =	shalt  }
0x53: {  	_ =	shalt  }
0x54: {  	_ =	shalt  }
0x55: {  	_ =	shalt  }
0x56: {  	_ =	shalt  }
0x57: {  	_ =	shalt  }
0x58: {  	_ =	shalt  }
0x59: {  	_ =	shalt  }
0x5a: {  	_ =	shalt  }
0x5b: {  	_ =	shalt  }
0x5c: {  	_ =	shalt  }
0x5d: {  	_ =	shalt  }
0x5e: {  	_ =	shalt  }
0x5f: {  	_ =	shalt  }
0x60: {  	_ =	shalt  }
0x61: {  	_ =	shalt  }
0x62: {  	_ =	shalt  }
0x63: {  	_ =	shalt  }
0x64: {  	_ =	shalt  }
0x65: {  	_ =	shalt  }
0x66: {  	_ =	shalt  }
0x67: {  	_ =	shalt  }
0x68: {  	_ =	shalt  }
0x69: {  	_ =	shalt  }
0x6a: {  	_ =	shalt  }
0x6b: {  	_ =	shalt  }
0x6c: {  	_ =	shalt  }
0x6d: {  	_ =	shalt  }
0x6e: {  	_ =	shalt  }
0x6f: {  	_ =	shalt  }
0x70: {  	_ =	shalt  }
0x71: {  	_ =	shalt  }
0x72: {  	_ =	shalt  }
0x73: {  	_ =	shalt  }
0x74: {  	_ =	shalt  }
0x75: {  	_ =	shalt  }
0x76: {  	_ =	shalt  }
0x77: {  	_ =	shalt  }
0x78: {  	_ =	shalt  }
0x79: {  	_ =	shalt  }
0x7a: {  	_ =	shalt  }
0x7b: {  	_ =	shalt  }
0x7c: {  	_ =	shalt  }
0x7d: {  	_ =	shalt  }
0x7e: {  	_ =	shalt  }
0x7f: {  	_ =	shalt  }
0x80: {  	_ =	shalt  }
0x81: {  	_ =	shalt  }
0x82: {  	_ =	shalt  }
0x83: {  	_ =	shalt  }
0x84: {  	_ =	shalt  }
0x85: {  	_ =	shalt  }
0x86: {  	_ =	shalt  }
0x87: {  	_ =	shalt  }
.Lfunc_end0:
.L_simem_size_0:
called_computation.1_lowered:
.L_overlay_start_0:
0x88: {  	s2 =	sld [smem:$0x3FD9]  }
0x89: {  	s3 =	sld [smem:$0x3FFE];
	_ =	sdelay $0x1  }
0x8a: {  	s1 =	srdreg.scid  }
0x8b: {  	s0 =	sand.u32 $0x1, s1  }
0x8c: {  	s16 =	sshll.u32 s0, $0xA;
	s2 =	sadd.s32 s3, s2  }
0x8d: {  	s2 =	sadd.s32 s2, s16  }
0x8e: {  	[smem:$0x3FBF] =	sst s2  }
0x8f: {  	_ = 	snop  }
0x90: {  	(tm) =	ssettm $0x1  }
0x91: {  	s17 =	sld [smem:$0x3FFB];
	_ =	sdelay $0x3  }
0x92: {  	_ =	strace s17  }
0x93: {  	s2 =	sld [smem:$0x3FFC];
	_ =	sdelay $0x3  }
0x94: {  	_ =	strace s2  }
0x95: {  	s2 =	sld [smem:$0x3FFD];
	_ =	sdelay $0x3  }
0x96: {  	_ =	strace s2  }
0x97: {  	_ =	strace $0x8FFFFFFF  }
0x98: {  	s18 =	sld [smem:$0x3FDB];
	_ =	sdelay $0x1  }
0x99: {  	s19 =	simm.s32 $_scs_section_size  }
0x9a: {  	s4 =	simm.s32 $_size__tile_overlayer_lowered;
	s5 =	simm.s32 $_tile_overlayer_lowered  }
0x9b: {  	s22 =	simm.s32 $0x1BFF;
	s21 =	sshll.u32 s5, $0x1;
	s2 =	sadd.s32 s19, s18  }
0x9c: {  	s6 =	simm.s32 $0x0;
	s20 =	sshll.u32 s4, $0x1;
	s4 =	sadd.s32 s21, s2  }
0x9d: {  	[timem:s6], [sflag:s22] =	dma.local [hbm:s4], s20  }
0x9e: {  	_ =	swait.ge [sflag:s22], s20  }
0x9f: {  	s3 =	ssub.s32 $0x0, s20;
	[sflag:s22] =	ssyncset.done $0x0  }
0xa0: {  	[sflag:s22] =	ssyncadd.s32 s3;
	_ =	sdelay $0x1  }
0xa1: {  	s23 =	simm.s32 $0x1B8B  }
0xa2: {  	_ =	swait.ge [sflag:s23], $0x1  }
0xa3: {  	[sflag:s23] =	ssyncset.done $0x0  }
0xa4: {  	s25 =	simm.s32 $0x1B8E;
	s24 =	sld [smem:$0x3FFE];
	[sflag:s23] =	ssyncadd.s32 $0xFFFFFFFF  }
0xa5: {  	s26 =	simm.s32 $execute0_lowered;
	[smem:$0x3FD2] =	sst s25  }
0xa6: {  	s4 =	sshll.u32 s26, $0x1;
	_ =	strace $0x80000049;
	[dreg:$0x1] =	wrdreg $0xFFFFFFFF  }
0xa7: {  	s28 =	simm.s32 $_size_execute0_lowered;
	s2 =	sadd.s32 s2, s4;
	[dreg:$0x0] =	wrdreg $0x0  }
0xa8: {  	s4 =	sshll.u32 s28, $0x1;
	[dreg:$0x2] =	wrdreg s2  }
0xa9: {  	[dreg:$0x3] =	wrdreg s4  }
0xaa: {  	[dreg:$0x4] =	wrdreg $0xC0  }
0xab: {  	_ =	task [dreg:s6], $0x5FFFF  }
0xac: {  	[dreg:$0x1] =	wrdreg $0xFFFFFFFF  }
0xad: {  	[dreg:$0x0] =	wrdreg $0x60  }
0xae: {  	[dreg:$0x2] =	wrdreg s24  }
0xaf: {  	[dreg:$0x3] =	wrdreg $0x56F00  }
0xb0: {  	[dreg:$0x4] =	wrdreg $0x9  }
0xb1: {  	_ =	task.clear_ibuf [dreg:s6], $0x5FFFF;
	_ =	strace $0x90000049  }
0xb2: {  	s29 =	simm.s32 $0x9;
	_ =	strace $0x8000004B  }
0xb3: {  	_ =	swait.ge [sflag:s29], $0x1  }
0xb4: {  	[sflag:s29] =	ssyncadd.s32 $0xFFFFFFFF  }
0xb5: {  	_ =	strace $0x9000004B  }
0xb6: {  	_ =	sfence  }
0xb7: {  	s30 =	sld [smem:$0x0];
	_ =	sdelay $0x2  }
0xb8: {  	s31 =	sshll.u32 s1, $0xD;
	s1 =	sshrl.u32 s1, $0x2  }
0xb9: {  	s3 =	sand.u32 $0x4000, s31;
	s1 =	sadd.s32 s1, s30  }
0xba: {  	s0 =	sor.u32 s3, s0;
	s1 =	sshll.u32 s1, $0x11  }
0xbb: {  	s0 =	sor.u32 s1, s0  }
0xbc: {  	s0 =	sadd.s32 $0x8F2B, s0  }
0xbd: {  	[sflag:s0] =	ssyncadd.remote.s32 $0x1  }
0xbe: {  	_ =	sfence.sel $0xFFFF  }
0xbf: {  	[dreg:$0x0] =	wrdreg $0xFFFFFFFF;
	(pc) =	sbr.abs _section_cstart, $3  }
0xc0: {  	[dreg:$0x1] =	wrdreg $0xFFFFFFFF  }
0xc1: {  	_ =	task.clear_ibuf [dreg:s6], $0x2FFFF;
	_ =	strace $0x9FFFFFFF  }
0xc2: {  	(tm) =	ssettm $0x7FFFFFFF  }
0xc3: {  	_ =	shalt  }
tec
execute0_lowered:
.L_overlay_start_1:
0x0: {  	(tag) =	ssettag $0x1  }
0x1: {  	s0 =	rddreg [dreg:$0x0]  }
0x2: {  	s2 =	rddreg [dreg:$0x1];
	s9 =	stileid.u32  }
0x3: {  	s1 =	srdreg.scid;
	s3 =	simm.s32 $0x0;
	s17 =	simm.s32 $0x3E80  }
0x4: {  	s18 =	simm.s32 $0x4;
	s19 =	simm.s32 $0x640;
	s28 =	simm.s32 $0x2580  }
0x5: {  	s29 =	simm.s32 $0x3;
	s30 =	simm.s32 $0x0;
	s6 =	smul.u32 $0x30E0, s9  }
0x6: {  	s1 =	sand.u32 $0x1, s1;
	s4 =	sshll.u32 s9, $0x1;
	s14 =	smul.u32 $0x61C00, s9  }
0x7: {  	[smem:$0x7FF] =	sst s3;
	s5 =	sadd.s32 $0x563400, s0;
	s15 =	smul.u32 $0x30D40, s9  }
0x8: {  	s4 =	sor.u32 s1, s4;
	s8 =	ssub.s32 $0x2, s1;
	s16 =	smul.u32 $0x186A0, s1  }
0x9: {  	_ =	strace $0x8000004A;
	s1 =	smul.u32 $0x30E00, s1;
	s21 =	sshrl.u32 s8, $0x1  }
0xa: {  	s7 =	smul.u32 $0x186A0, s4;
	s4 =	sadd.s32 $0x1E00, s0;
	s12 =	ssub.s32 s8, s21  }
0xb: {  	s0 =	sadd.s32 s6, s0;
	s15 =	sadd.s32 s16, s15;
	s26 =	smax.u32 s12, $0x1  }
0xc: {  	s20 =	sshrl.u32 s7, $0x3;
	s31 =	sadd.s32 $0x30DD60, s15;
	[dreg:$0x9] =	wrdreg s26  }
0xd: {  	s14 =	sshrl.u32 s14, $0x2;
	s6 =	sadd.s32 s4, s20;
	[dreg:$0xa] =	wrdreg s31  }
0xe: {  	s13 =	sadd.s32 $0xC5400, s0;
	s22 =	sadd.s32 $0x61A80, s6;
	[dreg:$0x3] =	wrdreg s6  }
0xf: {  	s14 =	sadd.s32 s14, s2;
	s23 =	sadd.s32 $0x32, s6;
	[dreg:$0x4] =	wrdreg s22  }
0x10: {  	s0 =	sadd.s32 s1, s0;
	s24 =	sadd.s32 $0x61AB2, s6;
	[dreg:$0x5] =	wrdreg s23  }
0x11: {  	s21 =	simm.s32 $0x7D0;
	s25 =	sadd.s32 $0x64, s6;
	[dreg:$0x6] =	wrdreg s24  }
0x12: {  	s16 =	sadd.s32 $0xF6200, s0;
	s6 =	sadd.s32 $0x61AE4, s6;
	[dreg:$0x7] =	wrdreg s25  }
0x13: {  	s20 =	simm.s32 $0x190;
	s26 =	simm.s32 $0x2;
	[dreg:$0x8] =	wrdreg s6  }
0x14: {  	s22 =	simm.s32 $0x320;
	s24 =	simm.s32 $0x1;
	s25 =	simm.s32 $0xC80  }
.LBB2_1:
0x15: {  	s0 =	sadd.s32 $0x0, s13  }
0x16: {  	[tilespmem:s17], [sflag:$0x4] =	stream.linear.gather [hbm4b:s0+s3], $0x1870, $0x38;
	[tilespmem:$0x1DDF0] =	vst v63  }
0x17: {  	_ =	swait.ge [sflag:s18], $0x1870  }
0x18: {  	[sflag:s18] =	ssyncset.done $0x0  }
0x19: {  	[sflag:s18] =	ssyncadd.s32 $0xFFFFE790  }
0x1a: {  	[spmem:s14] =	stream.linear.scatter [tilespmem:s17], [sflag:$0x4], $0x1870, $0x38;
	[tilespmem:$0x1DDF0] =	vst v63  }
0x1b: {  	s15 =	simm.s32 $0x30E;
	_ =	swait.ge [sflag:s18], $0x1870  }
0x1c: {  	s31 =	simm.s32 $0x61C;
	s0 =	sadd.s32 $0x1870, s14;
	[sflag:s18] =	ssyncset.done $0x0  }
.LBB2_2:
0x1d: {  	s23 =	sadd.s32 s15, s13  }
0x1e: {  	[sflag:s18] =	ssyncadd.s32 $0xFFFFE790;
	s15 =	smov.u32 s31;
	s7 =	sadd.s32 $0x30E, s31  }
0x1f: {  	[tilespmem:s17], [sflag:$0x4] =	stream.linear.gather [hbm4b:s23+s3], $0x1870, $0x38;
	[tilespmem:$0x1DDF0] =	vst v63  }
0x20: {  	p0 =	sne.s32 s31, $0x2DD2;
	_ =	swait.ge [sflag:s18], $0x1870  }
.Ltmp0:
0x21: {  	[sflag:s18] =	ssyncset.done $0x0;
	(pc) =	sbr.rel @p0 .LBB2_2-.Ltmp0, $4  }
0x22: {  	[sflag:s18] =	ssyncadd.s32 $0xFFFFE790  }
0x23: {  	[spmem:s0] =	stream.linear.scatter [tilespmem:s17], [sflag:$0x4], $0x1870, $0x38;
	[tilespmem:$0x1DDF0] =	vst v63  }
0x24: {  	_ =	swait.ge [sflag:s18], $0x1870  }
0x25: {  	s31 =	smov.u32 s7;
	s0 =	sadd.s32 $0x1870, s0;
	[sflag:s18] =	ssyncset.done $0x0  }
0x26: {  	s7 =	sadd.s32 s15, s13;
	[sflag:s18] =	ssyncadd.s32 $0xFFFFE790  }
0x27: {  	[tilespmem:s17], [sflag:$0x4] =	stream.linear.gather [hbm4b:s7+s3], $0x1870, $0x38;
	[tilespmem:$0x1DDF0] =	vst v63  }
0x28: {  	_ =	swait.ge [sflag:s18], $0x1870  }
0x29: {  	[sflag:s18] =	ssyncset.done $0x0  }
0x2a: {  	[sflag:s18] =	ssyncadd.s32 $0xFFFFE790  }
0x2b: {  	[spmem:s0] =	stream.linear.scatter [tilespmem:s17], [sflag:$0x4], $0x1870, $0x38;
	[tilespmem:$0x1DDF0] =	vst v63  }
0x2c: {  	_ =	swait.ge [sflag:s18], $0x1870  }
0x2d: {  	[sflag:s18] =	ssyncset.done $0x0  }
0x2e: {  	[sflag:s18] =	ssyncadd.s32 $0xFFFFE790  }
0x2f: {  	[bflag:$0x0] =	sbarrier.arrive $0xFFFF  }
0x30: {  	s31 =	simm.s32 $0x0;
	s9 =	rddreg [dreg:$0x3]  }
0x31: {  	[tilespmem:s31], [sflag:$0x1] =	stream.linear.gather [hbm4b:s9+s31], $0x190, $0x38;
	[tilespmem:$0x1DDF0] =	vst v63  }
0x32: {  	s10 =	rddreg [dreg:$0x4]  }
0x33: {  	[tilespmem:s19], [sflag:$0x1] =	stream.linear.gather [hbm4b:s10+s31], $0x190, $0x38;
	[tilespmem:$0x1DDF0] =	vst v63  }
0x34: {  	s11 =	rddreg [dreg:$0x5]  }
0x35: {  	[tilespmem:s20], [sflag:$0x1] =	stream.linear.gather [hbm4b:s11+s31], $0x190, $0x38;
	[tilespmem:$0x1DDF0] =	vst v63  }
0x36: {  	s12 =	rddreg [dreg:$0x6]  }
0x37: {  	[tilespmem:s21], [sflag:$0x1] =	stream.linear.gather [hbm4b:s12+s31], $0x190, $0x38;
	[tilespmem:$0x1DDF0] =	vst v63  }
0x38: {  	s15 =	rddreg [dreg:$0x7]  }
0x39: {  	[tilespmem:s22], [sflag:$0x1] =	stream.linear.gather [hbm4b:s15+s31], $0x190, $0x38;
	[tilespmem:$0x1DDF0] =	vst v63  }
0x3a: {  	s1 =	simm.s32 $0x960;
	s23 =	rddreg [dreg:$0x8]  }
0x3b: {  	[tilespmem:s1], [sflag:$0x1] =	stream.linear.gather [hbm4b:s23+s31], $0x190, $0x38;
	[tilespmem:$0x1DDF0] =	vst v63  }
0x3c: {  	_ =	swait.ge [sflag:s24], $0x190  }
0x3d: {  	[sflag:s24] =	ssyncset.done $0x0  }
.Ltmp1:
0x3e: {  	[sflag:s24] =	ssyncadd.s32 $0xFFFFFE70;
	(pc) =	sbr.rel .LBB2_4-.Ltmp1, $4  }
0x3f: {  	_ =	swait.ge [sflag:s24], $0x190  }
0x40: {  	[sflag:s24] =	ssyncset.done $0x0  }
0x41: {  	s0 =	simm.s32 $0x3;
	s15 =	rddreg [dreg:$0xa];
	[sflag:s24] =	ssyncadd.s32 $0xFFFFFE70  }
0x42: {  	[tilespmem:s25], [sflag:$0x2] =	stream.indirect.gather [hbm4b:s5+s20], $0x10, s31, s20, $0xb8;
	[tilespmem:$0x1DDF0] =	vst v63  }
.LBB2_5:
0x43: {  	_ =	swait.ge [sflag:s24], $0x190  }
0x44: {  	[sflag:s24] =	ssyncset.done $0x0  }
0x45: {  	[sflag:s24] =	ssyncadd.s32 $0xFFFFFE70  }
0x46: {  	_ =	swait.ge [sflag:s24], $0x190  }
0x47: {  	[sflag:s24] =	ssyncset.done $0x0  }
0x48: {  	[sflag:s24] =	ssyncadd.s32 $0xFFFFFE70  }
0x49: {  	[tilespmem:s25], [sflag:$0x2] =	stream.indirect.gather [hbm4b:s5+s20], $0x10, s22, s20, $0xb8;
	[tilespmem:$0x1DDF0] =	vst v63  }
.LBB2_7:
0x4a: {  	s7 =	sadd.s32 $0xFFCF28E0, s15  }
0x4b: {  	s7 =	sshrl.u32 s7, $0x3  }
0x4c: {  	s23 =	sadd.s32 $0xFFFFFCE0, s15;
	s7 =	sadd.s32 s4, s7  }
0x4d: {  	[tilespmem:s3], [sflag:$0x1] =	stream.linear.gather [hbm4b:s7+s3], $0x190, $0x38;
	[tilespmem:$0x1DDF0] =	vst v63  }
0x4e: {  	s7 =	sshrl.u32 s23, $0x3  }
0x4f: {  	s7 =	sadd.s32 s4, s7  }
0x50: {  	[tilespmem:s19], [sflag:$0x1] =	stream.linear.gather [hbm4b:s7+s3], $0x190, $0x38;
	[tilespmem:$0x1DDF0] =	vst v63  }
0x51: {  	s7 =	simm.s32 @!p0 $0x2  }
0x52: {  	_ =	swait.ge @!p0 [sflag:s7], $0x1900  }
0x53: {  	s8 =	simm.s32 @!p0 $0x190;
	[sflag:s7] =	ssyncset.done @!p0 $0x0  }
0x54: {  	s9 =	simm.s32 @!p0 $0xC80;
	s23 =	simm.s32 @!p0 $0x960;
	[sflag:s7] =	ssyncadd.s32 @!p0 $0xFFFFE700  }
0x55: {  	[spmem:s2] =	stream.indirect.scatter.add.f32 @!p0 [tilespmem:s9], [sflag:$0x3], $0x10, s23, s8, $0xb8;
	[tilespmem:$0x1DDF0] =	vst v63  }
0x56: {  	s23 =	simm.s32 @!p0 $0x3  }
0x57: {  	_ =	swait.ge @!p0 [sflag:s23], $0x1900  }
0x58: {  	[sflag:s23] =	ssyncset.done @!p0 $0x0  }
0x59: {  	s10 =	simm.s32 @!p0 $0x1;
	[sflag:s23] =	ssyncadd.s32 @!p0 $0xFFFFE700  }
0x5a: {  	_ =	swait.ge @!p0 [sflag:s10], $0x190  }
0x5b: {  	[sflag:s10] =	ssyncset.done @!p0 $0x0  }
0x5c: {  	[sflag:s10] =	ssyncadd.s32 @!p0 $0xFFFFFE70  }
0x5d: {  	_ =	swait.ge @!p0 [sflag:s10], $0x190  }
0x5e: {  	[sflag:s10] =	ssyncset.done @!p0 $0x0  }
0x5f: {  	s11 =	simm.s32 @!p0 $0x4B0;
	s12 =	simm.s32 @!p0 $0x2580;
	[sflag:s10] =	ssyncadd.s32 @!p0 $0xFFFFFE70  }
0x60: {  	[tilespmem:s12], [sflag:$0x2] =	stream.indirect.gather @!p0 [hbm4b:s5+s8], $0x10, s11, s8, $0xb8;
	[tilespmem:$0x1DDF0] =	vst v63  }
0x61: {  	s11 =	sadd.s32 @!p0 $0xFFCF2A70, s15  }
0x62: {  	s11 =	sshrl.u32 @!p0 s11, $0x3  }
0x63: {  	s1 =	simm.s32 @!p0 $0x0;
	s11 =	sadd.s32 @!p0 s4, s11  }
0x64: {  	[tilespmem:s8], [sflag:$0x1] =	stream.linear.gather @!p0 [hbm4b:s11+s1], $0x190, $0x38;
	[tilespmem:$0x1DDF0] =	vst v63  }
0x65: {  	s11 =	sadd.s32 @!p0 $0xFFFFFE70, s15  }
0x66: {  	s11 =	sshrl.u32 @!p0 s11, $0x3  }
0x67: {  	s6 =	simm.s32 @!p0 $0x7D0;
	s11 =	sadd.s32 @!p0 s4, s11  }
0x68: {  	[tilespmem:s6], [sflag:$0x1] =	stream.linear.gather @!p0 [hbm4b:s11+s1], $0x190, $0x38;
	[tilespmem:$0x1DDF0] =	vst v63  }
0x69: {  	_ =	swait.ge @!p0 [sflag:s7], $0x1900  }
0x6a: {  	[sflag:s7] =	ssyncset.done @!p0 $0x0  }
0x6b: {  	s6 =	simm.s32 @!p0 $0xAF0;
	[sflag:s7] =	ssyncadd.s32 @!p0 $0xFFFFE700  }
0x6c: {  	[spmem:s2] =	stream.indirect.scatter.add.f32 @!p0 [tilespmem:s12], [sflag:$0x3], $0x10, s6, s8, $0xb8;
	[tilespmem:$0x1DDF0] =	vst v63  }
0x6d: {  	_ =	swait.ge @!p0 [sflag:s23], $0x1900  }
0x6e: {  	[sflag:s23] =	ssyncset.done @!p0 $0x0  }
0x6f: {  	[sflag:s23] =	ssyncadd.s32 @!p0 $0xFFFFE700  }
0x70: {  	_ =	swait.ge @!p0 [sflag:s10], $0x190  }
0x71: {  	[sflag:s10] =	ssyncset.done @!p0 $0x0  }
0x72: {  	[sflag:s10] =	ssyncadd.s32 @!p0 $0xFFFFFE70  }
0x73: {  	_ =	swait.ge @!p0 [sflag:s10], $0x190  }
0x74: {  	[sflag:s10] =	ssyncset.done @!p0 $0x0  }
0x75: {  	p1 =	seq.s32 @!p0 s31, $0x3D;
	[sflag:s10] =	ssyncadd.s32 @!p0 $0xFFFFFE70  }
0x76: {  	[tilespmem:s9], [sflag:$0x2] =	stream.indirect.gather @!p0 [hbm4b:s5+s8], $0x10, s1, s8, $0xb8;
	[tilespmem:$0x1DDF0] =	vst v63  }
0x77: {  	p0 =	por p1, p0  }
0x78: {  	s1 =	sadd.s32 @!p0 $0xFFCF2C00, s15  }
0x79: {  	s1 =	sshrl.u32 @!p0 s1, $0x3  }
0x7a: {  	s6 =	simm.s32 @!p0 $0x0;
	s7 =	simm.s32 @!p0 $0x320;
	s1 =	sadd.s32 @!p0 s4, s1  }
0x7b: {  	[tilespmem:s7], [sflag:$0x1] =	stream.linear.gather @!p0 [hbm4b:s1+s6], $0x190, $0x38;
	[tilespmem:$0x1DDF0] =	vst v63  }
0x7c: {  	s31 =	sadd.s32 $0x1, s31;
	s0 =	sadd.s32 $0x4, s0;
	s1 =	sshrl.u32 @!p0 s15, $0x3  }
0x7d: {  	s7 =	simm.s32 @!p0 $0x960;
	s15 =	sadd.s32 $0x640, s15;
	s1 =	sadd.s32 @!p0 s4, s1  }
0x7e: {  	[tilespmem:s7], [sflag:$0x1] =	stream.linear.gather @!p0 [hbm4b:s1+s6], $0x190, $0x38;
	[tilespmem:$0x1DDF0] =	vst v63  }
.LBB2_4:
0x7f: {  	_ =	swait.ge [sflag:s26], $0x1900  }
0x80: {  	p0 =	seq.s32 s31, $0x0;
	[sflag:s26] =	ssyncset.done $0x0  }
0x81: {  	s7 =	simm.s32 @!p0 $0x3;
	[sflag:s26] =	ssyncadd.s32 $0xFFFFE700  }
0x82: {  	[spmem:s2] =	stream.indirect.scatter.add.f32 [tilespmem:s25], [sflag:$0x3], $0x10, s19, s20, $0xb8;
	[tilespmem:$0x1DDF0] =	vst v63  }
0x83: {  	_ =	swait.ge @!p0 [sflag:s7], $0x1900  }
0x84: {  	[sflag:s7] =	ssyncset.done @!p0 $0x0  }
0x85: {  	[sflag:s7] =	ssyncadd.s32 @!p0 $0xFFFFE700  }
0x86: {  	_ =	swait.ge [sflag:s24], $0x190  }
0x87: {  	[sflag:s24] =	ssyncset.done $0x0  }
0x88: {  	[sflag:s24] =	ssyncadd.s32 $0xFFFFFE70  }
0x89: {  	p0 =	sgt.u32 s0, $0xF9;
	_ =	swait.ge [sflag:s24], $0x190  }
0x8a: {  	s7 =	sadd.s32 @!p0 $0xFFCF2750, s15;
	[sflag:s24] =	ssyncset.done $0x0  }
0x8b: {  	s7 =	sshrl.u32 @!p0 s7, $0x3;
	[sflag:s24] =	ssyncadd.s32 $0xFFFFFE70  }
0x8c: {  	[tilespmem:s28], [sflag:$0x2] =	stream.indirect.gather [hbm4b:s5+s20], $0x10, s20, s20, $0xb8;
	[tilespmem:$0x1DDF0] =	vst v63  }
0x8d: {  	s23 =	simm.s32 @!p0 $0x0;
	s8 =	simm.s32 @!p0 $0x4B0;
	s7 =	sadd.s32 @!p0 s4, s7  }
0x8e: {  	[tilespmem:s8], [sflag:$0x1] =	stream.linear.gather @!p0 [hbm4b:s7+s23], $0x190, $0x38;
	[tilespmem:$0x1DDF0] =	vst v63  }
0x8f: {  	s7 =	sadd.s32 @!p0 $0xFFFFFB50, s15  }
0x90: {  	s7 =	sshrl.u32 @!p0 s7, $0x3  }
0x91: {  	s8 =	simm.s32 @!p0 $0xAF0;
	s7 =	sadd.s32 @!p0 s4, s7  }
0x92: {  	[tilespmem:s8], [sflag:$0x1] =	stream.linear.gather @!p0 [hbm4b:s7+s23], $0x190, $0x38;
	[tilespmem:$0x1DDF0] =	vst v63  }
0x93: {  	_ =	swait.ge [sflag:s26], $0x1900  }
0x94: {  	p0 =	sgt.u32 s31, $0x3D;
	[sflag:s26] =	ssyncset.done $0x0  }
.Ltmp2:
0x95: {  	[sflag:s26] =	ssyncadd.s32 $0xFFFFE700;
	(pc) =	sbr.rel @!p0 .LBB2_5-.Ltmp2, $4  }
0x96: {  	[spmem:s2] =	stream.indirect.scatter.add.f32 [tilespmem:s28], [sflag:$0x3], $0x10, s21, s20, $0xb8;
	[tilespmem:$0x1DDF0] =	vst v63  }
0x97: {  	_ =	swait.ge [sflag:s29], $0x1900  }
0x98: {  	[sflag:s29] =	ssyncset.done $0x0  }
0x99: {  	[sflag:s29] =	ssyncadd.s32 $0xFFFFE700  }
0x9a: {  	p1 =	seq.s32 s31, $0x3E  }
.Ltmp3:
0x9b: {  	_ = 	snop;
	(pc) =	sbr.rel @!p1 .LBB2_7-.Ltmp3, $1  }
0x9c: {  	_ =	sdelay $0x3  }
0x9d: {  	_ =	swait.ge [sflag:s29], $0x1900  }
0x9e: {  	[sflag:s29] =	ssyncset.done $0x0  }
0x9f: {  	[sflag:s29] =	ssyncadd.s32 $0xFFFFE700  }
0xa0: {  	[bflag:$0x0] =	sbarrier.arrive $0xFFFF  }
0xa1: {  	[tilespmem:s17], [sflag:$0x4] =	stream.linear.gather [spmem:s14], $0x1870, $0x38;
	[tilespmem:$0x1DDF0] =	vst v63  }
0xa2: {  	_ =	swait.ge [sflag:s18], $0x1870  }
0xa3: {  	[sflag:s18] =	ssyncset.done $0x0  }
0xa4: {  	s0 =	sadd.s32 $0x0, s16;
	[sflag:s18] =	ssyncadd.s32 $0xFFFFE790  }
0xa5: {  	[hbm4b:s0+s3] =	stream.linear.scatter [tilespmem:s17], [sflag:$0x4], $0x1870, $0x38;
	[tilespmem:$0x1DDF0] =	vst v63  }
0xa6: {  	_ =	swait.ge [sflag:s18], $0x1870  }
0xa7: {  	s15 =	smov.u32 s14;
	s0 =	simm.s32 $0x30E;
	[sflag:s18] =	ssyncset.done $0x0  }
.LBB2_9:
0xa8: {  	p0 =	sne.s32 s0, $0x2DD2;
	[sflag:s18] =	ssyncadd.s32 $0xFFFFE790;
	s15 =	sadd.s32 $0x1870, s15  }
0xa9: {  	[tilespmem:s17], [sflag:$0x4] =	stream.linear.gather [spmem:s15], $0x1870, $0x38;
	[tilespmem:$0x1DDF0] =	vst v63  }
0xaa: {  	s1 =	smov.u32 s0;
	s0 =	sadd.s32 $0x30E, s0;
	_ =	swait.ge [sflag:s18], $0x1870  }
.Ltmp4:
0xab: {  	[sflag:s18] =	ssyncset.done $0x0;
	(pc) =	sbr.rel @p0 .LBB2_9-.Ltmp4, $4  }
0xac: {  	s1 =	sadd.s32 s1, s16;
	[sflag:s18] =	ssyncadd.s32 $0xFFFFE790  }
0xad: {  	[hbm4b:s1+s3] =	stream.linear.scatter [tilespmem:s17], [sflag:$0x4], $0x1870, $0x38;
	[tilespmem:$0x1DDF0] =	vst v63  }
0xae: {  	_ =	swait.ge [sflag:s18], $0x1870  }
0xaf: {  	[sflag:s18] =	ssyncset.done $0x0  }
0xb0: {  	s30 =	sadd.s32 $0x1, s30;
	s0 =	rddreg [dreg:$0x9]  }
0xb1: {  	p0 =	sne.s32 s30, s0  }
.Ltmp5:
0xb2: {  	_ = 	snop;
	(pc) =	sbr.rel @p0 .LBB2_1-.Ltmp5, $2  }
0xb3: {  	_ =	sdelay $0x2  }
0xb4: {  	[sflag:s18] =	ssyncadd.s32 $0xFFFFE790  }
0xb5: {  	_ =	sfence.sel $0x180000  }
0xb6: {  	[bflag:$0x0] =	sbarrier.arrive $0xFFFF  }
0xb7: {  	_ =	strace $0x9000004A  }
0xb8: {  	s0 =	stileid.u32;
	[bflag:$0x2] =	sbarrier.arrive $0xFFFF  }
0xb9: {  	p0 =	sne.s32 s0, $0x0;
	s0 =	rddreg [dreg:$0x2]  }
0xba: {  	s0 =	sadd.s32 @!p0 $0x100000, s0  }
0xbb: {  	[sflag:s0] =	ssyncadd.tile.s32 @!p0 $0x1;
	_ =	shalt  }
.Lfunc_end2:
_tile_overlayer_lowered:
.L_overlay_start_2:
0xbc: {  	(tag) =	ssettag $0x2  }
0xbd: {  	s0 =	rddreg [dreg:$0x0];
	s2 =	stileid.u32  }
0xbe: {  	s1 =	rddreg [dreg:$0x1];
	p0 =	sne.s32 s2, $0x0  }
0xbf: {  	s3 =	rddreg [dreg:$0x2];
	[bflag:$0x3] =	sbarrier.arrive $0xFFFF;
	s2 =	simm.s32 @!p0 $0x1C04  }
0xc0: {  	[timem:s3], [sflag:s2] =	dma.local @!p0 [hbm:s0], s1  }
0xc1: {  	s0 =	simm.s32 @!p0 $0x4  }
0xc2: {  	_ =	swait.ge @!p0 [sflag:s0], s1  }
0xc3: {  	s1 =	ssub.s32 @!p0 $0x0, s1;
	[sflag:s0] =	ssyncset.done @!p0 $0x0  }
0xc4: {  	[sflag:s0] =	ssyncadd.s32 @!p0 s1  }
0xc5: {  	[bflag:$0x3] =	sbarrier.arrive $0xFFFF  }
0xc6: {  	_ =	shalt  }

// kernel: kernel.14.cloned.1.call-start
scs
__scs_entry_jumppad:
0x0: {  	(pc) =	sbr.rel $0x88, $3  }
0x1: {  	(tag) =	ssettag $0x0;
	lr =	simm.s32 $0x1  }
0x2: {  	[smem:$0x3F98] =	sst lr;
	_ =	strace $0xD0000000  }
0x3: {  	_ = 	snop  }
0x4: {  	_ = 	snop  }
0x5: {  	_ = 	snop  }
0x6: {  	_ = 	snop  }
0x7: {  	_ = 	snop  }
__scs_overlays_trampoline_lowered:
0x8: {  	[smem:$0x3FA7] =	sst s0  }
0x9: {  	[smem:$0x3FA8] =	sst s1  }
0xa: {  	[smem:$0x3FA9] =	sst s2  }
0xb: {  	[smem:$0x3FAA] =	sst s3  }
0xc: {  	[smem:$0x3FAB] =	sst s4  }
0xd: {  	[smem:$0x3FAC] =	sst s5  }
0xe: {  	[smem:$0x3FAD] =	sst s6  }
0xf: {  	[smem:$0x3FAE] =	sst s7  }
0x10: {  	[smem:$0x3FAF] =	sst s8  }
0x11: {  	[smem:$0x3FB0] =	sst s9;
	s0 =	simm.s32 @!p0 $0x0  }
0x12: {  	s1 =	sld [smem:$0x3F96];
	s0 =	simm.s32 @p0 $0x1  }
0x13: {  	[smem:$0x3FB1] =	sst s0;
	s0 =	simm.s32 @!p1 $0x0  }
0x14: {  	s2 =	sld [smem:$0x3F95];
	s0 =	simm.s32 @p1 $0x1  }
0x15: {  	[smem:$0x3FB2] =	sst s0;
	s0 =	simm.s32 @!p2 $0x0  }
0x16: {  	s3 =	sld [smem:$0x3FDB];
	s0 =	simm.s32 @p2 $0x1  }
0x17: {  	s4 =	simm.s32 $0x1BF5;
	[smem:$0x3FB4] =	sst s0  }
0x18: {  	s0 =	sld [smem:$0x3F97];
	_ =	swait.ge [sflag:s4], $0x0  }
0x19: {  	s7 =	sld [smem:$0x3F98]  }
0x1a: {  	s8 =	sadd.s32 $0xFFFFE003, lr  }
0x1b: {  	s9 =	sadd.s32 $0xFFFFFEF7, lr;
	s5 =	simm.s32 $0xFFFFFFFF;
	p2 =	slt.u32 s8, $0xFFFFF086  }
0x1c: {  	p1 =	slt.u32 s9, $0xF7A;
	s5 =	simm.s32 @!p2 $0x0  }
0x1d: {  	s5 =	simm.s32 @p1 $0x1;
	p0 =	seq.s32 s7, s2  }
0x1e: {  	s7 =	smul.u32 @!p0 $0xF7A, s2;
	p2 =	seq.s32 @!p0 s5, $0x0  }
0x1f: {  	s9 =	smul.u32 $0xF7A, s1;
	s8 =	simm.s32 @!p0 $0x1BF5;
	p2 =	por !p2, p0  }
0x20: {  	[sflag:s8] =	ssyncset.s32 @!p0 $0xFFFFF086;
	s6 =	sadd.s32 @!p0 s3, s7;
	s7 =	simm.s32 @!p0 $0x108  }
0x21: {  	s3 =	sadd.s32 s3, s9;
	s6 =	sadd.s32 @!p0 $0x88, s6;
	s7 =	simm.s32 @p2 $0x1082  }
0x22: {  	[simem:s7], [sflag:s8] =	dma.local @!p0 [hbm:s6], $0xF7A  }
0x23: {  	s9 =	sor.u32 $0xD0000000, s2;
	s6 =	simm.s32 $0x108;
	_ =	swait.ge @!p0 [sflag:s8], $0x0  }
0x24: {  	s3 =	sadd.s32 $0x88, s3;
	s6 =	simm.s32 @!p1 $0x1082;
	[sflag:s4] =	ssyncset.s32 $0xFFFFF086  }
0x25: {  	[simem:s6], [sflag:s4] =	dma.local [hbm:s3], $0xF7A  }
0x26: {  	[smem:$0x3F98] =	sst s1;
	(tag) =	ssettag s2;
	_ =	strace s9  }
0x27: {  	s1 =	sld [smem:$0x3FA8]  }
0x28: {  	s2 =	sld [smem:$0x3FA9]  }
0x29: {  	s4 =	sld [smem:$0x3FAB]  }
0x2a: {  	p0 =	seq.s32 s5, $0x0;
	s5 =	sld [smem:$0x3FAC]  }
0x2b: {  	s6 =	sld [smem:$0x3FAD]  }
0x2c: {  	s7 =	sld [smem:$0x3FAE]  }
0x2d: {  	s3 =	simm.s32 $0x108;
	s8 =	sld [smem:$0x3FAF]  }
0x2e: {  	s3 =	simm.s32 @!p0 $0x1082;
	s9 =	sld [smem:$0x3FB0]  }
0x2f: {  	lr =	sadd.s32 s0, s3;
	s0 =	sld [smem:$0x3FA7]  }
0x30: {  	s3 =	sld [smem:$0x3FAA]  }
0x31: {  	[smem:$0x3FB3] =	sst s10  }
0x32: {  	s10 =	sld [smem:$0x3FB1];
	_ =	sdelay $0x3  }
0x33: {  	p0 =	seq.s32 s10, $0x1;
	s10 =	sld [smem:$0x3FB3];
	_ =	sdelay $0x3  }
0x34: {  	[smem:$0x3FB3] =	sst s10  }
0x35: {  	s10 =	sld [smem:$0x3FB2];
	_ =	sdelay $0x3  }
0x36: {  	p1 =	seq.s32 s10, $0x1;
	s10 =	sld [smem:$0x3FB3];
	_ =	sdelay $0x3  }
0x37: {  	[smem:$0x3FB3] =	sst s10  }
0x38: {  	s10 =	sld [smem:$0x3FB4]  }
0x39: {  	_ = 	snop;
	(pc) =	sbr.ind lr, $3  }
0x3a: {  	_ = 	snop  }
0x3b: {  	_ = 	snop  }
0x3c: {  	p2 =	seq.s32 s10, $0x1;
	s10 =	sld [smem:$0x3FB3]  }
0x3d: {  	_ =	shalt  }
0x3e: {  	_ =	shalt  }
0x3f: {  	_ =	shalt  }
0x40: {  	_ =	shalt  }
0x41: {  	_ =	shalt  }
0x42: {  	_ =	shalt  }
0x43: {  	_ =	shalt  }
0x44: {  	_ =	shalt  }
0x45: {  	_ =	shalt  }
0x46: {  	_ =	shalt  }
0x47: {  	_ =	shalt  }
0x48: {  	_ =	shalt  }
0x49: {  	_ =	shalt  }
0x4a: {  	_ =	shalt  }
0x4b: {  	_ =	shalt  }
0x4c: {  	_ =	shalt  }
0x4d: {  	_ =	shalt  }
0x4e: {  	_ =	shalt  }
0x4f: {  	_ =	shalt  }
0x50: {  	_ =	shalt  }
0x51: {  	_ =	shalt  }
0x52: {  	_ =	shalt  }
0x53: {  	_ =	shalt  }
0x54: {  	_ =	shalt  }
0x55: {  	_ =	shalt  }
0x56: {  	_ =	shalt  }
0x57: {  	_ =	shalt  }
0x58: {  	_ =	shalt  }
0x59: {  	_ =	shalt  }
0x5a: {  	_ =	shalt  }
0x5b: {  	_ =	shalt  }
0x5c: {  	_ =	shalt  }
0x5d: {  	_ =	shalt  }
0x5e: {  	_ =	shalt  }
0x5f: {  	_ =	shalt  }
0x60: {  	_ =	shalt  }
0x61: {  	_ =	shalt  }
0x62: {  	_ =	shalt  }
0x63: {  	_ =	shalt  }
0x64: {  	_ =	shalt  }
0x65: {  	_ =	shalt  }
0x66: {  	_ =	shalt  }
0x67: {  	_ =	shalt  }
0x68: {  	_ =	shalt  }
0x69: {  	_ =	shalt  }
0x6a: {  	_ =	shalt  }
0x6b: {  	_ =	shalt  }
0x6c: {  	_ =	shalt  }
0x6d: {  	_ =	shalt  }
0x6e: {  	_ =	shalt  }
0x6f: {  	_ =	shalt  }
0x70: {  	_ =	shalt  }
0x71: {  	_ =	shalt  }
0x72: {  	_ =	shalt  }
0x73: {  	_ =	shalt  }
0x74: {  	_ =	shalt  }
0x75: {  	_ =	shalt  }
0x76: {  	_ =	shalt  }
0x77: {  	_ =	shalt  }
0x78: {  	_ =	shalt  }
0x79: {  	_ =	shalt  }
0x7a: {  	_ =	shalt  }
0x7b: {  	_ =	shalt  }
0x7c: {  	_ =	shalt  }
0x7d: {  	_ =	shalt  }
0x7e: {  	_ =	shalt  }
0x7f: {  	_ =	shalt  }
0x80: {  	_ =	shalt  }
0x81: {  	_ =	shalt  }
0x82: {  	_ =	shalt  }
0x83: {  	_ =	shalt  }
0x84: {  	_ =	shalt  }
0x85: {  	_ =	shalt  }
0x86: {  	_ =	shalt  }
0x87: {  	_ =	shalt  }
.Lfunc_end0:
.L_simem_size_0:
called_computation.2_lowered:
.L_overlay_start_0:
0x88: {  	s2 =	sld [smem:$0x3FD9]  }
0x89: {  	s3 =	sld [smem:$0x3FFE];
	_ =	sdelay $0x1  }
0x8a: {  	s1 =	srdreg.scid  }
0x8b: {  	s0 =	sand.u32 $0x1, s1  }
0x8c: {  	s16 =	sshll.u32 s0, $0xA;
	s2 =	sadd.s32 s3, s2  }
0x8d: {  	s2 =	sadd.s32 s2, s16  }
0x8e: {  	[smem:$0x3FBF] =	sst s2  }
0x8f: {  	_ = 	snop  }
0x90: {  	(tm) =	ssettm $0x1  }
0x91: {  	s17 =	sld [smem:$0x3FFB];
	_ =	sdelay $0x3  }
0x92: {  	_ =	strace s17  }
0x93: {  	s2 =	sld [smem:$0x3FFC];
	_ =	sdelay $0x3  }
0x94: {  	_ =	strace s2  }
0x95: {  	s2 =	sld [smem:$0x3FFD];
	_ =	sdelay $0x3  }
0x96: {  	_ =	strace s2  }
0x97: {  	_ =	strace $0x8FFFFFFF  }
0x98: {  	s18 =	sld [smem:$0x3FDB];
	_ =	sdelay $0x1  }
0x99: {  	s19 =	simm.s32 $_scs_section_size  }
0x9a: {  	s4 =	simm.s32 $_size__tile_overlayer_lowered;
	s5 =	simm.s32 $_tile_overlayer_lowered  }
0x9b: {  	s22 =	simm.s32 $0x1BFF;
	s21 =	sshll.u32 s5, $0x1;
	s2 =	sadd.s32 s19, s18  }
0x9c: {  	s6 =	simm.s32 $0x0;
	s20 =	sshll.u32 s4, $0x1;
	s4 =	sadd.s32 s21, s2  }
0x9d: {  	[timem:s6], [sflag:s22] =	dma.local [hbm:s4], s20  }
0x9e: {  	_ =	swait.ge [sflag:s22], s20  }
0x9f: {  	s3 =	ssub.s32 $0x0, s20;
	[sflag:s22] =	ssyncset.done $0x0  }
0xa0: {  	[sflag:s22] =	ssyncadd.s32 s3;
	_ =	sdelay $0x1  }
0xa1: {  	s23 =	simm.s32 $0x1B8B  }
0xa2: {  	_ =	swait.ge [sflag:s23], $0x1  }
0xa3: {  	[sflag:s23] =	ssyncset.done $0x0  }
0xa4: {  	s25 =	simm.s32 $0x1B8E;
	s24 =	sld [smem:$0x3FFE];
	[sflag:s23] =	ssyncadd.s32 $0xFFFFFFFF  }
0xa5: {  	s26 =	simm.s32 $execute0_lowered;
	[smem:$0x3FD2] =	sst s25  }
0xa6: {  	s4 =	sshll.u32 s26, $0x1;
	_ =	strace $0x8000004C;
	[dreg:$0x1] =	wrdreg $0xFFFFFFFF  }
0xa7: {  	s28 =	simm.s32 $_size_execute0_lowered;
	s2 =	sadd.s32 s2, s4;
	[dreg:$0x0] =	wrdreg $0x0  }
0xa8: {  	s4 =	sshll.u32 s28, $0x1;
	[dreg:$0x2] =	wrdreg s2  }
0xa9: {  	[dreg:$0x3] =	wrdreg s4  }
0xaa: {  	[dreg:$0x4] =	wrdreg $0xC0  }
0xab: {  	_ =	task [dreg:s6], $0x5FFFF  }
0xac: {  	[dreg:$0x1] =	wrdreg $0xFFFFFFFF  }
0xad: {  	[dreg:$0x0] =	wrdreg $0x60  }
0xae: {  	[dreg:$0x2] =	wrdreg s24  }
0xaf: {  	[dreg:$0x3] =	wrdreg $0x56F00  }
0xb0: {  	[dreg:$0x4] =	wrdreg $0x9  }
0xb1: {  	_ =	task.clear_ibuf [dreg:s6], $0x5FFFF;
	_ =	strace $0x9000004C  }
0xb2: {  	s29 =	simm.s32 $0x9;
	_ =	strace $0x8000004E  }
0xb3: {  	_ =	swait.ge [sflag:s29], $0x1  }
0xb4: {  	[sflag:s29] =	ssyncadd.s32 $0xFFFFFFFF  }
0xb5: {  	_ =	strace $0x9000004E  }
0xb6: {  	_ =	sfence  }
0xb7: {  	s30 =	sld [smem:$0x0];
	_ =	sdelay $0x2  }
0xb8: {  	s31 =	sshll.u32 s1, $0xD;
	s1 =	sshrl.u32 s1, $0x2  }
0xb9: {  	s3 =	sand.u32 $0x4000, s31;
	s1 =	sadd.s32 s1, s30  }
0xba: {  	s0 =	sor.u32 s3, s0;
	s1 =	sshll.u32 s1, $0x11  }
0xbb: {  	s0 =	sor.u32 s1, s0  }
0xbc: {  	s0 =	sadd.s32 $0x8F2B, s0  }
0xbd: {  	[sflag:s0] =	ssyncadd.remote.s32 $0x1  }
0xbe: {  	_ =	sfence.sel $0xFFFF  }
0xbf: {  	[dreg:$0x0] =	wrdreg $0xFFFFFFFF;
	(pc) =	sbr.abs _section_cstart, $3  }
0xc0: {  	[dreg:$0x1] =	wrdreg $0xFFFFFFFF  }
0xc1: {  	_ =	task.clear_ibuf [dreg:s6], $0x2FFFF;
	_ =	strace $0x9FFFFFFF  }
0xc2: {  	(tm) =	ssettm $0x7FFFFFFF  }
0xc3: {  	_ =	shalt  }
tec
execute0_lowered:
.L_overlay_start_1:
0x0: {  	(tag) =	ssettag $0x1  }
0x1: {  	s0 =	rddreg [dreg:$0x0]  }
0x2: {  	s2 =	rddreg [dreg:$0x1];
	s9 =	stileid.u32  }
0x3: {  	s1 =	srdreg.scid;
	s3 =	simm.s32 $0x0;
	s17 =	simm.s32 $0x3E80  }
0x4: {  	s18 =	simm.s32 $0x4;
	s19 =	simm.s32 $0x640;
	s28 =	simm.s32 $0x2580  }
0x5: {  	s29 =	simm.s32 $0x3;
	s30 =	simm.s32 $0x0;
	s6 =	smul.u32 $0x30E0, s9  }
0x6: {  	s1 =	sand.u32 $0x1, s1;
	s4 =	sshll.u32 s9, $0x1;
	s14 =	smul.u32 $0x61C00, s9  }
0x7: {  	[smem:$0x7FF] =	sst s3;
	s5 =	sadd.s32 $0xF6200, s0;
	s15 =	smul.u32 $0x30D40, s9  }
0x8: {  	s4 =	sor.u32 s1, s4;
	s8 =	ssub.s32 $0x2, s1;
	s16 =	smul.u32 $0x186A0, s1  }
0x9: {  	_ =	strace $0x8000004D;
	s1 =	smul.u32 $0x30E00, s1;
	s21 =	sshrl.u32 s8, $0x1  }
0xa: {  	s7 =	smul.u32 $0x186A0, s4;
	s4 =	sadd.s32 $0x1E00, s0;
	s12 =	ssub.s32 s8, s21  }
0xb: {  	s0 =	sadd.s32 s6, s0;
	s15 =	sadd.s32 s16, s15;
	s26 =	smax.u32 s12, $0x1  }
0xc: {  	s20 =	sshrl.u32 s7, $0x3;
	s31 =	sadd.s32 $0x30DD60, s15;
	[dreg:$0x9] =	wrdreg s26  }
0xd: {  	s14 =	sshrl.u32 s14, $0x2;
	s6 =	sadd.s32 s4, s20;
	[dreg:$0xa] =	wrdreg s31  }
0xe: {  	s13 =	sadd.s32 $0xC5400, s0;
	s22 =	sadd.s32 $0x61A80, s6;
	[dreg:$0x3] =	wrdreg s6  }
0xf: {  	s14 =	sadd.s32 s14, s2;
	s23 =	sadd.s32 $0x32, s6;
	[dreg:$0x4] =	wrdreg s22  }
0x10: {  	s0 =	sadd.s32 s1, s0;
	s24 =	sadd.s32 $0x61AB2, s6;
	[dreg:$0x5] =	wrdreg s23  }
0x11: {  	s21 =	simm.s32 $0x7D0;
	s25 =	sadd.s32 $0x64, s6;
	[dreg:$0x6] =	wrdreg s24  }
0x12: {  	s16 =	sadd.s32 $0x127000, s0;
	s6 =	sadd.s32 $0x61AE4, s6;
	[dreg:$0x7] =	wrdreg s25  }
0x13: {  	s20 =	simm.s32 $0x190;
	s26 =	simm.s32 $0x2;
	[dreg:$0x8] =	wrdreg s6  }
0x14: {  	s22 =	simm.s32 $0x320;
	s24 =	simm.s32 $0x1;
	s25 =	simm.s32 $0xC80  }
.LBB2_1:
0x15: {  	s0 =	sadd.s32 $0x0, s13  }
0x16: {  	[tilespmem:s17], [sflag:$0x4] =	stream.linear.gather [hbm4b:s0+s3], $0x1870, $0x38;
	[tilespmem:$0x1DDF0] =	vst v63  }
0x17: {  	_ =	swait.ge [sflag:s18], $0x1870  }
0x18: {  	[sflag:s18] =	ssyncset.done $0x0  }
0x19: {  	[sflag:s18] =	ssyncadd.s32 $0xFFFFE790  }
0x1a: {  	[spmem:s14] =	stream.linear.scatter [tilespmem:s17], [sflag:$0x4], $0x1870, $0x38;
	[tilespmem:$0x1DDF0] =	vst v63  }
0x1b: {  	s15 =	simm.s32 $0x30E;
	_ =	swait.ge [sflag:s18], $0x1870  }
0x1c: {  	s31 =	simm.s32 $0x61C;
	s0 =	sadd.s32 $0x1870, s14;
	[sflag:s18] =	ssyncset.done $0x0  }
.LBB2_2:
0x1d: {  	s23 =	sadd.s32 s15, s13  }
0x1e: {  	[sflag:s18] =	ssyncadd.s32 $0xFFFFE790;
	s15 =	smov.u32 s31;
	s7 =	sadd.s32 $0x30E, s31  }
0x1f: {  	[tilespmem:s17], [sflag:$0x4] =	stream.linear.gather [hbm4b:s23+s3], $0x1870, $0x38;
	[tilespmem:$0x1DDF0] =	vst v63  }
0x20: {  	p0 =	sne.s32 s31, $0x2DD2;
	_ =	swait.ge [sflag:s18], $0x1870  }
.Ltmp0:
0x21: {  	[sflag:s18] =	ssyncset.done $0x0;
	(pc) =	sbr.rel @p0 .LBB2_2-.Ltmp0, $4  }
0x22: {  	[sflag:s18] =	ssyncadd.s32 $0xFFFFE790  }
0x23: {  	[spmem:s0] =	stream.linear.scatter [tilespmem:s17], [sflag:$0x4], $0x1870, $0x38;
	[tilespmem:$0x1DDF0] =	vst v63  }
0x24: {  	_ =	swait.ge [sflag:s18], $0x1870  }
0x25: {  	s31 =	smov.u32 s7;
	s0 =	sadd.s32 $0x1870, s0;
	[sflag:s18] =	ssyncset.done $0x0  }
0x26: {  	s7 =	sadd.s32 s15, s13;
	[sflag:s18] =	ssyncadd.s32 $0xFFFFE790  }
0x27: {  	[tilespmem:s17], [sflag:$0x4] =	stream.linear.gather [hbm4b:s7+s3], $0x1870, $0x38;
	[tilespmem:$0x1DDF0] =	vst v63  }
0x28: {  	_ =	swait.ge [sflag:s18], $0x1870  }
0x29: {  	[sflag:s18] =	ssyncset.done $0x0  }
0x2a: {  	[sflag:s18] =	ssyncadd.s32 $0xFFFFE790  }
0x2b: {  	[spmem:s0] =	stream.linear.scatter [tilespmem:s17], [sflag:$0x4], $0x1870, $0x38;
	[tilespmem:$0x1DDF0] =	vst v63  }
0x2c: {  	_ =	swait.ge [sflag:s18], $0x1870  }
0x2d: {  	[sflag:s18] =	ssyncset.done $0x0  }
0x2e: {  	[sflag:s18] =	ssyncadd.s32 $0xFFFFE790  }
0x2f: {  	[bflag:$0x0] =	sbarrier.arrive $0xFFFF  }
0x30: {  	s31 =	simm.s32 $0x0;
	s9 =	rddreg [dreg:$0x3]  }
0x31: {  	[tilespmem:s31], [sflag:$0x1] =	stream.linear.gather [hbm4b:s9+s31], $0x190, $0x38;
	[tilespmem:$0x1DDF0] =	vst v63  }
0x32: {  	s10 =	rddreg [dreg:$0x4]  }
0x33: {  	[tilespmem:s19], [sflag:$0x1] =	stream.linear.gather [hbm4b:s10+s31], $0x190, $0x38;
	[tilespmem:$0x1DDF0] =	vst v63  }
0x34: {  	s11 =	rddreg [dreg:$0x5]  }
0x35: {  	[tilespmem:s20], [sflag:$0x1] =	stream.linear.gather [hbm4b:s11+s31], $0x190, $0x38;
	[tilespmem:$0x1DDF0] =	vst v63  }
0x36: {  	s12 =	rddreg [dreg:$0x6]  }
0x37: {  	[tilespmem:s21], [sflag:$0x1] =	stream.linear.gather [hbm4b:s12+s31], $0x190, $0x38;
	[tilespmem:$0x1DDF0] =	vst v63  }
0x38: {  	s15 =	rddreg [dreg:$0x7]  }
0x39: {  	[tilespmem:s22], [sflag:$0x1] =	stream.linear.gather [hbm4b:s15+s31], $0x190, $0x38;
	[tilespmem:$0x1DDF0] =	vst v63  }
0x3a: {  	s1 =	simm.s32 $0x960;
	s23 =	rddreg [dreg:$0x8]  }
0x3b: {  	[tilespmem:s1], [sflag:$0x1] =	stream.linear.gather [hbm4b:s23+s31], $0x190, $0x38;
	[tilespmem:$0x1DDF0] =	vst v63  }
0x3c: {  	_ =	swait.ge [sflag:s24], $0x190  }
0x3d: {  	[sflag:s24] =	ssyncset.done $0x0  }
.Ltmp1:
0x3e: {  	[sflag:s24] =	ssyncadd.s32 $0xFFFFFE70;
	(pc) =	sbr.rel .LBB2_4-.Ltmp1, $4  }
0x3f: {  	_ =	swait.ge [sflag:s24], $0x190  }
0x40: {  	[sflag:s24] =	ssyncset.done $0x0  }
0x41: {  	s0 =	simm.s32 $0x3;
	s15 =	rddreg [dreg:$0xa];
	[sflag:s24] =	ssyncadd.s32 $0xFFFFFE70  }
0x42: {  	[tilespmem:s25], [sflag:$0x2] =	stream.indirect.gather [hbm4b:s5+s20], $0x10, s31, s20, $0xb8;
	[tilespmem:$0x1DDF0] =	vst v63  }
.LBB2_5:
0x43: {  	_ =	swait.ge [sflag:s24], $0x190  }
0x44: {  	[sflag:s24] =	ssyncset.done $0x0  }
0x45: {  	[sflag:s24] =	ssyncadd.s32 $0xFFFFFE70  }
0x46: {  	_ =	swait.ge [sflag:s24], $0x190  }
0x47: {  	[sflag:s24] =	ssyncset.done $0x0  }
0x48: {  	[sflag:s24] =	ssyncadd.s32 $0xFFFFFE70  }
0x49: {  	[tilespmem:s25], [sflag:$0x2] =	stream.indirect.gather [hbm4b:s5+s20], $0x10, s22, s20, $0xb8;
	[tilespmem:$0x1DDF0] =	vst v63  }
.LBB2_7:
0x4a: {  	s7 =	sadd.s32 $0xFFCF28E0, s15  }
0x4b: {  	s7 =	sshrl.u32 s7, $0x3  }
0x4c: {  	s23 =	sadd.s32 $0xFFFFFCE0, s15;
	s7 =	sadd.s32 s4, s7  }
0x4d: {  	[tilespmem:s3], [sflag:$0x1] =	stream.linear.gather [hbm4b:s7+s3], $0x190, $0x38;
	[tilespmem:$0x1DDF0] =	vst v63  }
0x4e: {  	s7 =	sshrl.u32 s23, $0x3  }
0x4f: {  	s7 =	sadd.s32 s4, s7  }
0x50: {  	[tilespmem:s19], [sflag:$0x1] =	stream.linear.gather [hbm4b:s7+s3], $0x190, $0x38;
	[tilespmem:$0x1DDF0] =	vst v63  }
0x51: {  	s7 =	simm.s32 @!p0 $0x2  }
0x52: {  	_ =	swait.ge @!p0 [sflag:s7], $0x1900  }
0x53: {  	s8 =	simm.s32 @!p0 $0x190;
	[sflag:s7] =	ssyncset.done @!p0 $0x0  }
0x54: {  	s9 =	simm.s32 @!p0 $0xC80;
	s23 =	simm.s32 @!p0 $0x960;
	[sflag:s7] =	ssyncadd.s32 @!p0 $0xFFFFE700  }
0x55: {  	[spmem:s2] =	stream.indirect.scatter.add.f32 @!p0 [tilespmem:s9], [sflag:$0x3], $0x10, s23, s8, $0xb8;
	[tilespmem:$0x1DDF0] =	vst v63  }
0x56: {  	s23 =	simm.s32 @!p0 $0x3  }
0x57: {  	_ =	swait.ge @!p0 [sflag:s23], $0x1900  }
0x58: {  	[sflag:s23] =	ssyncset.done @!p0 $0x0  }
0x59: {  	s10 =	simm.s32 @!p0 $0x1;
	[sflag:s23] =	ssyncadd.s32 @!p0 $0xFFFFE700  }
0x5a: {  	_ =	swait.ge @!p0 [sflag:s10], $0x190  }
0x5b: {  	[sflag:s10] =	ssyncset.done @!p0 $0x0  }
0x5c: {  	[sflag:s10] =	ssyncadd.s32 @!p0 $0xFFFFFE70  }
0x5d: {  	_ =	swait.ge @!p0 [sflag:s10], $0x190  }
0x5e: {  	[sflag:s10] =	ssyncset.done @!p0 $0x0  }
0x5f: {  	s11 =	simm.s32 @!p0 $0x4B0;
	s12 =	simm.s32 @!p0 $0x2580;
	[sflag:s10] =	ssyncadd.s32 @!p0 $0xFFFFFE70  }
0x60: {  	[tilespmem:s12], [sflag:$0x2] =	stream.indirect.gather @!p0 [hbm4b:s5+s8], $0x10, s11, s8, $0xb8;
	[tilespmem:$0x1DDF0] =	vst v63  }
0x61: {  	s11 =	sadd.s32 @!p0 $0xFFCF2A70, s15  }
0x62: {  	s11 =	sshrl.u32 @!p0 s11, $0x3  }
0x63: {  	s1 =	simm.s32 @!p0 $0x0;
	s11 =	sadd.s32 @!p0 s4, s11  }
0x64: {  	[tilespmem:s8], [sflag:$0x1] =	stream.linear.gather @!p0 [hbm4b:s11+s1], $0x190, $0x38;
	[tilespmem:$0x1DDF0] =	vst v63  }
0x65: {  	s11 =	sadd.s32 @!p0 $0xFFFFFE70, s15  }
0x66: {  	s11 =	sshrl.u32 @!p0 s11, $0x3  }
0x67: {  	s6 =	simm.s32 @!p0 $0x7D0;
	s11 =	sadd.s32 @!p0 s4, s11  }
0x68: {  	[tilespmem:s6], [sflag:$0x1] =	stream.linear.gather @!p0 [hbm4b:s11+s1], $0x190, $0x38;
	[tilespmem:$0x1DDF0] =	vst v63  }
0x69: {  	_ =	swait.ge @!p0 [sflag:s7], $0x1900  }
0x6a: {  	[sflag:s7] =	ssyncset.done @!p0 $0x0  }
0x6b: {  	s6 =	simm.s32 @!p0 $0xAF0;
	[sflag:s7] =	ssyncadd.s32 @!p0 $0xFFFFE700  }
0x6c: {  	[spmem:s2] =	stream.indirect.scatter.add.f32 @!p0 [tilespmem:s12], [sflag:$0x3], $0x10, s6, s8, $0xb8;
	[tilespmem:$0x1DDF0] =	vst v63  }
0x6d: {  	_ =	swait.ge @!p0 [sflag:s23], $0x1900  }
0x6e: {  	[sflag:s23] =	ssyncset.done @!p0 $0x0  }
0x6f: {  	[sflag:s23] =	ssyncadd.s32 @!p0 $0xFFFFE700  }
0x70: {  	_ =	swait.ge @!p0 [sflag:s10], $0x190  }
0x71: {  	[sflag:s10] =	ssyncset.done @!p0 $0x0  }
0x72: {  	[sflag:s10] =	ssyncadd.s32 @!p0 $0xFFFFFE70  }
0x73: {  	_ =	swait.ge @!p0 [sflag:s10], $0x190  }
0x74: {  	[sflag:s10] =	ssyncset.done @!p0 $0x0  }
0x75: {  	p1 =	seq.s32 @!p0 s31, $0x3D;
	[sflag:s10] =	ssyncadd.s32 @!p0 $0xFFFFFE70  }
0x76: {  	[tilespmem:s9], [sflag:$0x2] =	stream.indirect.gather @!p0 [hbm4b:s5+s8], $0x10, s1, s8, $0xb8;
	[tilespmem:$0x1DDF0] =	vst v63  }
0x77: {  	p0 =	por p1, p0  }
0x78: {  	s1 =	sadd.s32 @!p0 $0xFFCF2C00, s15  }
0x79: {  	s1 =	sshrl.u32 @!p0 s1, $0x3  }
0x7a: {  	s6 =	simm.s32 @!p0 $0x0;
	s7 =	simm.s32 @!p0 $0x320;
	s1 =	sadd.s32 @!p0 s4, s1  }
0x7b: {  	[tilespmem:s7], [sflag:$0x1] =	stream.linear.gather @!p0 [hbm4b:s1+s6], $0x190, $0x38;
	[tilespmem:$0x1DDF0] =	vst v63  }
0x7c: {  	s31 =	sadd.s32 $0x1, s31;
	s0 =	sadd.s32 $0x4, s0;
	s1 =	sshrl.u32 @!p0 s15, $0x3  }
0x7d: {  	s7 =	simm.s32 @!p0 $0x960;
	s15 =	sadd.s32 $0x640, s15;
	s1 =	sadd.s32 @!p0 s4, s1  }
0x7e: {  	[tilespmem:s7], [sflag:$0x1] =	stream.linear.gather @!p0 [hbm4b:s1+s6], $0x190, $0x38;
	[tilespmem:$0x1DDF0] =	vst v63  }
.LBB2_4:
0x7f: {  	_ =	swait.ge [sflag:s26], $0x1900  }
0x80: {  	p0 =	seq.s32 s31, $0x0;
	[sflag:s26] =	ssyncset.done $0x0  }
0x81: {  	s7 =	simm.s32 @!p0 $0x3;
	[sflag:s26] =	ssyncadd.s32 $0xFFFFE700  }
0x82: {  	[spmem:s2] =	stream.indirect.scatter.add.f32 [tilespmem:s25], [sflag:$0x3], $0x10, s19, s20, $0xb8;
	[tilespmem:$0x1DDF0] =	vst v63  }
0x83: {  	_ =	swait.ge @!p0 [sflag:s7], $0x1900  }
0x84: {  	[sflag:s7] =	ssyncset.done @!p0 $0x0  }
0x85: {  	[sflag:s7] =	ssyncadd.s32 @!p0 $0xFFFFE700  }
0x86: {  	_ =	swait.ge [sflag:s24], $0x190  }
0x87: {  	[sflag:s24] =	ssyncset.done $0x0  }
0x88: {  	[sflag:s24] =	ssyncadd.s32 $0xFFFFFE70  }
0x89: {  	p0 =	sgt.u32 s0, $0xF9;
	_ =	swait.ge [sflag:s24], $0x190  }
0x8a: {  	s7 =	sadd.s32 @!p0 $0xFFCF2750, s15;
	[sflag:s24] =	ssyncset.done $0x0  }
0x8b: {  	s7 =	sshrl.u32 @!p0 s7, $0x3;
	[sflag:s24] =	ssyncadd.s32 $0xFFFFFE70  }
0x8c: {  	[tilespmem:s28], [sflag:$0x2] =	stream.indirect.gather [hbm4b:s5+s20], $0x10, s20, s20, $0xb8;
	[tilespmem:$0x1DDF0] =	vst v63  }
0x8d: {  	s23 =	simm.s32 @!p0 $0x0;
	s8 =	simm.s32 @!p0 $0x4B0;
	s7 =	sadd.s32 @!p0 s4, s7  }
0x8e: {  	[tilespmem:s8], [sflag:$0x1] =	stream.linear.gather @!p0 [hbm4b:s7+s23], $0x190, $0x38;
	[tilespmem:$0x1DDF0] =	vst v63  }
0x8f: {  	s7 =	sadd.s32 @!p0 $0xFFFFFB50, s15  }
0x90: {  	s7 =	sshrl.u32 @!p0 s7, $0x3  }
0x91: {  	s8 =	simm.s32 @!p0 $0xAF0;
	s7 =	sadd.s32 @!p0 s4, s7  }
0x92: {  	[tilespmem:s8], [sflag:$0x1] =	stream.linear.gather @!p0 [hbm4b:s7+s23], $0x190, $0x38;
	[tilespmem:$0x1DDF0] =	vst v63  }
0x93: {  	_ =	swait.ge [sflag:s26], $0x1900  }
0x94: {  	p0 =	sgt.u32 s31, $0x3D;
	[sflag:s26] =	ssyncset.done $0x0  }
.Ltmp2:
0x95: {  	[sflag:s26] =	ssyncadd.s32 $0xFFFFE700;
	(pc) =	sbr.rel @!p0 .LBB2_5-.Ltmp2, $4  }
0x96: {  	[spmem:s2] =	stream.indirect.scatter.add.f32 [tilespmem:s28], [sflag:$0x3], $0x10, s21, s20, $0xb8;
	[tilespmem:$0x1DDF0] =	vst v63  }
0x97: {  	_ =	swait.ge [sflag:s29], $0x1900  }
0x98: {  	[sflag:s29] =	ssyncset.done $0x0  }
0x99: {  	[sflag:s29] =	ssyncadd.s32 $0xFFFFE700  }
0x9a: {  	p1 =	seq.s32 s31, $0x3E  }
.Ltmp3:
0x9b: {  	_ = 	snop;
	(pc) =	sbr.rel @!p1 .LBB2_7-.Ltmp3, $1  }
0x9c: {  	_ =	sdelay $0x3  }
0x9d: {  	_ =	swait.ge [sflag:s29], $0x1900  }
0x9e: {  	[sflag:s29] =	ssyncset.done $0x0  }
0x9f: {  	[sflag:s29] =	ssyncadd.s32 $0xFFFFE700  }
0xa0: {  	[bflag:$0x0] =	sbarrier.arrive $0xFFFF  }
0xa1: {  	[tilespmem:s17], [sflag:$0x4] =	stream.linear.gather [spmem:s14], $0x1870, $0x38;
	[tilespmem:$0x1DDF0] =	vst v63  }
0xa2: {  	_ =	swait.ge [sflag:s18], $0x1870  }
0xa3: {  	[sflag:s18] =	ssyncset.done $0x0  }
0xa4: {  	s0 =	sadd.s32 $0x0, s16;
	[sflag:s18] =	ssyncadd.s32 $0xFFFFE790  }
0xa5: {  	[hbm4b:s0+s3] =	stream.linear.scatter [tilespmem:s17], [sflag:$0x4], $0x1870, $0x38;
	[tilespmem:$0x1DDF0] =	vst v63  }
0xa6: {  	_ =	swait.ge [sflag:s18], $0x1870  }
0xa7: {  	s15 =	smov.u32 s14;
	s0 =	simm.s32 $0x30E;
	[sflag:s18] =	ssyncset.done $0x0  }
.LBB2_9:
0xa8: {  	p0 =	sne.s32 s0, $0x2DD2;
	[sflag:s18] =	ssyncadd.s32 $0xFFFFE790;
	s15 =	sadd.s32 $0x1870, s15  }
0xa9: {  	[tilespmem:s17], [sflag:$0x4] =	stream.linear.gather [spmem:s15], $0x1870, $0x38;
	[tilespmem:$0x1DDF0] =	vst v63  }
0xaa: {  	s1 =	smov.u32 s0;
	s0 =	sadd.s32 $0x30E, s0;
	_ =	swait.ge [sflag:s18], $0x1870  }
.Ltmp4:
0xab: {  	[sflag:s18] =	ssyncset.done $0x0;
	(pc) =	sbr.rel @p0 .LBB2_9-.Ltmp4, $4  }
0xac: {  	s1 =	sadd.s32 s1, s16;
	[sflag:s18] =	ssyncadd.s32 $0xFFFFE790  }
0xad: {  	[hbm4b:s1+s3] =	stream.linear.scatter [tilespmem:s17], [sflag:$0x4], $0x1870, $0x38;
	[tilespmem:$0x1DDF0] =	vst v63  }
0xae: {  	_ =	swait.ge [sflag:s18], $0x1870  }
0xaf: {  	[sflag:s18] =	ssyncset.done $0x0  }
0xb0: {  	s30 =	sadd.s32 $0x1, s30;
	s0 =	rddreg [dreg:$0x9]  }
0xb1: {  	p0 =	sne.s32 s30, s0  }
.Ltmp5:
0xb2: {  	_ = 	snop;
	(pc) =	sbr.rel @p0 .LBB2_1-.Ltmp5, $2  }
0xb3: {  	_ =	sdelay $0x2  }
0xb4: {  	[sflag:s18] =	ssyncadd.s32 $0xFFFFE790  }
0xb5: {  	_ =	sfence.sel $0x180000  }
0xb6: {  	[bflag:$0x0] =	sbarrier.arrive $0xFFFF  }
0xb7: {  	_ =	strace $0x9000004D  }
0xb8: {  	s0 =	stileid.u32;
	[bflag:$0x2] =	sbarrier.arrive $0xFFFF  }
0xb9: {  	p0 =	sne.s32 s0, $0x0;
	s0 =	rddreg [dreg:$0x2]  }
0xba: {  	s0 =	sadd.s32 @!p0 $0x100000, s0  }
0xbb: {  	[sflag:s0] =	ssyncadd.tile.s32 @!p0 $0x1;
	_ =	shalt  }
.Lfunc_end2:
_tile_overlayer_lowered:
.L_overlay_start_2:
0xbc: {  	(tag) =	ssettag $0x2  }
0xbd: {  	s0 =	rddreg [dreg:$0x0];
	s2 =	stileid.u32  }
0xbe: {  	s1 =	rddreg [dreg:$0x1];
	p0 =	sne.s32 s2, $0x0  }
0xbf: {  	s3 =	rddreg [dreg:$0x2];
	[bflag:$0x3] =	sbarrier.arrive $0xFFFF;
	s2 =	simm.s32 @!p0 $0x1C04  }
0xc0: {  	[timem:s3], [sflag:s2] =	dma.local @!p0 [hbm:s0], s1  }
0xc1: {  	s0 =	simm.s32 @!p0 $0x4  }
0xc2: {  	_ =	swait.ge @!p0 [sflag:s0], s1  }
0xc3: {  	s1 =	ssub.s32 @!p0 $0x0, s1;
	[sflag:s0] =	ssyncset.done @!p0 $0x0  }
0xc4: {  	[sflag:s0] =	ssyncadd.s32 @!p0 s1  }
0xc5: {  	[bflag:$0x3] =	sbarrier.arrive $0xFFFF  }
0xc6: {  	_ =	shalt  }

// kernel: kernel.8.cloned.1.call-start
scs
__scs_entry_jumppad:
0x0: {  	(pc) =	sbr.rel $0x88, $3  }
0x1: {  	(tag) =	ssettag $0x0;
	lr =	simm.s32 $0x1  }
0x2: {  	[smem:$0x3F98] =	sst lr;
	_ =	strace $0xD0000000  }
0x3: {  	_ = 	snop  }
0x4: {  	_ = 	snop  }
0x5: {  	_ = 	snop  }
0x6: {  	_ = 	snop  }
0x7: {  	_ = 	snop  }
__scs_overlays_trampoline_lowered:
0x8: {  	[smem:$0x3FA7] =	sst s0  }
0x9: {  	[smem:$0x3FA8] =	sst s1  }
0xa: {  	[smem:$0x3FA9] =	sst s2  }
0xb: {  	[smem:$0x3FAA] =	sst s3  }
0xc: {  	[smem:$0x3FAB] =	sst s4  }
0xd: {  	[smem:$0x3FAC] =	sst s5  }
0xe: {  	[smem:$0x3FAD] =	sst s6  }
0xf: {  	[smem:$0x3FAE] =	sst s7  }
0x10: {  	[smem:$0x3FAF] =	sst s8  }
0x11: {  	[smem:$0x3FB0] =	sst s9;
	s0 =	simm.s32 @!p0 $0x0  }
0x12: {  	s1 =	sld [smem:$0x3F96];
	s0 =	simm.s32 @p0 $0x1  }
0x13: {  	[smem:$0x3FB1] =	sst s0;
	s0 =	simm.s32 @!p1 $0x0  }
0x14: {  	s2 =	sld [smem:$0x3F95];
	s0 =	simm.s32 @p1 $0x1  }
0x15: {  	[smem:$0x3FB2] =	sst s0;
	s0 =	simm.s32 @!p2 $0x0  }
0x16: {  	s3 =	sld [smem:$0x3FDB];
	s0 =	simm.s32 @p2 $0x1  }
0x17: {  	s4 =	simm.s32 $0x1BF5;
	[smem:$0x3FB4] =	sst s0  }
0x18: {  	s0 =	sld [smem:$0x3F97];
	_ =	swait.ge [sflag:s4], $0x0  }
0x19: {  	s7 =	sld [smem:$0x3F98]  }
0x1a: {  	s8 =	sadd.s32 $0xFFFFE003, lr  }
0x1b: {  	s9 =	sadd.s32 $0xFFFFFEF7, lr;
	s5 =	simm.s32 $0xFFFFFFFF;
	p2 =	slt.u32 s8, $0xFFFFF086  }
0x1c: {  	p1 =	slt.u32 s9, $0xF7A;
	s5 =	simm.s32 @!p2 $0x0  }
0x1d: {  	s5 =	simm.s32 @p1 $0x1;
	p0 =	seq.s32 s7, s2  }
0x1e: {  	s7 =	smul.u32 @!p0 $0xF7A, s2;
	p2 =	seq.s32 @!p0 s5, $0x0  }
0x1f: {  	s9 =	smul.u32 $0xF7A, s1;
	s8 =	simm.s32 @!p0 $0x1BF5;
	p2 =	por !p2, p0  }
0x20: {  	[sflag:s8] =	ssyncset.s32 @!p0 $0xFFFFF086;
	s6 =	sadd.s32 @!p0 s3, s7;
	s7 =	simm.s32 @!p0 $0x108  }
0x21: {  	s3 =	sadd.s32 s3, s9;
	s6 =	sadd.s32 @!p0 $0x88, s6;
	s7 =	simm.s32 @p2 $0x1082  }
0x22: {  	[simem:s7], [sflag:s8] =	dma.local @!p0 [hbm:s6], $0xF7A  }
0x23: {  	s9 =	sor.u32 $0xD0000000, s2;
	s6 =	simm.s32 $0x108;
	_ =	swait.ge @!p0 [sflag:s8], $0x0  }
0x24: {  	s3 =	sadd.s32 $0x88, s3;
	s6 =	simm.s32 @!p1 $0x1082;
	[sflag:s4] =	ssyncset.s32 $0xFFFFF086  }
0x25: {  	[simem:s6], [sflag:s4] =	dma.local [hbm:s3], $0xF7A  }
0x26: {  	[smem:$0x3F98] =	sst s1;
	(tag) =	ssettag s2;
	_ =	strace s9  }
0x27: {  	s1 =	sld [smem:$0x3FA8]  }
0x28: {  	s2 =	sld [smem:$0x3FA9]  }
0x29: {  	s4 =	sld [smem:$0x3FAB]  }
0x2a: {  	p0 =	seq.s32 s5, $0x0;
	s5 =	sld [smem:$0x3FAC]  }
0x2b: {  	s6 =	sld [smem:$0x3FAD]  }
0x2c: {  	s7 =	sld [smem:$0x3FAE]  }
0x2d: {  	s3 =	simm.s32 $0x108;
	s8 =	sld [smem:$0x3FAF]  }
0x2e: {  	s3 =	simm.s32 @!p0 $0x1082;
	s9 =	sld [smem:$0x3FB0]  }
0x2f: {  	lr =	sadd.s32 s0, s3;
	s0 =	sld [smem:$0x3FA7]  }
0x30: {  	s3 =	sld [smem:$0x3FAA]  }
0x31: {  	[smem:$0x3FB3] =	sst s10  }
0x32: {  	s10 =	sld [smem:$0x3FB1];
	_ =	sdelay $0x3  }
0x33: {  	p0 =	seq.s32 s10, $0x1;
	s10 =	sld [smem:$0x3FB3];
	_ =	sdelay $0x3  }
0x34: {  	[smem:$0x3FB3] =	sst s10  }
0x35: {  	s10 =	sld [smem:$0x3FB2];
	_ =	sdelay $0x3  }
0x36: {  	p1 =	seq.s32 s10, $0x1;
	s10 =	sld [smem:$0x3FB3];
	_ =	sdelay $0x3  }
0x37: {  	[smem:$0x3FB3] =	sst s10  }
0x38: {  	s10 =	sld [smem:$0x3FB4]  }
0x39: {  	_ = 	snop;
	(pc) =	sbr.ind lr, $3  }
0x3a: {  	_ = 	snop  }
0x3b: {  	_ = 	snop  }
0x3c: {  	p2 =	seq.s32 s10, $0x1;
	s10 =	sld [smem:$0x3FB3]  }
0x3d: {  	_ =	shalt  }
0x3e: {  	_ =	shalt  }
0x3f: {  	_ =	shalt  }
0x40: {  	_ =	shalt  }
0x41: {  	_ =	shalt  }
0x42: {  	_ =	shalt  }
0x43: {  	_ =	shalt  }
0x44: {  	_ =	shalt  }
0x45: {  	_ =	shalt  }
0x46: {  	_ =	shalt  }
0x47: {  	_ =	shalt  }
0x48: {  	_ =	shalt  }
0x49: {  	_ =	shalt  }
0x4a: {  	_ =	shalt  }
0x4b: {  	_ =	shalt  }
0x4c: {  	_ =	shalt  }
0x4d: {  	_ =	shalt  }
0x4e: {  	_ =	shalt  }
0x4f: {  	_ =	shalt  }
0x50: {  	_ =	shalt  }
0x51: {  	_ =	shalt  }
0x52: {  	_ =	shalt  }
0x53: {  	_ =	shalt  }
0x54: {  	_ =	shalt  }
0x55: {  	_ =	shalt  }
0x56: {  	_ =	shalt  }
0x57: {  	_ =	shalt  }
0x58: {  	_ =	shalt  }
0x59: {  	_ =	shalt  }
0x5a: {  	_ =	shalt  }
0x5b: {  	_ =	shalt  }
0x5c: {  	_ =	shalt  }
0x5d: {  	_ =	shalt  }
0x5e: {  	_ =	shalt  }
0x5f: {  	_ =	shalt  }
0x60: {  	_ =	shalt  }
0x61: {  	_ =	shalt  }
0x62: {  	_ =	shalt  }
0x63: {  	_ =	shalt  }
0x64: {  	_ =	shalt  }
0x65: {  	_ =	shalt  }
0x66: {  	_ =	shalt  }
0x67: {  	_ =	shalt  }
0x68: {  	_ =	shalt  }
0x69: {  	_ =	shalt  }
0x6a: {  	_ =	shalt  }
0x6b: {  	_ =	shalt  }
0x6c: {  	_ =	shalt  }
0x6d: {  	_ =	shalt  }
0x6e: {  	_ =	shalt  }
0x6f: {  	_ =	shalt  }
0x70: {  	_ =	shalt  }
0x71: {  	_ =	shalt  }
0x72: {  	_ =	shalt  }
0x73: {  	_ =	shalt  }
0x74: {  	_ =	shalt  }
0x75: {  	_ =	shalt  }
0x76: {  	_ =	shalt  }
0x77: {  	_ =	shalt  }
0x78: {  	_ =	shalt  }
0x79: {  	_ =	shalt  }
0x7a: {  	_ =	shalt  }
0x7b: {  	_ =	shalt  }
0x7c: {  	_ =	shalt  }
0x7d: {  	_ =	shalt  }
0x7e: {  	_ =	shalt  }
0x7f: {  	_ =	shalt  }
0x80: {  	_ =	shalt  }
0x81: {  	_ =	shalt  }
0x82: {  	_ =	shalt  }
0x83: {  	_ =	shalt  }
0x84: {  	_ =	shalt  }
0x85: {  	_ =	shalt  }
0x86: {  	_ =	shalt  }
0x87: {  	_ =	shalt  }
.Lfunc_end0:
.L_simem_size_0:
called_computation_lowered:
.L_overlay_start_0:
0x88: {  	s2 =	sld [smem:$0x3FD9]  }
0x89: {  	s3 =	sld [smem:$0x3FFE];
	_ =	sdelay $0x1  }
0x8a: {  	s1 =	srdreg.scid  }
0x8b: {  	s0 =	sand.u32 $0x1, s1  }
0x8c: {  	s16 =	sshll.u32 s0, $0xA;
	s2 =	sadd.s32 s3, s2  }
0x8d: {  	s2 =	sadd.s32 s2, s16  }
0x8e: {  	[smem:$0x3FBF] =	sst s2  }
0x8f: {  	_ = 	snop  }
0x90: {  	(tm) =	ssettm $0x1  }
0x91: {  	s17 =	sld [smem:$0x3FFB];
	_ =	sdelay $0x3  }
0x92: {  	_ =	strace s17  }
0x93: {  	s2 =	sld [smem:$0x3FFC];
	_ =	sdelay $0x3  }
0x94: {  	_ =	strace s2  }
0x95: {  	s2 =	sld [smem:$0x3FFD];
	_ =	sdelay $0x3  }
0x96: {  	_ =	strace s2  }
0x97: {  	_ =	strace $0x8FFFFFFF  }
0x98: {  	s18 =	sld [smem:$0x3FDB];
	_ =	sdelay $0x1  }
0x99: {  	s19 =	simm.s32 $_scs_section_size  }
0x9a: {  	s4 =	simm.s32 $_size__tile_overlayer_lowered;
	s5 =	simm.s32 $_tile_overlayer_lowered  }
0x9b: {  	s22 =	simm.s32 $0x1BFF;
	s21 =	sshll.u32 s5, $0x1;
	s2 =	sadd.s32 s19, s18  }
0x9c: {  	s6 =	simm.s32 $0x0;
	s20 =	sshll.u32 s4, $0x1;
	s4 =	sadd.s32 s21, s2  }
0x9d: {  	[timem:s6], [sflag:s22] =	dma.local [hbm:s4], s20  }
0x9e: {  	_ =	swait.ge [sflag:s22], s20  }
0x9f: {  	s3 =	ssub.s32 $0x0, s20;
	[sflag:s22] =	ssyncset.done $0x0  }
0xa0: {  	[sflag:s22] =	ssyncadd.s32 s3;
	_ =	sdelay $0x1  }
0xa1: {  	s23 =	simm.s32 $0x1B8B  }
0xa2: {  	_ =	swait.ge [sflag:s23], $0x1  }
0xa3: {  	[sflag:s23] =	ssyncset.done $0x0  }
0xa4: {  	s25 =	simm.s32 $0x1B8E;
	s24 =	sld [smem:$0x3FFE];
	[sflag:s23] =	ssyncadd.s32 $0xFFFFFFFF  }
0xa5: {  	s26 =	simm.s32 $execute0_lowered;
	[smem:$0x3FD2] =	sst s25  }
0xa6: {  	s4 =	sshll.u32 s26, $0x1;
	_ =	strace $0x80000046;
	[dreg:$0x1] =	wrdreg $0xFFFFFFFF  }
0xa7: {  	s28 =	simm.s32 $_size_execute0_lowered;
	s2 =	sadd.s32 s2, s4;
	[dreg:$0x0] =	wrdreg $0x0  }
0xa8: {  	s4 =	sshll.u32 s28, $0x1;
	[dreg:$0x2] =	wrdreg s2  }
0xa9: {  	[dreg:$0x3] =	wrdreg s4  }
0xaa: {  	[dreg:$0x4] =	wrdreg $0xC0  }
0xab: {  	_ =	task [dreg:s6], $0x5FFFF  }
0xac: {  	[dreg:$0x1] =	wrdreg $0xFFFFFFFF  }
0xad: {  	[dreg:$0x0] =	wrdreg $0x60  }
0xae: {  	[dreg:$0x2] =	wrdreg s24  }
0xaf: {  	[dreg:$0x3] =	wrdreg $0x2FE00  }
0xb0: {  	[dreg:$0x4] =	wrdreg $0x9  }
0xb1: {  	_ =	task.clear_ibuf [dreg:s6], $0x5FFFF;
	_ =	strace $0x90000046  }
0xb2: {  	s29 =	simm.s32 $0x9;
	_ =	strace $0x80000048  }
0xb3: {  	_ =	swait.ge [sflag:s29], $0x1  }
0xb4: {  	[sflag:s29] =	ssyncadd.s32 $0xFFFFFFFF  }
0xb5: {  	_ =	strace $0x90000048  }
0xb6: {  	_ =	sfence  }
0xb7: {  	s30 =	sld [smem:$0x0];
	_ =	sdelay $0x2  }
0xb8: {  	s31 =	sshll.u32 s1, $0xD;
	s1 =	sshrl.u32 s1, $0x2  }
0xb9: {  	s3 =	sand.u32 $0x4000, s31;
	s1 =	sadd.s32 s1, s30  }
0xba: {  	s0 =	sor.u32 s3, s0;
	s1 =	sshll.u32 s1, $0x11  }
0xbb: {  	s0 =	sor.u32 s1, s0  }
0xbc: {  	s0 =	sadd.s32 $0x8F2B, s0  }
0xbd: {  	[sflag:s0] =	ssyncadd.remote.s32 $0x1  }
0xbe: {  	_ =	sfence.sel $0xFFFF  }
0xbf: {  	[dreg:$0x0] =	wrdreg $0xFFFFFFFF;
	(pc) =	sbr.abs _section_cstart, $3  }
0xc0: {  	[dreg:$0x1] =	wrdreg $0xFFFFFFFF  }
0xc1: {  	_ =	task.clear_ibuf [dreg:s6], $0x2FFFF;
	_ =	strace $0x9FFFFFFF  }
0xc2: {  	(tm) =	ssettm $0x7FFFFFFF  }
0xc3: {  	_ =	shalt  }
tec
execute0_lowered:
.L_overlay_start_1:
0x0: {  	(tag) =	ssettag $0x1  }
0x1: {  	s5 =	rddreg [dreg:$0x0]  }
0x2: {  	s2 =	rddreg [dreg:$0x1]  }
0x3: {  	s0 =	rddreg [dreg:$0x2];
	s3 =	simm.s32 $0x0;
	s1 =	stileid.u32  }
0x4: {  	s4 =	srdreg.scid;
	s15 =	simm.s32 $0xFA0;
	s16 =	simm.s32 $0x7D0  }
0x5: {  	s17 =	simm.s32 $0x1;
	s18 =	simm.s32 $0x0;
	s8 =	smul.u32 $0x1870, s1  }
0x6: {  	[smem:$0x7FF] =	sst s3;
	s6 =	sand.u32 $0x1, s4;
	s11 =	smul.u32 $0x30D40, s1  }
0x7: {  	s12 =	sadd.s32 $0x1E00, s5;
	s9 =	sshll.u32 s1, $0x1;
	s4 =	smul.u32 $0x18700, s6  }
0x8: {  	_ =	strace $0x80000047;
	s9 =	sor.u32 s6, s9;
	s14 =	smul.u32 $0x186A0, s6  }
0x9: {  	s29 =	ssub.s32 $0x2, s6;
	s7 =	sshrl.u32 s8, $0x3;
	s9 =	smul.u32 $0x186A0, s9  }
0xa: {  	s13 =	sshrl.u32 s29, $0x1;
	s7 =	sadd.s32 s7, s5;
	s10 =	sadd.s32 s8, s4  }
0xb: {  	s4 =	sadd.s32 $0xC8600, s5;
	s13 =	ssub.s32 s29, s13;
	s31 =	sadd.s32 s14, s11  }
0xc: {  	s8 =	sadd.s32 s8, s2;
	s10 =	sshrl.u32 s10, $0x3;
	s9 =	sshrl.u32 s9, $0x3  }
0xd: {  	s11 =	sadd.s32 $0x30EB70, s31;
	s14 =	sadd.s32 $0x30E3A0, s31;
	s10 =	sadd.s32 s10, s5  }
0xe: {  	s5 =	sadd.s32 $0xC5400, s7;
	s30 =	sadd.s32 s12, s9;
	s11 =	sshrl.u32 s11, $0x3  }
0xf: {  	s14 =	sshrl.u32 s14, $0x3;
	s6 =	sadd.s32 $0x61A80, s30;
	s7 =	sadd.s32 $0x61B7A, s30  }
0x10: {  	s9 =	sadd.s32 $0xC8800, s10;
	s10 =	smax.u32 s13, $0x1;
	s11 =	sadd.s32 s11, s12  }
0x11: {  	s12 =	sadd.s32 s14, s12;
	s13 =	simm.s32 $0x1770;
	s14 =	simm.s32 $0x2  }
.LBB2_1:
0x12: {  	[tilespmem:s13], [sflag:$0x2] =	stream.linear.gather [hbm4b:s5+s3], $0x1870, $0x38;
	[tilespmem:$0x4850] =	vst v63  }
0x13: {  	_ =	swait.ge [sflag:s14], $0x1870  }
0x14: {  	[sflag:s14] =	ssyncset.done $0x0  }
0x15: {  	[sflag:s14] =	ssyncadd.s32 $0xFFFFE790  }
0x16: {  	[spmem:s8] =	stream.linear.scatter [tilespmem:s13], [sflag:$0x2], $0x1870, $0x38;
	[tilespmem:$0x4850] =	vst v63  }
0x17: {  	_ =	swait.ge [sflag:s14], $0x1870  }
0x18: {  	[sflag:s14] =	ssyncset.done $0x0  }
0x19: {  	[sflag:s14] =	ssyncadd.s32 $0xFFFFE790  }
0x1a: {  	[tilespmem:s15], [sflag:$0x2] =	stream.linear.gather [hbm4b:s4+s3], $0x7D0, $0x38;
	[tilespmem:$0x4850] =	vst v63  }
0x1b: {  	_ =	swait.ge [sflag:s14], $0x7D0  }
0x1c: {  	[sflag:s14] =	ssyncset.done $0x0  }
0x1d: {  	[sflag:s14] =	ssyncadd.s32 $0xFFFFF830  }
0x1e: {  	[bflag:$0x0] =	sbarrier.arrive $0xFFFF  }
0x1f: {  	[tilespmem:s3], [sflag:$0x1] =	stream.linear.gather [hbm4b:s6+s3], $0x7D0, $0x38;
	[tilespmem:$0x4850] =	vst v63  }
0x20: {  	_ = 	snop  }
0x21: {  	[tilespmem:s16], [sflag:$0x1] =	stream.linear.gather [hbm4b:s7+s3], $0x7D0, $0x38;
	[tilespmem:$0x4850] =	vst v63  }
0x22: {  	_ =	swait.ge [sflag:s17], $0x7D0  }
0x23: {  	[sflag:s17] =	ssyncset.done $0x0  }
0x24: {  	[sflag:s17] =	ssyncadd.s32 $0xFFFFF830  }
0x25: {  	[spmem:s2] =	stream.indirect.scatter.add.f32 [tilespmem:s15], [sflag:$0x2], $0x1, s3, s16, $0xb8;
	[tilespmem:$0x4850] =	vst v63  }
0x26: {  	_ =	swait.ge [sflag:s14], $0x7D0  }
0x27: {  	[sflag:s14] =	ssyncset.done $0x0  }
0x28: {  	s19 =	sadd.s32 $0x0, s12;
	[sflag:s14] =	ssyncadd.s32 $0xFFFFF830  }
0x29: {  	[tilespmem:s3], [sflag:$0x1] =	stream.linear.gather [hbm4b:s19+s3], $0x7D0, $0x38;
	[tilespmem:$0x4850] =	vst v63  }
0x2a: {  	_ =	swait.ge [sflag:s17], $0x7D0  }
0x2b: {  	[sflag:s17] =	ssyncset.done $0x0  }
0x2c: {  	[sflag:s17] =	ssyncadd.s32 $0xFFFFF830  }
0x2d: {  	[spmem:s2] =	stream.indirect.scatter.add.f32 [tilespmem:s15], [sflag:$0x2], $0x1, s16, s16, $0xb8;
	[tilespmem:$0x4850] =	vst v63  }
0x2e: {  	_ =	swait.ge [sflag:s14], $0x7D0  }
0x2f: {  	[sflag:s14] =	ssyncset.done $0x0  }
0x30: {  	s20 =	sadd.s32 $0x0, s11;
	s19 =	simm.s32 $0x1F4;
	[sflag:s14] =	ssyncadd.s32 $0xFFFFF830  }
.LBB2_2:
0x31: {  	[tilespmem:s16], [sflag:$0x1] =	stream.linear.gather [hbm4b:s20+s3], $0x7D0, $0x38;
	[tilespmem:$0x4850] =	vst v63  }
0x32: {  	s20 =	smov.u32 s19  }
0x33: {  	p0 =	sne.s32 s19, $0x2CEC;
	s19 =	sadd.s32 $0x1F4, s19;
	_ =	swait.ge [sflag:s17], $0x7D0  }
0x34: {  	[sflag:s17] =	ssyncset.done $0x0  }
0x35: {  	[sflag:s17] =	ssyncadd.s32 $0xFFFFF830  }
0x36: {  	[spmem:s2] =	stream.indirect.scatter.add.f32 [tilespmem:s15], [sflag:$0x2], $0x1, s3, s16, $0xb8;
	[tilespmem:$0x4850] =	vst v63  }
0x37: {  	_ =	swait.ge [sflag:s14], $0x7D0  }
0x38: {  	[sflag:s14] =	ssyncset.done $0x0  }
0x39: {  	s21 =	sadd.s32 s20, s12;
	[sflag:s14] =	ssyncadd.s32 $0xFFFFF830  }
0x3a: {  	[tilespmem:s3], [sflag:$0x1] =	stream.linear.gather [hbm4b:s21+s3], $0x7D0, $0x38;
	[tilespmem:$0x4850] =	vst v63  }
0x3b: {  	_ =	swait.ge [sflag:s17], $0x7D0  }
0x3c: {  	[sflag:s17] =	ssyncset.done $0x0  }
.Ltmp0:
0x3d: {  	[sflag:s17] =	ssyncadd.s32 $0xFFFFF830;
	(pc) =	sbr.rel @p0 .LBB2_2-.Ltmp0, $4  }
0x3e: {  	[spmem:s2] =	stream.indirect.scatter.add.f32 [tilespmem:s15], [sflag:$0x2], $0x1, s16, s16, $0xb8;
	[tilespmem:$0x4850] =	vst v63  }
0x3f: {  	_ =	swait.ge [sflag:s14], $0x7D0  }
0x40: {  	[sflag:s14] =	ssyncset.done $0x0  }
0x41: {  	s20 =	sadd.s32 s20, s11;
	[sflag:s14] =	ssyncadd.s32 $0xFFFFF830  }
0x42: {  	[tilespmem:s16], [sflag:$0x1] =	stream.linear.gather [hbm4b:s20+s3], $0x7D0, $0x38;
	[tilespmem:$0x4850] =	vst v63  }
0x43: {  	_ =	swait.ge [sflag:s17], $0x7D0  }
0x44: {  	[sflag:s17] =	ssyncset.done $0x0  }
0x45: {  	[sflag:s17] =	ssyncadd.s32 $0xFFFFF830  }
0x46: {  	[spmem:s2] =	stream.indirect.scatter.add.f32 [tilespmem:s15], [sflag:$0x2], $0x1, s3, s16, $0xb8;
	[tilespmem:$0x4850] =	vst v63  }
0x47: {  	_ =	swait.ge [sflag:s14], $0x7D0  }
0x48: {  	[sflag:s14] =	ssyncset.done $0x0  }
0x49: {  	[sflag:s14] =	ssyncadd.s32 $0xFFFFF830  }
0x4a: {  	_ =	swait.ge [sflag:s17], $0x7D0  }
0x4b: {  	[sflag:s17] =	ssyncset.done $0x0  }
0x4c: {  	[sflag:s17] =	ssyncadd.s32 $0xFFFFF830  }
0x4d: {  	[spmem:s2] =	stream.indirect.scatter.add.f32 [tilespmem:s15], [sflag:$0x2], $0x1, s16, s16, $0xb8;
	[tilespmem:$0x4850] =	vst v63  }
0x4e: {  	_ =	swait.ge [sflag:s14], $0x7D0  }
0x4f: {  	[sflag:s14] =	ssyncset.done $0x0  }
0x50: {  	[sflag:s14] =	ssyncadd.s32 $0xFFFFF830  }
0x51: {  	[bflag:$0x0] =	sbarrier.arrive $0xFFFF  }
0x52: {  	[tilespmem:s13], [sflag:$0x2] =	stream.linear.gather [spmem:s8], $0x1870, $0x38;
	[tilespmem:$0x4850] =	vst v63  }
0x53: {  	s18 =	sadd.s32 $0x1, s18;
	_ =	swait.ge [sflag:s14], $0x1870  }
0x54: {  	p0 =	sne.s32 s18, s10;
	[sflag:s14] =	ssyncset.done $0x0  }
.Ltmp1:
0x55: {  	[sflag:s14] =	ssyncadd.s32 $0xFFFFE790;
	(pc) =	sbr.rel @p0 .LBB2_1-.Ltmp1, $4  }
0x56: {  	[hbm4b:s9+s3] =	stream.linear.scatter [tilespmem:s13], [sflag:$0x2], $0x1870, $0x38;
	[tilespmem:$0x4850] =	vst v63  }
0x57: {  	_ =	swait.ge [sflag:s14], $0x1870  }
0x58: {  	[sflag:s14] =	ssyncset.done $0x0  }
0x59: {  	[sflag:s14] =	ssyncadd.s32 $0xFFFFE790  }
0x5a: {  	_ =	sfence.sel $0x180000  }
0x5b: {  	[bflag:$0x0] =	sbarrier.arrive $0xFFFF  }
0x5c: {  	p0 =	sne.s32 s1, $0x0;
	_ =	strace $0x90000047  }
0x5d: {  	s0 =	sadd.s32 @!p0 $0x100000, s0;
	[bflag:$0x2] =	sbarrier.arrive $0xFFFF  }
0x5e: {  	[sflag:s0] =	ssyncadd.tile.s32 @!p0 $0x1;
	_ =	shalt  }
.Lfunc_end2:
_tile_overlayer_lowered:
.L_overlay_start_2:
0x5f: {  	(tag) =	ssettag $0x2  }
0x60: {  	s0 =	rddreg [dreg:$0x0];
	s2 =	stileid.u32  }
0x61: {  	s1 =	rddreg [dreg:$0x1];
	p0 =	sne.s32 s2, $0x0  }
0x62: {  	s3 =	rddreg [dreg:$0x2];
	[bflag:$0x3] =	sbarrier.arrive $0xFFFF;
	s2 =	simm.s32 @!p0 $0x1C02  }
0x63: {  	[timem:s3], [sflag:s2] =	dma.local @!p0 [hbm:s0], s1  }
0x64: {  	s0 =	simm.s32 @!p0 $0x2  }
0x65: {  	_ =	swait.ge @!p0 [sflag:s0], s1  }
0x66: {  	s1 =	ssub.s32 @!p0 $0x0, s1;
	[sflag:s0] =	ssyncset.done @!p0 $0x0  }
0x67: {  	[sflag:s0] =	ssyncadd.s32 @!p0 s1  }
0x68: {  	[bflag:$0x3] =	sbarrier.arrive $0xFFFF  }
0x69: {  	_ =	shalt  }

</sc_bundles>
